<compile_context>
chip_gen: v7x
topology: tpu7x:2x2x1
jax: 0.10.2.dev20260603
libtpu: 0.0.44.dev20260713+nightly
codegen_flags: <defaults>
</compile_context>

<pallas_src>
import jax
import jax.numpy as jnp
from jax import lax
from jax.experimental import pallas as pl
from jax.experimental.pallas import tpu as pltpu
from jax.experimental.pallas import tpu_sc as plsc

B, M, V = 16, 65536, 64
NC, NS, L = 2, 16, 16
TC_ROWS = 32768
SC_HALF = (M - TC_ROWS) // 2
CH = 128
NBUF = 4
NCH = SC_HALF // CH
BLK = 16384


def _sc_body(w_hbm, mem_hbm, out_hbm, mem_buf0, mem_buf1, mem_buf2, mem_buf3,
             w_all, acc_vmem, sem_m0, sem_m1, sem_m2, sem_m3, sem_w):
  b = lax.axis_index("s")
  h = lax.axis_index("c")
  base = TC_ROWS + h * SC_HALF

  mem_bufs = (mem_buf0, mem_buf1, mem_buf2, mem_buf3)
  sems_m = (sem_m0, sem_m1, sem_m2, sem_m3)

  cw = pltpu.make_async_copy(w_hbm.at[b, pl.ds(base, SC_HALF)], w_all, sem_w)
  cw.start()

  def mk_copy(i, slot):
    start = base + i * CH
    return pltpu.make_async_copy(
        mem_hbm.at[b, pl.ds(start, CH), :], mem_bufs[slot], sems_m[slot])

  for slot in range(NBUF):
    mk_copy(slot, slot).start()

  cw.wait()

  dnums = lax.GatherDimensionNumbers(
      offset_dims=(), collapsed_slice_dims=(0,), start_index_map=(0,))

  def lane_bcast(vec, rr):
    idx = jnp.full((L, 1), rr, jnp.int32)
    return lax.gather(vec, idx, dnums, (1,),
                      mode=lax.GatherScatterMode.PROMISE_IN_BOUNDS)

  def compute_chunk(i, mem_buf, acc):
    def row_body(g, acc):
      acc = list(acc)
      w_vec = w_all[pl.ds(i * CH + g * L, L)]
      for rr in range(L):
        bank = 4 * (rr % 2)
        wb = lane_bcast(w_vec, rr)
        for j in range(4):
          acc[bank + j] = (acc[bank + j]
                           + wb * mem_buf[g * L + rr, pl.ds(j * L, L)])
      return tuple(acc)
    return lax.fori_loop(0, CH // L, row_body, acc)

  zero = jnp.zeros((L,), jnp.float32)
  acc = (zero,) * 8

  def chunk_body(k, acc):
    for slot in range(NBUF):
      i = k * NBUF + slot
      mk_copy(i, slot).wait()
      acc = compute_chunk(i, mem_bufs[slot], acc)

      @pl.when(i + NBUF < NCH)
      def _():
        mk_copy(i + NBUF, slot).start()
    return acc

  acc = lax.fori_loop(0, NCH // NBUF, chunk_body, acc)

  for j in range(4):
    acc_vmem[pl.ds(j * L, L)] = acc[j] + acc[4 + j]
  pltpu.sync_copy(acc_vmem, out_hbm.at[h, b, :])


def _sc_matvec(w, memory):
  mesh = plsc.VectorSubcoreMesh(
      core_axis_name="c", subcore_axis_name="s", num_cores=NC, num_subcores=NS)
  return pl.kernel(
      _sc_body,
      out_type=jax.ShapeDtypeStruct((2, B, V), jnp.float32),
      mesh=mesh,
      scratch_types=[
          pltpu.VMEM((CH, V), jnp.float32),
          pltpu.VMEM((CH, V), jnp.float32),
          pltpu.VMEM((CH, V), jnp.float32),
          pltpu.VMEM((CH, V), jnp.float32),
          pltpu.VMEM((SC_HALF,), jnp.float32),
          pltpu.VMEM((V,), jnp.float32),
          pltpu.SemaphoreType.DMA,
          pltpu.SemaphoreType.DMA,
          pltpu.SemaphoreType.DMA,
          pltpu.SemaphoreType.DMA,
          pltpu.SemaphoreType.DMA,
      ],
      compiler_params=pltpu.CompilerParams(needs_layout_passes=False),
  )(w, memory)


def _tc_body(w_ref, m_ref, o_ref):
  k = pl.program_id(1)

  @pl.when(k == 0)
  def _():
    o_ref[...] = jnp.zeros_like(o_ref)

  o_ref[...] += jnp.dot(w_ref[0, 0], m_ref[0],
                        preferred_element_type=jnp.float32)[None, None]


def _tc_matvec(w, memory):
  nk = TC_ROWS // BLK
  w3 = w[:, :TC_ROWS].reshape(B * nk, 1, BLK)
  out = pl.pallas_call(
      _tc_body,
      grid=(B, nk),
      in_specs=[
          pl.BlockSpec((1, 1, BLK), lambda b, k: (b * nk + k, 0, 0)),
          pl.BlockSpec((1, BLK, V), lambda b, k: (b, k, 0)),
      ],
      out_specs=pl.BlockSpec((1, 1, V), lambda b, k: (b, 0, 0)),
      out_shape=jax.ShapeDtypeStruct((B, 1, V), jnp.float32),
      compiler_params=pltpu.CompilerParams(
          dimension_semantics=("parallel", "arbitrary")),
  )(w3, memory)
  return out[:, 0]


@jax.jit
def kernel(w, memory):
  sc_part = _sc_matvec(w, memory)
  tc_part = _tc_matvec(w, memory)
  out = tc_part + sc_part[0] + sc_part[1]
  return out[:, None, None, :]

# --- scband reference (transcript-rebuilt; emitter-appended) ---
"""Pipeline reference for scband-value-memory-3822520893832 (READ-ONLY COPY).

The authoritative reference and input builder live on the scoring server;
editing this copy changes nothing except your own understanding.
"""

import jax, jax.numpy as jnp
import numpy as np

B, M, V = 16, 65536, 64

def setup_inputs(seed: int = 0) -> dict:
    key = jax.random.key(seed)
    k1, k2 = jax.random.split(key)
    stdev = 1.0 / np.sqrt(M + V)
    # learned/buffer memory, initialized uniform(-stdev, stdev) as in the torch module
    memory = jax.random.uniform(k1, (B, M, V), minval=-stdev, maxval=stdev, dtype=jnp.float32)
    w = jax.random.normal(k2, (B, M), dtype=jnp.float32)
    return {"w": w, "memory": memory}

def reference(w, memory):
    # ValueMemory.read: torch.matmul(w.unsqueeze(1), self.memory).unsqueeze(1)
    # w: (B, M) -> (B, 1, M); memory: (B, M, V) -> out (B, 1, V) -> (B, 1, 1, V)
    out = jnp.matmul(w[:, None, :], memory)
    return out[:, None]

if __name__ == "__main__":
    import jax
    _d = setup_inputs()
    print(jax.jit(kernel)(*tuple(_d.values())))

</pallas_src>

<mosaic_0001>
#map = affine_map<(d0, d1) -> (0, 0)>
#map1 = affine_map<(d0, d1) -> (0, 0, 0)>
module attributes {stable_mosaic.version = 14 : i64} {
  func.func @_sc_body(%arg0: i32, %arg1: i32, %arg2: memref<16x65536xf32, #tpu.memory_space<hbm>>, %arg3: memref<16x65536x64xf32, #tpu.memory_space<hbm>>, %arg4: memref<2x16x64xf32, #tpu.memory_space<hbm>>, %arg5: memref<128x64xf32, #tpu.memory_space<vmem>>, %arg6: memref<128x64xf32, #tpu.memory_space<vmem>>, %arg7: memref<128x64xf32, #tpu.memory_space<vmem>>, %arg8: memref<128x64xf32, #tpu.memory_space<vmem>>, %arg9: memref<16384xf32, #tpu.memory_space<vmem>>, %arg10: memref<64xf32, #tpu.memory_space<vmem>>, %arg11: memref<!tpu.dma_semaphore, #tpu.memory_space<semaphore_mem>>, %arg12: memref<!tpu.dma_semaphore, #tpu.memory_space<semaphore_mem>>, %arg13: memref<!tpu.dma_semaphore, #tpu.memory_space<semaphore_mem>>, %arg14: memref<!tpu.dma_semaphore, #tpu.memory_space<semaphore_mem>>, %arg15: memref<!tpu.dma_semaphore, #tpu.memory_space<semaphore_mem>>) attributes {dimension_semantics = [#tpu.dimension_semantics<core_parallel>, #tpu.dimension_semantics<subcore_parallel>], iteration_bounds = array<i64: 2, 16>, scalar_prefetch = 0 : i64, scratch_operands = 11 : i64, tpu.core_type = #tpu.core_type<sc_vector_subcore>, window_params = [{transform_indices = #map}, {transform_indices = #map1}, {transform_indices = #map1}]} {
    %mul3A = arith.constant 16384 : i32
    %mul3A_0 = arith.muli %arg0, %mul3A : i32
    %add3A = arith.constant 32768 : i32
    %add3A_1 = arith.addi %add3A, %mul3A_0 : i32
    %dma_start3A = tpu.memref_slice %arg2[%arg1, %add3A_1] : memref<16x65536xf32, #tpu.memory_space<hbm>> -> memref<1x16384xf32, #tpu.memory_space<hbm>>
    %dma_start3A_2 = tpu.memref_squeeze %dma_start3A : memref<1x16384xf32, #tpu.memory_space<hbm>> -> memref<16384xf32, #tpu.memory_space<hbm>>
    %dma_start3A_3 = tpu.memref_slice %arg2[%arg1, %add3A_1] : memref<16x65536xf32, #tpu.memory_space<hbm>> -> memref<1x16384xf32, #tpu.memory_space<hbm>>
    %dma_start3A_4 = tpu.memref_squeeze %dma_start3A_3 : memref<1x16384xf32, #tpu.memory_space<hbm>> -> memref<16384xf32, #tpu.memory_space<hbm>>
    tpu.enqueue_dma source(%dma_start3A_4 : memref<16384xf32, #tpu.memory_space<hbm>>) target(%arg9 : memref<16384xf32, #tpu.memory_space<vmem>>) target_semaphore(%arg15 : memref<!tpu.dma_semaphore, #tpu.memory_space<semaphore_mem>>)
    %add3A_5 = arith.constant 0 : i32
    %add3A_6 = arith.addi %add3A_1, %add3A_5 : i32
    %dma_start3A_7 = arith.constant 0 : i32
    %dma_start3A_8 = tpu.memref_slice %arg3[%arg1, %add3A_6, %dma_start3A_7] : memref<16x65536x64xf32, #tpu.memory_space<hbm>> -> memref<1x128x64xf32, #tpu.memory_space<hbm>>
    %dma_start3A_9 = tpu.memref_squeeze %dma_start3A_8 : memref<1x128x64xf32, #tpu.memory_space<hbm>> -> memref<128x64xf32, #tpu.memory_space<hbm>>
    %dma_start3A_10 = arith.constant 0 : i32
    %dma_start3A_11 = tpu.memref_slice %arg3[%arg1, %add3A_6, %dma_start3A_10] : memref<16x65536x64xf32, #tpu.memory_space<hbm>> -> memref<1x128x64xf32, #tpu.memory_space<hbm>>
    %dma_start3A_12 = tpu.memref_squeeze %dma_start3A_11 : memref<1x128x64xf32, #tpu.memory_space<hbm>> -> memref<128x64xf32, #tpu.memory_space<hbm>>
    tpu.enqueue_dma source(%dma_start3A_12 : memref<128x64xf32, #tpu.memory_space<hbm>>) target(%arg5 : memref<128x64xf32, #tpu.memory_space<vmem>>) target_semaphore(%arg11 : memref<!tpu.dma_semaphore, #tpu.memory_space<semaphore_mem>>)
    %add3A_13 = arith.constant 128 : i32
    %add3A_14 = arith.addi %add3A_1, %add3A_13 : i32
    %dma_start3A_15 = arith.constant 0 : i32
    %dma_start3A_16 = tpu.memref_slice %arg3[%arg1, %add3A_14, %dma_start3A_15] : memref<16x65536x64xf32, #tpu.memory_space<hbm>> -> memref<1x128x64xf32, #tpu.memory_space<hbm>>
    %dma_start3A_17 = tpu.memref_squeeze %dma_start3A_16 : memref<1x128x64xf32, #tpu.memory_space<hbm>> -> memref<128x64xf32, #tpu.memory_space<hbm>>
    %dma_start3A_18 = arith.constant 0 : i32
    %dma_start3A_19 = tpu.memref_slice %arg3[%arg1, %add3A_14, %dma_start3A_18] : memref<16x65536x64xf32, #tpu.memory_space<hbm>> -> memref<1x128x64xf32, #tpu.memory_space<hbm>>
    %dma_start3A_20 = tpu.memref_squeeze %dma_start3A_19 : memref<1x128x64xf32, #tpu.memory_space<hbm>> -> memref<128x64xf32, #tpu.memory_space<hbm>>
    tpu.enqueue_dma source(%dma_start3A_20 : memref<128x64xf32, #tpu.memory_space<hbm>>) target(%arg6 : memref<128x64xf32, #tpu.memory_space<vmem>>) target_semaphore(%arg12 : memref<!tpu.dma_semaphore, #tpu.memory_space<semaphore_mem>>)
    %add3A_21 = arith.constant 256 : i32
    %add3A_22 = arith.addi %add3A_1, %add3A_21 : i32
    %dma_start3A_23 = arith.constant 0 : i32
    %dma_start3A_24 = tpu.memref_slice %arg3[%arg1, %add3A_22, %dma_start3A_23] : memref<16x65536x64xf32, #tpu.memory_space<hbm>> -> memref<1x128x64xf32, #tpu.memory_space<hbm>>
    %dma_start3A_25 = tpu.memref_squeeze %dma_start3A_24 : memref<1x128x64xf32, #tpu.memory_space<hbm>> -> memref<128x64xf32, #tpu.memory_space<hbm>>
    %dma_start3A_26 = arith.constant 0 : i32
    %dma_start3A_27 = tpu.memref_slice %arg3[%arg1, %add3A_22, %dma_start3A_26] : memref<16x65536x64xf32, #tpu.memory_space<hbm>> -> memref<1x128x64xf32, #tpu.memory_space<hbm>>
    %dma_start3A_28 = tpu.memref_squeeze %dma_start3A_27 : memref<1x128x64xf32, #tpu.memory_space<hbm>> -> memref<128x64xf32, #tpu.memory_space<hbm>>
    tpu.enqueue_dma source(%dma_start3A_28 : memref<128x64xf32, #tpu.memory_space<hbm>>) target(%arg7 : memref<128x64xf32, #tpu.memory_space<vmem>>) target_semaphore(%arg13 : memref<!tpu.dma_semaphore, #tpu.memory_space<semaphore_mem>>)
    %add3A_29 = arith.constant 384 : i32
    %add3A_30 = arith.addi %add3A_1, %add3A_29 : i32
    %dma_start3A_31 = arith.constant 0 : i32
    %dma_start3A_32 = tpu.memref_slice %arg3[%arg1, %add3A_30, %dma_start3A_31] : memref<16x65536x64xf32, #tpu.memory_space<hbm>> -> memref<1x128x64xf32, #tpu.memory_space<hbm>>
    %dma_start3A_33 = tpu.memref_squeeze %dma_start3A_32 : memref<1x128x64xf32, #tpu.memory_space<hbm>> -> memref<128x64xf32, #tpu.memory_space<hbm>>
    %dma_start3A_34 = arith.constant 0 : i32
    %dma_start3A_35 = tpu.memref_slice %arg3[%arg1, %add3A_30, %dma_start3A_34] : memref<16x65536x64xf32, #tpu.memory_space<hbm>> -> memref<1x128x64xf32, #tpu.memory_space<hbm>>
    %dma_start3A_36 = tpu.memref_squeeze %dma_start3A_35 : memref<1x128x64xf32, #tpu.memory_space<hbm>> -> memref<128x64xf32, #tpu.memory_space<hbm>>
    tpu.enqueue_dma source(%dma_start3A_36 : memref<128x64xf32, #tpu.memory_space<hbm>>) target(%arg8 : memref<128x64xf32, #tpu.memory_space<vmem>>) target_semaphore(%arg14 : memref<!tpu.dma_semaphore, #tpu.memory_space<semaphore_mem>>)
    %dma_wait3A = tpu.memref_slice %arg2[%arg1, %add3A_1] : memref<16x65536xf32, #tpu.memory_space<hbm>> -> memref<1x16384xf32, #tpu.memory_space<hbm>>
    %dma_wait3A_37 = tpu.memref_squeeze %dma_wait3A : memref<1x16384xf32, #tpu.memory_space<hbm>> -> memref<16384xf32, #tpu.memory_space<hbm>>
    %dma_wait3A_38 = tpu.memref_slice %arg2[%arg1, %add3A_1] : memref<16x65536xf32, #tpu.memory_space<hbm>> -> memref<1x16384xf32, #tpu.memory_space<hbm>>
    %dma_wait3A_39 = tpu.memref_squeeze %dma_wait3A_38 : memref<1x16384xf32, #tpu.memory_space<hbm>> -> memref<16384xf32, #tpu.memory_space<hbm>>
    tpu.wait_dma2 semaphore(%arg15 : memref<!tpu.dma_semaphore, #tpu.memory_space<semaphore_mem>>) src(%dma_wait3A_39 : memref<16384xf32, #tpu.memory_space<hbm>>) dst(%arg9 : memref<16384xf32, #tpu.memory_space<vmem>>)
    %broadcast_in_dim3A = arith.constant 0.000000e+00 : f32
    %broadcast_in_dim3A_40 = vector.broadcast %broadcast_in_dim3A : f32 to vector<16xf32>
    %scan3A = arith.constant 0 : i32
    %scan3A_41 = arith.constant 32 : i32
    %scan3A_42 = arith.addi %scan3A, %scan3A_41 : i32
    %scan3A_43 = arith.constant 1 : i32
    %scan3A_44:8 = scf.for %scan3A_57 = %scan3A to %scan3A_42 step %scan3A_43 iter_args(%scan3A_58 = %broadcast_in_dim3A_40, %scan3A_59 = %broadcast_in_dim3A_40, %scan3A_60 = %broadcast_in_dim3A_40, %scan3A_61 = %broadcast_in_dim3A_40, %scan3A_62 = %broadcast_in_dim3A_40, %scan3A_63 = %broadcast_in_dim3A_40, %scan3A_64 = %broadcast_in_dim3A_40, %scan3A_65 = %broadcast_in_dim3A_40) -> (vector<16xf32>, vector<16xf32>, vector<16xf32>, vector<16xf32>, vector<16xf32>, vector<16xf32>, vector<16xf32>, vector<16xf32>)  : i32 {
      %mul3A_66 = arith.constant 4 : i32
      %mul3A_67 = arith.muli %scan3A_57, %mul3A_66 : i32
      %add3A_68 = arith.constant 0 : i32
      %add3A_69 = arith.addi %mul3A_67, %add3A_68 : i32
      %mul3A_70 = arith.constant 128 : i32
      %mul3A_71 = arith.muli %add3A_69, %mul3A_70 : i32
      %add3A_72 = arith.addi %add3A_1, %mul3A_71 : i32
      %dma_wait3A_73 = arith.constant 0 : i32
      %dma_wait3A_74 = tpu.memref_slice %arg3[%arg1, %add3A_72, %dma_wait3A_73] : memref<16x65536x64xf32, #tpu.memory_space<hbm>> -> memref<1x128x64xf32, #tpu.memory_space<hbm>>
      %dma_wait3A_75 = tpu.memref_squeeze %dma_wait3A_74 : memref<1x128x64xf32, #tpu.memory_space<hbm>> -> memref<128x64xf32, #tpu.memory_space<hbm>>
      %dma_wait3A_76 = arith.constant 0 : i32
      %dma_wait3A_77 = tpu.memref_slice %arg3[%arg1, %add3A_72, %dma_wait3A_76] : memref<16x65536x64xf32, #tpu.memory_space<hbm>> -> memref<1x128x64xf32, #tpu.memory_space<hbm>>
      %dma_wait3A_78 = tpu.memref_squeeze %dma_wait3A_77 : memref<1x128x64xf32, #tpu.memory_space<hbm>> -> memref<128x64xf32, #tpu.memory_space<hbm>>
      tpu.wait_dma2 semaphore(%arg11 : memref<!tpu.dma_semaphore, #tpu.memory_space<semaphore_mem>>) src(%dma_wait3A_78 : memref<128x64xf32, #tpu.memory_space<hbm>>) dst(%arg5 : memref<128x64xf32, #tpu.memory_space<vmem>>)
      %scan3A_79 = arith.constant 0 : i32
      %scan3A_80 = arith.constant 8 : i32
      %scan3A_81 = arith.addi %scan3A_79, %scan3A_80 : i32
      %scan3A_82 = arith.constant 1 : i32
      %scan3A_83:8 = scf.for %scan3A_167 = %scan3A_79 to %scan3A_81 step %scan3A_82 iter_args(%scan3A_168 = %scan3A_58, %scan3A_169 = %scan3A_59, %scan3A_170 = %scan3A_60, %scan3A_171 = %scan3A_61, %scan3A_172 = %scan3A_62, %scan3A_173 = %scan3A_63, %scan3A_174 = %scan3A_64, %scan3A_175 = %scan3A_65) -> (vector<16xf32>, vector<16xf32>, vector<16xf32>, vector<16xf32>, vector<16xf32>, vector<16xf32>, vector<16xf32>, vector<16xf32>)  : i32 {
        %mul3A_176 = arith.constant 128 : i32
        %mul3A_177 = arith.muli %add3A_69, %mul3A_176 : i32
        %mul3A_178 = arith.constant 16 : i32
        %mul3A_179 = arith.muli %scan3A_167, %mul3A_178 : i32
        %add3A_180 = arith.addi %mul3A_177, %mul3A_179 : i32
        %get3A = arith.index_cast %add3A_180 : i32 to index
        %get3A_181 = tpu.vector_load %arg9[%get3A] {strides = array<i32>} : memref<16384xf32, #tpu.memory_space<vmem>>, vector<16xf32>,
        %broadcast_in_dim3A_182 = arith.constant 0 : i32
        %broadcast_in_dim3A_183 = vector.broadcast %broadcast_in_dim3A_182 : i32 to vector<16x1xi32>
        %gather3A = vector.shape_cast %broadcast_in_dim3A_183 : vector<16x1xi32> to vector<16xi32>
        %gather3A_184 = tpu.dynamic_gather %get3A_181[%gather3A] in [0] : vector<16xf32>, vector<16xi32> -> vector<16xf32>
        %mul3A_185 = arith.constant 16 : i32
        %mul3A_186 = arith.muli %scan3A_167, %mul3A_185 : i32
        %add3A_187 = arith.constant 0 : i32
        %add3A_188 = arith.addi %mul3A_186, %add3A_187 : i32
        %get3A_189 = arith.index_cast %add3A_188 : i32 to index
        %get3A_190 = arith.constant 0 : index
        %get3A_191 = tpu.vector_load %arg5[%get3A_189, %get3A_190] {strides = array<i32>} : memref<128x64xf32, #tpu.memory_space<vmem>>, vector<16xf32>,
        %mul3A_192 = arith.mulf %gather3A_184, %get3A_191 : vector<16xf32>
        %add3A_193 = arith.addf %scan3A_168, %mul3A_192 : vector<16xf32>
        %mul3A_194 = arith.constant 16 : i32
        %mul3A_195 = arith.muli %scan3A_167, %mul3A_194 : i32
        %add3A_196 = arith.constant 0 : i32
        %add3A_197 = arith.addi %mul3A_195, %add3A_196 : i32
        %get3A_198 = arith.index_cast %add3A_197 : i32 to index
        %get3A_199 = arith.constant 16 : index
        %get3A_200 = tpu.vector_load %arg5[%get3A_198, %get3A_199] {strides = array<i32>} : memref<128x64xf32, #tpu.memory_space<vmem>>, vector<16xf32>,
        %mul3A_201 = arith.mulf %gather3A_184, %get3A_200 : vector<16xf32>
        %add3A_202 = arith.addf %scan3A_169, %mul3A_201 : vector<16xf32>
        %mul3A_203 = arith.constant 16 : i32
        %mul3A_204 = arith.muli %scan3A_167, %mul3A_203 : i32
        %add3A_205 = arith.constant 0 : i32
        %add3A_206 = arith.addi %mul3A_204, %add3A_205 : i32
        %get3A_207 = arith.index_cast %add3A_206 : i32 to index
        %get3A_208 = arith.constant 32 : index
        %get3A_209 = tpu.vector_load %arg5[%get3A_207, %get3A_208] {strides = array<i32>} : memref<128x64xf32, #tpu.memory_space<vmem>>, vector<16xf32>,
        %mul3A_210 = arith.mulf %gather3A_184, %get3A_209 : vector<16xf32>
        %add3A_211 = arith.addf %scan3A_170, %mul3A_210 : vector<16xf32>
        %mul3A_212 = arith.constant 16 : i32
        %mul3A_213 = arith.muli %scan3A_167, %mul3A_212 : i32
        %add3A_214 = arith.constant 0 : i32
        %add3A_215 = arith.addi %mul3A_213, %add3A_214 : i32
        %get3A_216 = arith.index_cast %add3A_215 : i32 to index
        %get3A_217 = arith.constant 48 : index
        %get3A_218 = tpu.vector_load %arg5[%get3A_216, %get3A_217] {strides = array<i32>} : memref<128x64xf32, #tpu.memory_space<vmem>>, vector<16xf32>,
        %mul3A_219 = arith.mulf %gather3A_184, %get3A_218 : vector<16xf32>
        %add3A_220 = arith.addf %scan3A_171, %mul3A_219 : vector<16xf32>
        %broadcast_in_dim3A_221 = arith.constant 1 : i32
        %broadcast_in_dim3A_222 = vector.broadcast %broadcast_in_dim3A_221 : i32 to vector<16x1xi32>
        %gather3A_223 = vector.shape_cast %broadcast_in_dim3A_222 : vector<16x1xi32> to vector<16xi32>
        %gather3A_224 = tpu.dynamic_gather %get3A_181[%gather3A_223] in [0] : vector<16xf32>, vector<16xi32> -> vector<16xf32>
        %mul3A_225 = arith.constant 16 : i32
        %mul3A_226 = arith.muli %scan3A_167, %mul3A_225 : i32
        %add3A_227 = arith.constant 1 : i32
        %add3A_228 = arith.addi %mul3A_226, %add3A_227 : i32
        %get3A_229 = arith.index_cast %add3A_228 : i32 to index
        %get3A_230 = arith.constant 0 : index
        %get3A_231 = tpu.vector_load %arg5[%get3A_229, %get3A_230] {strides = array<i32>} : memref<128x64xf32, #tpu.memory_space<vmem>>, vector<16xf32>,
        %mul3A_232 = arith.mulf %gather3A_224, %get3A_231 : vector<16xf32>
        %add3A_233 = arith.addf %scan3A_172, %mul3A_232 : vector<16xf32>
        %mul3A_234 = arith.constant 16 : i32
        %mul3A_235 = arith.muli %scan3A_167, %mul3A_234 : i32
        %add3A_236 = arith.constant 1 : i32
        %add3A_237 = arith.addi %mul3A_235, %add3A_236 : i32
        %get3A_238 = arith.index_cast %add3A_237 : i32 to index
        %get3A_239 = arith.constant 16 : index
        %get3A_240 = tpu.vector_load %arg5[%get3A_238, %get3A_239] {strides = array<i32>} : memref<128x64xf32, #tpu.memory_space<vmem>>, vector<16xf32>,
        %mul3A_241 = arith.mulf %gather3A_224, %get3A_240 : vector<16xf32>
        %add3A_242 = arith.addf %scan3A_173, %mul3A_241 : vector<16xf32>
        %mul3A_243 = arith.constant 16 : i32
        %mul3A_244 = arith.muli %scan3A_167, %mul3A_243 : i32
        %add3A_245 = arith.constant 1 : i32
        %add3A_246 = arith.addi %mul3A_244, %add3A_245 : i32
        %get3A_247 = arith.index_cast %add3A_246 : i32 to index
        %get3A_248 = arith.constant 32 : index
        %get3A_249 = tpu.vector_load %arg5[%get3A_247, %get3A_248] {strides = array<i32>} : memref<128x64xf32, #tpu.memory_space<vmem>>, vector<16xf32>,
        %mul3A_250 = arith.mulf %gather3A_224, %get3A_249 : vector<16xf32>
        %add3A_251 = arith.addf %scan3A_174, %mul3A_250 : vector<16xf32>
        %mul3A_252 = arith.constant 16 : i32
        %mul3A_253 = arith.muli %scan3A_167, %mul3A_252 : i32
        %add3A_254 = arith.constant 1 : i32
        %add3A_255 = arith.addi %mul3A_253, %add3A_254 : i32
        %get3A_256 = arith.index_cast %add3A_255 : i32 to index
        %get3A_257 = arith.constant 48 : index
        %get3A_258 = tpu.vector_load %arg5[%get3A_256, %get3A_257] {strides = array<i32>} : memref<128x64xf32, #tpu.memory_space<vmem>>, vector<16xf32>,
        %mul3A_259 = arith.mulf %gather3A_224, %get3A_258 : vector<16xf32>
        %add3A_260 = arith.addf %scan3A_175, %mul3A_259 : vector<16xf32>
        %broadcast_in_dim3A_261 = arith.constant 2 : i32
        %broadcast_in_dim3A_262 = vector.broadcast %broadcast_in_dim3A_261 : i32 to vector<16x1xi32>
        %gather3A_263 = vector.shape_cast %broadcast_in_dim3A_262 : vector<16x1xi32> to vector<16xi32>
        %gather3A_264 = tpu.dynamic_gather %get3A_181[%gather3A_263] in [0] : vector<16xf32>, vector<16xi32> -> vector<16xf32>
        %mul3A_265 = arith.constant 16 : i32
        %mul3A_266 = arith.muli %scan3A_167, %mul3A_265 : i32
        %add3A_267 = arith.constant 2 : i32
        %add3A_268 = arith.addi %mul3A_266, %add3A_267 : i32
        %get3A_269 = arith.index_cast %add3A_268 : i32 to index
        %get3A_270 = arith.constant 0 : index
        %get3A_271 = tpu.vector_load %arg5[%get3A_269, %get3A_270] {strides = array<i32>} : memref<128x64xf32, #tpu.memory_space<vmem>>, vector<16xf32>,
        %mul3A_272 = arith.mulf %gather3A_264, %get3A_271 : vector<16xf32>
        %add3A_273 = arith.addf %add3A_193, %mul3A_272 : vector<16xf32>
        %mul3A_274 = arith.constant 16 : i32
        %mul3A_275 = arith.muli %scan3A_167, %mul3A_274 : i32
        %add3A_276 = arith.constant 2 : i32
        %add3A_277 = arith.addi %mul3A_275, %add3A_276 : i32
        %get3A_278 = arith.index_cast %add3A_277 : i32 to index
        %get3A_279 = arith.constant 16 : index
        %get3A_280 = tpu.vector_load %arg5[%get3A_278, %get3A_279] {strides = array<i32>} : memref<128x64xf32, #tpu.memory_space<vmem>>, vector<16xf32>,
        %mul3A_281 = arith.mulf %gather3A_264, %get3A_280 : vector<16xf32>
        %add3A_282 = arith.addf %add3A_202, %mul3A_281 : vector<16xf32>
        %mul3A_283 = arith.constant 16 : i32
        %mul3A_284 = arith.muli %scan3A_167, %mul3A_283 : i32
        %add3A_285 = arith.constant 2 : i32
        %add3A_286 = arith.addi %mul3A_284, %add3A_285 : i32
        %get3A_287 = arith.index_cast %add3A_286 : i32 to index
        %get3A_288 = arith.constant 32 : index
        %get3A_289 = tpu.vector_load %arg5[%get3A_287, %get3A_288] {strides = array<i32>} : memref<128x64xf32, #tpu.memory_space<vmem>>, vector<16xf32>,
        %mul3A_290 = arith.mulf %gather3A_264, %get3A_289 : vector<16xf32>
        %add3A_291 = arith.addf %add3A_211, %mul3A_290 : vector<16xf32>
        %mul3A_292 = arith.constant 16 : i32
        %mul3A_293 = arith.muli %scan3A_167, %mul3A_292 : i32
        %add3A_294 = arith.constant 2 : i32
        %add3A_295 = arith.addi %mul3A_293, %add3A_294 : i32
        %get3A_296 = arith.index_cast %add3A_295 : i32 to index
        %get3A_297 = arith.constant 48 : index
        %get3A_298 = tpu.vector_load %arg5[%get3A_296, %get3A_297] {strides = array<i32>} : memref<128x64xf32, #tpu.memory_space<vmem>>, vector<16xf32>,
        %mul3A_299 = arith.mulf %gather3A_264, %get3A_298 : vector<16xf32>
        %add3A_300 = arith.addf %add3A_220, %mul3A_299 : vector<16xf32>
        %broadcast_in_dim3A_301 = arith.constant 3 : i32
        %broadcast_in_dim3A_302 = vector.broadcast %broadcast_in_dim3A_301 : i32 to vector<16x1xi32>
        %gather3A_303 = vector.shape_cast %broadcast_in_dim3A_302 : vector<16x1xi32> to vector<16xi32>
        %gather3A_304 = tpu.dynamic_gather %get3A_181[%gather3A_303] in [0] : vector<16xf32>, vector<16xi32> -> vector<16xf32>
        %mul3A_305 = arith.constant 16 : i32
        %mul3A_306 = arith.muli %scan3A_167, %mul3A_305 : i32
        %add3A_307 = arith.constant 3 : i32
        %add3A_308 = arith.addi %mul3A_306, %add3A_307 : i32
        %get3A_309 = arith.index_cast %add3A_308 : i32 to index
        %get3A_310 = arith.constant 0 : index
        %get3A_311 = tpu.vector_load %arg5[%get3A_309, %get3A_310] {strides = array<i32>} : memref<128x64xf32, #tpu.memory_space<vmem>>, vector<16xf32>,
        %mul3A_312 = arith.mulf %gather3A_304, %get3A_311 : vector<16xf32>
        %add3A_313 = arith.addf %add3A_233, %mul3A_312 : vector<16xf32>
        %mul3A_314 = arith.constant 16 : i32
        %mul3A_315 = arith.muli %scan3A_167, %mul3A_314 : i32
        %add3A_316 = arith.constant 3 : i32
        %add3A_317 = arith.addi %mul3A_315, %add3A_316 : i32
        %get3A_318 = arith.index_cast %add3A_317 : i32 to index
        %get3A_319 = arith.constant 16 : index
        %get3A_320 = tpu.vector_load %arg5[%get3A_318, %get3A_319] {strides = array<i32>} : memref<128x64xf32, #tpu.memory_space<vmem>>, vector<16xf32>,
        %mul3A_321 = arith.mulf %gather3A_304, %get3A_320 : vector<16xf32>
        %add3A_322 = arith.addf %add3A_242, %mul3A_321 : vector<16xf32>
        %mul3A_323 = arith.constant 16 : i32
        %mul3A_324 = arith.muli %scan3A_167, %mul3A_323 : i32
        %add3A_325 = arith.constant 3 : i32
        %add3A_326 = arith.addi %mul3A_324, %add3A_325 : i32
        %get3A_327 = arith.index_cast %add3A_326 : i32 to index
        %get3A_328 = arith.constant 32 : index
        %get3A_329 = tpu.vector_load %arg5[%get3A_327, %get3A_328] {strides = array<i32>} : memref<128x64xf32, #tpu.memory_space<vmem>>, vector<16xf32>,
        %mul3A_330 = arith.mulf %gather3A_304, %get3A_329 : vector<16xf32>
        %add3A_331 = arith.addf %add3A_251, %mul3A_330 : vector<16xf32>
        %mul3A_332 = arith.constant 16 : i32
        %mul3A_333 = arith.muli %scan3A_167, %mul3A_332 : i32
        %add3A_334 = arith.constant 3 : i32
        %add3A_335 = arith.addi %mul3A_333, %add3A_334 : i32
        %get3A_336 = arith.index_cast %add3A_335 : i32 to index
        %get3A_337 = arith.constant 48 : index
        %get3A_338 = tpu.vector_load %arg5[%get3A_336, %get3A_337] {strides = array<i32>} : memref<128x64xf32, #tpu.memory_space<vmem>>, vector<16xf32>,
        %mul3A_339 = arith.mulf %gather3A_304, %get3A_338 : vector<16xf32>
        %add3A_340 = arith.addf %add3A_260, %mul3A_339 : vector<16xf32>
        %broadcast_in_dim3A_341 = arith.constant 4 : i32
        %broadcast_in_dim3A_342 = vector.broadcast %broadcast_in_dim3A_341 : i32 to vector<16x1xi32>
        %gather3A_343 = vector.shape_cast %broadcast_in_dim3A_342 : vector<16x1xi32> to vector<16xi32>
        %gather3A_344 = tpu.dynamic_gather %get3A_181[%gather3A_343] in [0] : vector<16xf32>, vector<16xi32> -> vector<16xf32>
        %mul3A_345 = arith.constant 16 : i32
        %mul3A_346 = arith.muli %scan3A_167, %mul3A_345 : i32
        %add3A_347 = arith.constant 4 : i32
        %add3A_348 = arith.addi %mul3A_346, %add3A_347 : i32
        %get3A_349 = arith.index_cast %add3A_348 : i32 to index
        %get3A_350 = arith.constant 0 : index
        %get3A_351 = tpu.vector_load %arg5[%get3A_349, %get3A_350] {strides = array<i32>} : memref<128x64xf32, #tpu.memory_space<vmem>>, vector<16xf32>,
        %mul3A_352 = arith.mulf %gather3A_344, %get3A_351 : vector<16xf32>
        %add3A_353 = arith.addf %add3A_273, %mul3A_352 : vector<16xf32>
        %mul3A_354 = arith.constant 16 : i32
        %mul3A_355 = arith.muli %scan3A_167, %mul3A_354 : i32
        %add3A_356 = arith.constant 4 : i32
        %add3A_357 = arith.addi %mul3A_355, %add3A_356 : i32
        %get3A_358 = arith.index_cast %add3A_357 : i32 to index
        %get3A_359 = arith.constant 16 : index
        %get3A_360 = tpu.vector_load %arg5[%get3A_358, %get3A_359] {strides = array<i32>} : memref<128x64xf32, #tpu.memory_space<vmem>>, vector<16xf32>,
        %mul3A_361 = arith.mulf %gather3A_344, %get3A_360 : vector<16xf32>
        %add3A_362 = arith.addf %add3A_282, %mul3A_361 : vector<16xf32>
        %mul3A_363 = arith.constant 16 : i32
        %mul3A_364 = arith.muli %scan3A_167, %mul3A_363 : i32
        %add3A_365 = arith.constant 4 : i32
        %add3A_366 = arith.addi %mul3A_364, %add3A_365 : i32
        %get3A_367 = arith.index_cast %add3A_366 : i32 to index
        %get3A_368 = arith.constant 32 : index
        %get3A_369 = tpu.vector_load %arg5[%get3A_367, %get3A_368] {strides = array<i32>} : memref<128x64xf32, #tpu.memory_space<vmem>>, vector<16xf32>,
        %mul3A_370 = arith.mulf %gather3A_344, %get3A_369 : vector<16xf32>
        %add3A_371 = arith.addf %add3A_291, %mul3A_370 : vector<16xf32>
        %mul3A_372 = arith.constant 16 : i32
        %mul3A_373 = arith.muli %scan3A_167, %mul3A_372 : i32
        %add3A_374 = arith.constant 4 : i32
        %add3A_375 = arith.addi %mul3A_373, %add3A_374 : i32
        %get3A_376 = arith.index_cast %add3A_375 : i32 to index
        %get3A_377 = arith.constant 48 : index
        %get3A_378 = tpu.vector_load %arg5[%get3A_376, %get3A_377] {strides = array<i32>} : memref<128x64xf32, #tpu.memory_space<vmem>>, vector<16xf32>,
        %mul3A_379 = arith.mulf %gather3A_344, %get3A_378 : vector<16xf32>
        %add3A_380 = arith.addf %add3A_300, %mul3A_379 : vector<16xf32>
        %broadcast_in_dim3A_381 = arith.constant 5 : i32
        %broadcast_in_dim3A_382 = vector.broadcast %broadcast_in_dim3A_381 : i32 to vector<16x1xi32>
        %gather3A_383 = vector.shape_cast %broadcast_in_dim3A_382 : vector<16x1xi32> to vector<16xi32>
        %gather3A_384 = tpu.dynamic_gather %get3A_181[%gather3A_383] in [0] : vector<16xf32>, vector<16xi32> -> vector<16xf32>
        %mul3A_385 = arith.constant 16 : i32
        %mul3A_386 = arith.muli %scan3A_167, %mul3A_385 : i32
        %add3A_387 = arith.constant 5 : i32
        %add3A_388 = arith.addi %mul3A_386, %add3A_387 : i32
        %get3A_389 = arith.index_cast %add3A_388 : i32 to index
        %get3A_390 = arith.constant 0 : index
        %get3A_391 = tpu.vector_load %arg5[%get3A_389, %get3A_390] {strides = array<i32>} : memref<128x64xf32, #tpu.memory_space<vmem>>, vector<16xf32>,
        %mul3A_392 = arith.mulf %gather3A_384, %get3A_391 : vector<16xf32>
        %add3A_393 = arith.addf %add3A_313, %mul3A_392 : vector<16xf32>
        %mul3A_394 = arith.constant 16 : i32
        %mul3A_395 = arith.muli %scan3A_167, %mul3A_394 : i32
        %add3A_396 = arith.constant 5 : i32
        %add3A_397 = arith.addi %mul3A_395, %add3A_396 : i32
        %get3A_398 = arith.index_cast %add3A_397 : i32 to index
        %get3A_399 = arith.constant 16 : index
        %get3A_400 = tpu.vector_load %arg5[%get3A_398, %get3A_399] {strides = array<i32>} : memref<128x64xf32, #tpu.memory_space<vmem>>, vector<16xf32>,
        %mul3A_401 = arith.mulf %gather3A_384, %get3A_400 : vector<16xf32>
        %add3A_402 = arith.addf %add3A_322, %mul3A_401 : vector<16xf32>
        %mul3A_403 = arith.constant 16 : i32
        %mul3A_404 = arith.muli %scan3A_167, %mul3A_403 : i32
        %add3A_405 = arith.constant 5 : i32
        %add3A_406 = arith.addi %mul3A_404, %add3A_405 : i32
        %get3A_407 = arith.index_cast %add3A_406 : i32 to index
        %get3A_408 = arith.constant 32 : index
        %get3A_409 = tpu.vector_load %arg5[%get3A_407, %get3A_408] {strides = array<i32>} : memref<128x64xf32, #tpu.memory_space<vmem>>, vector<16xf32>,
        %mul3A_410 = arith.mulf %gather3A_384, %get3A_409 : vector<16xf32>
        %add3A_411 = arith.addf %add3A_331, %mul3A_410 : vector<16xf32>
        %mul3A_412 = arith.constant 16 : i32
        %mul3A_413 = arith.muli %scan3A_167, %mul3A_412 : i32
        %add3A_414 = arith.constant 5 : i32
        %add3A_415 = arith.addi %mul3A_413, %add3A_414 : i32
        %get3A_416 = arith.index_cast %add3A_415 : i32 to index
        %get3A_417 = arith.constant 48 : index
        %get3A_418 = tpu.vector_load %arg5[%get3A_416, %get3A_417] {strides = array<i32>} : memref<128x64xf32, #tpu.memory_space<vmem>>, vector<16xf32>,
        %mul3A_419 = arith.mulf %gather3A_384, %get3A_418 : vector<16xf32>
        %add3A_420 = arith.addf %add3A_340, %mul3A_419 : vector<16xf32>
        %broadcast_in_dim3A_421 = arith.constant 6 : i32
        %broadcast_in_dim3A_422 = vector.broadcast %broadcast_in_dim3A_421 : i32 to vector<16x1xi32>
        %gather3A_423 = vector.shape_cast %broadcast_in_dim3A_422 : vector<16x1xi32> to vector<16xi32>
        %gather3A_424 = tpu.dynamic_gather %get3A_181[%gather3A_423] in [0] : vector<16xf32>, vector<16xi32> -> vector<16xf32>
        %mul3A_425 = arith.constant 16 : i32
        %mul3A_426 = arith.muli %scan3A_167, %mul3A_425 : i32
        %add3A_427 = arith.constant 6 : i32
        %add3A_428 = arith.addi %mul3A_426, %add3A_427 : i32
        %get3A_429 = arith.index_cast %add3A_428 : i32 to index
        %get3A_430 = arith.constant 0 : index
        %get3A_431 = tpu.vector_load %arg5[%get3A_429, %get3A_430] {strides = array<i32>} : memref<128x64xf32, #tpu.memory_space<vmem>>, vector<16xf32>,
        %mul3A_432 = arith.mulf %gather3A_424, %get3A_431 : vector<16xf32>
        %add3A_433 = arith.addf %add3A_353, %mul3A_432 : vector<16xf32>
        %mul3A_434 = arith.constant 16 : i32
        %mul3A_435 = arith.muli %scan3A_167, %mul3A_434 : i32
        %add3A_436 = arith.constant 6 : i32
        %add3A_437 = arith.addi %mul3A_435, %add3A_436 : i32
        %get3A_438 = arith.index_cast %add3A_437 : i32 to index
        %get3A_439 = arith.constant 16 : index
        %get3A_440 = tpu.vector_load %arg5[%get3A_438, %get3A_439] {strides = array<i32>} : memref<128x64xf32, #tpu.memory_space<vmem>>, vector<16xf32>,
        %mul3A_441 = arith.mulf %gather3A_424, %get3A_440 : vector<16xf32>
        %add3A_442 = arith.addf %add3A_362, %mul3A_441 : vector<16xf32>
        %mul3A_443 = arith.constant 16 : i32
        %mul3A_444 = arith.muli %scan3A_167, %mul3A_443 : i32
        %add3A_445 = arith.constant 6 : i32
        %add3A_446 = arith.addi %mul3A_444, %add3A_445 : i32
        %get3A_447 = arith.index_cast %add3A_446 : i32 to index
        %get3A_448 = arith.constant 32 : index
        %get3A_449 = tpu.vector_load %arg5[%get3A_447, %get3A_448] {strides = array<i32>} : memref<128x64xf32, #tpu.memory_space<vmem>>, vector<16xf32>,
        %mul3A_450 = arith.mulf %gather3A_424, %get3A_449 : vector<16xf32>
        %add3A_451 = arith.addf %add3A_371, %mul3A_450 : vector<16xf32>
        %mul3A_452 = arith.constant 16 : i32
        %mul3A_453 = arith.muli %scan3A_167, %mul3A_452 : i32
        %add3A_454 = arith.constant 6 : i32
        %add3A_455 = arith.addi %mul3A_453, %add3A_454 : i32
        %get3A_456 = arith.index_cast %add3A_455 : i32 to index
        %get3A_457 = arith.constant 48 : index
        %get3A_458 = tpu.vector_load %arg5[%get3A_456, %get3A_457] {strides = array<i32>} : memref<128x64xf32, #tpu.memory_space<vmem>>, vector<16xf32>,
        %mul3A_459 = arith.mulf %gather3A_424, %get3A_458 : vector<16xf32>
        %add3A_460 = arith.addf %add3A_380, %mul3A_459 : vector<16xf32>
        %broadcast_in_dim3A_461 = arith.constant 7 : i32
        %broadcast_in_dim3A_462 = vector.broadcast %broadcast_in_dim3A_461 : i32 to vector<16x1xi32>
        %gather3A_463 = vector.shape_cast %broadcast_in_dim3A_462 : vector<16x1xi32> to vector<16xi32>
        %gather3A_464 = tpu.dynamic_gather %get3A_181[%gather3A_463] in [0] : vector<16xf32>, vector<16xi32> -> vector<16xf32>
        %mul3A_465 = arith.constant 16 : i32
        %mul3A_466 = arith.muli %scan3A_167, %mul3A_465 : i32
        %add3A_467 = arith.constant 7 : i32
        %add3A_468 = arith.addi %mul3A_466, %add3A_467 : i32
        %get3A_469 = arith.index_cast %add3A_468 : i32 to index
        %get3A_470 = arith.constant 0 : index
        %get3A_471 = tpu.vector_load %arg5[%get3A_469, %get3A_470] {strides = array<i32>} : memref<128x64xf32, #tpu.memory_space<vmem>>, vector<16xf32>,
        %mul3A_472 = arith.mulf %gather3A_464, %get3A_471 : vector<16xf32>
        %add3A_473 = arith.addf %add3A_393, %mul3A_472 : vector<16xf32>
        %mul3A_474 = arith.constant 16 : i32
        %mul3A_475 = arith.muli %scan3A_167, %mul3A_474 : i32
        %add3A_476 = arith.constant 7 : i32
        %add3A_477 = arith.addi %mul3A_475, %add3A_476 : i32
        %get3A_478 = arith.index_cast %add3A_477 : i32 to index
        %get3A_479 = arith.constant 16 : index
        %get3A_480 = tpu.vector_load %arg5[%get3A_478, %get3A_479] {strides = array<i32>} : memref<128x64xf32, #tpu.memory_space<vmem>>, vector<16xf32>,
        %mul3A_481 = arith.mulf %gather3A_464, %get3A_480 : vector<16xf32>
        %add3A_482 = arith.addf %add3A_402, %mul3A_481 : vector<16xf32>
        %mul3A_483 = arith.constant 16 : i32
        %mul3A_484 = arith.muli %scan3A_167, %mul3A_483 : i32
        %add3A_485 = arith.constant 7 : i32
        %add3A_486 = arith.addi %mul3A_484, %add3A_485 : i32
        %get3A_487 = arith.index_cast %add3A_486 : i32 to index
        %get3A_488 = arith.constant 32 : index
        %get3A_489 = tpu.vector_load %arg5[%get3A_487, %get3A_488] {strides = array<i32>} : memref<128x64xf32, #tpu.memory_space<vmem>>, vector<16xf32>,
        %mul3A_490 = arith.mulf %gather3A_464, %get3A_489 : vector<16xf32>
        %add3A_491 = arith.addf %add3A_411, %mul3A_490 : vector<16xf32>
        %mul3A_492 = arith.constant 16 : i32
        %mul3A_493 = arith.muli %scan3A_167, %mul3A_492 : i32
        %add3A_494 = arith.constant 7 : i32
        %add3A_495 = arith.addi %mul3A_493, %add3A_494 : i32
        %get3A_496 = arith.index_cast %add3A_495 : i32 to index
        %get3A_497 = arith.constant 48 : index
        %get3A_498 = tpu.vector_load %arg5[%get3A_496, %get3A_497] {strides = array<i32>} : memref<128x64xf32, #tpu.memory_space<vmem>>, vector<16xf32>,
        %mul3A_499 = arith.mulf %gather3A_464, %get3A_498 : vector<16xf32>
        %add3A_500 = arith.addf %add3A_420, %mul3A_499 : vector<16xf32>
        %broadcast_in_dim3A_501 = arith.constant 8 : i32
        %broadcast_in_dim3A_502 = vector.broadcast %broadcast_in_dim3A_501 : i32 to vector<16x1xi32>
        %gather3A_503 = vector.shape_cast %broadcast_in_dim3A_502 : vector<16x1xi32> to vector<16xi32>
        %gather3A_504 = tpu.dynamic_gather %get3A_181[%gather3A_503] in [0] : vector<16xf32>, vector<16xi32> -> vector<16xf32>
        %mul3A_505 = arith.constant 16 : i32
        %mul3A_506 = arith.muli %scan3A_167, %mul3A_505 : i32
        %add3A_507 = arith.constant 8 : i32
        %add3A_508 = arith.addi %mul3A_506, %add3A_507 : i32
        %get3A_509 = arith.index_cast %add3A_508 : i32 to index
        %get3A_510 = arith.constant 0 : index
        %get3A_511 = tpu.vector_load %arg5[%get3A_509, %get3A_510] {strides = array<i32>} : memref<128x64xf32, #tpu.memory_space<vmem>>, vector<16xf32>,
        %mul3A_512 = arith.mulf %gather3A_504, %get3A_511 : vector<16xf32>
        %add3A_513 = arith.addf %add3A_433, %mul3A_512 : vector<16xf32>
        %mul3A_514 = arith.constant 16 : i32
        %mul3A_515 = arith.muli %scan3A_167, %mul3A_514 : i32
        %add3A_516 = arith.constant 8 : i32
        %add3A_517 = arith.addi %mul3A_515, %add3A_516 : i32
        %get3A_518 = arith.index_cast %add3A_517 : i32 to index
        %get3A_519 = arith.constant 16 : index
        %get3A_520 = tpu.vector_load %arg5[%get3A_518, %get3A_519] {strides = array<i32>} : memref<128x64xf32, #tpu.memory_space<vmem>>, vector<16xf32>,
        %mul3A_521 = arith.mulf %gather3A_504, %get3A_520 : vector<16xf32>
        %add3A_522 = arith.addf %add3A_442, %mul3A_521 : vector<16xf32>
        %mul3A_523 = arith.constant 16 : i32
        %mul3A_524 = arith.muli %scan3A_167, %mul3A_523 : i32
        %add3A_525 = arith.constant 8 : i32
        %add3A_526 = arith.addi %mul3A_524, %add3A_525 : i32
        %get3A_527 = arith.index_cast %add3A_526 : i32 to index
        %get3A_528 = arith.constant 32 : index
        %get3A_529 = tpu.vector_load %arg5[%get3A_527, %get3A_528] {strides = array<i32>} : memref<128x64xf32, #tpu.memory_space<vmem>>, vector<16xf32>,
        %mul3A_530 = arith.mulf %gather3A_504, %get3A_529 : vector<16xf32>
        %add3A_531 = arith.addf %add3A_451, %mul3A_530 : vector<16xf32>
        %mul3A_532 = arith.constant 16 : i32
        %mul3A_533 = arith.muli %scan3A_167, %mul3A_532 : i32
        %add3A_534 = arith.constant 8 : i32
        %add3A_535 = arith.addi %mul3A_533, %add3A_534 : i32
        %get3A_536 = arith.index_cast %add3A_535 : i32 to index
        %get3A_537 = arith.constant 48 : index
        %get3A_538 = tpu.vector_load %arg5[%get3A_536, %get3A_537] {strides = array<i32>} : memref<128x64xf32, #tpu.memory_space<vmem>>, vector<16xf32>,
        %mul3A_539 = arith.mulf %gather3A_504, %get3A_538 : vector<16xf32>
        %add3A_540 = arith.addf %add3A_460, %mul3A_539 : vector<16xf32>
        %broadcast_in_dim3A_541 = arith.constant 9 : i32
        %broadcast_in_dim3A_542 = vector.broadcast %broadcast_in_dim3A_541 : i32 to vector<16x1xi32>
        %gather3A_543 = vector.shape_cast %broadcast_in_dim3A_542 : vector<16x1xi32> to vector<16xi32>
        %gather3A_544 = tpu.dynamic_gather %get3A_181[%gather3A_543] in [0] : vector<16xf32>, vector<16xi32> -> vector<16xf32>
        %mul3A_545 = arith.constant 16 : i32
        %mul3A_546 = arith.muli %scan3A_167, %mul3A_545 : i32
        %add3A_547 = arith.constant 9 : i32
        %add3A_548 = arith.addi %mul3A_546, %add3A_547 : i32
        %get3A_549 = arith.index_cast %add3A_548 : i32 to index
        %get3A_550 = arith.constant 0 : index
        %get3A_551 = tpu.vector_load %arg5[%get3A_549, %get3A_550] {strides = array<i32>} : memref<128x64xf32, #tpu.memory_space<vmem>>, vector<16xf32>,
        %mul3A_552 = arith.mulf %gather3A_544, %get3A_551 : vector<16xf32>
        %add3A_553 = arith.addf %add3A_473, %mul3A_552 : vector<16xf32>
        %mul3A_554 = arith.constant 16 : i32
        %mul3A_555 = arith.muli %scan3A_167, %mul3A_554 : i32
        %add3A_556 = arith.constant 9 : i32
        %add3A_557 = arith.addi %mul3A_555, %add3A_556 : i32
        %get3A_558 = arith.index_cast %add3A_557 : i32 to index
        %get3A_559 = arith.constant 16 : index
        %get3A_560 = tpu.vector_load %arg5[%get3A_558, %get3A_559] {strides = array<i32>} : memref<128x64xf32, #tpu.memory_space<vmem>>, vector<16xf32>,
        %mul3A_561 = arith.mulf %gather3A_544, %get3A_560 : vector<16xf32>
        %add3A_562 = arith.addf %add3A_482, %mul3A_561 : vector<16xf32>
        %mul3A_563 = arith.constant 16 : i32
        %mul3A_564 = arith.muli %scan3A_167, %mul3A_563 : i32
        %add3A_565 = arith.constant 9 : i32
        %add3A_566 = arith.addi %mul3A_564, %add3A_565 : i32
        %get3A_567 = arith.index_cast %add3A_566 : i32 to index
        %get3A_568 = arith.constant 32 : index
        %get3A_569 = tpu.vector_load %arg5[%get3A_567, %get3A_568] {strides = array<i32>} : memref<128x64xf32, #tpu.memory_space<vmem>>, vector<16xf32>,
        %mul3A_570 = arith.mulf %gather3A_544, %get3A_569 : vector<16xf32>
        %add3A_571 = arith.addf %add3A_491, %mul3A_570 : vector<16xf32>
        %mul3A_572 = arith.constant 16 : i32
        %mul3A_573 = arith.muli %scan3A_167, %mul3A_572 : i32
        %add3A_574 = arith.constant 9 : i32
        %add3A_575 = arith.addi %mul3A_573, %add3A_574 : i32
        %get3A_576 = arith.index_cast %add3A_575 : i32 to index
        %get3A_577 = arith.constant 48 : index
        %get3A_578 = tpu.vector_load %arg5[%get3A_576, %get3A_577] {strides = array<i32>} : memref<128x64xf32, #tpu.memory_space<vmem>>, vector<16xf32>,
        %mul3A_579 = arith.mulf %gather3A_544, %get3A_578 : vector<16xf32>
        %add3A_580 = arith.addf %add3A_500, %mul3A_579 : vector<16xf32>
        %broadcast_in_dim3A_581 = arith.constant 10 : i32
        %broadcast_in_dim3A_582 = vector.broadcast %broadcast_in_dim3A_581 : i32 to vector<16x1xi32>
        %gather3A_583 = vector.shape_cast %broadcast_in_dim3A_582 : vector<16x1xi32> to vector<16xi32>
        %gather3A_584 = tpu.dynamic_gather %get3A_181[%gather3A_583] in [0] : vector<16xf32>, vector<16xi32> -> vector<16xf32>
        %mul3A_585 = arith.constant 16 : i32
        %mul3A_586 = arith.muli %scan3A_167, %mul3A_585 : i32
        %add3A_587 = arith.constant 10 : i32
        %add3A_588 = arith.addi %mul3A_586, %add3A_587 : i32
        %get3A_589 = arith.index_cast %add3A_588 : i32 to index
        %get3A_590 = arith.constant 0 : index
        %get3A_591 = tpu.vector_load %arg5[%get3A_589, %get3A_590] {strides = array<i32>} : memref<128x64xf32, #tpu.memory_space<vmem>>, vector<16xf32>,
        %mul3A_592 = arith.mulf %gather3A_584, %get3A_591 : vector<16xf32>
        %add3A_593 = arith.addf %add3A_513, %mul3A_592 : vector<16xf32>
        %mul3A_594 = arith.constant 16 : i32
        %mul3A_595 = arith.muli %scan3A_167, %mul3A_594 : i32
        %add3A_596 = arith.constant 10 : i32
        %add3A_597 = arith.addi %mul3A_595, %add3A_596 : i32
        %get3A_598 = arith.index_cast %add3A_597 : i32 to index
        %get3A_599 = arith.constant 16 : index
        %get3A_600 = tpu.vector_load %arg5[%get3A_598, %get3A_599] {strides = array<i32>} : memref<128x64xf32, #tpu.memory_space<vmem>>, vector<16xf32>,
        %mul3A_601 = arith.mulf %gather3A_584, %get3A_600 : vector<16xf32>
        %add3A_602 = arith.addf %add3A_522, %mul3A_601 : vector<16xf32>
        %mul3A_603 = arith.constant 16 : i32
        %mul3A_604 = arith.muli %scan3A_167, %mul3A_603 : i32
        %add3A_605 = arith.constant 10 : i32
        %add3A_606 = arith.addi %mul3A_604, %add3A_605 : i32
        %get3A_607 = arith.index_cast %add3A_606 : i32 to index
        %get3A_608 = arith.constant 32 : index
        %get3A_609 = tpu.vector_load %arg5[%get3A_607, %get3A_608] {strides = array<i32>} : memref<128x64xf32, #tpu.memory_space<vmem>>, vector<16xf32>,
        %mul3A_610 = arith.mulf %gather3A_584, %get3A_609 : vector<16xf32>
        %add3A_611 = arith.addf %add3A_531, %mul3A_610 : vector<16xf32>
        %mul3A_612 = arith.constant 16 : i32
        %mul3A_613 = arith.muli %scan3A_167, %mul3A_612 : i32
        %add3A_614 = arith.constant 10 : i32
        %add3A_615 = arith.addi %mul3A_613, %add3A_614 : i32
        %get3A_616 = arith.index_cast %add3A_615 : i32 to index
        %get3A_617 = arith.constant 48 : index
        %get3A_618 = tpu.vector_load %arg5[%get3A_616, %get3A_617] {strides = array<i32>} : memref<128x64xf32, #tpu.memory_space<vmem>>, vector<16xf32>,
        %mul3A_619 = arith.mulf %gather3A_584, %get3A_618 : vector<16xf32>
        %add3A_620 = arith.addf %add3A_540, %mul3A_619 : vector<16xf32>
        %broadcast_in_dim3A_621 = arith.constant 11 : i32
        %broadcast_in_dim3A_622 = vector.broadcast %broadcast_in_dim3A_621 : i32 to vector<16x1xi32>
        %gather3A_623 = vector.shape_cast %broadcast_in_dim3A_622 : vector<16x1xi32> to vector<16xi32>
        %gather3A_624 = tpu.dynamic_gather %get3A_181[%gather3A_623] in [0] : vector<16xf32>, vector<16xi32> -> vector<16xf32>
        %mul3A_625 = arith.constant 16 : i32
        %mul3A_626 = arith.muli %scan3A_167, %mul3A_625 : i32
        %add3A_627 = arith.constant 11 : i32
        %add3A_628 = arith.addi %mul3A_626, %add3A_627 : i32
        %get3A_629 = arith.index_cast %add3A_628 : i32 to index
        %get3A_630 = arith.constant 0 : index
        %get3A_631 = tpu.vector_load %arg5[%get3A_629, %get3A_630] {strides = array<i32>} : memref<128x64xf32, #tpu.memory_space<vmem>>, vector<16xf32>,
        %mul3A_632 = arith.mulf %gather3A_624, %get3A_631 : vector<16xf32>
        %add3A_633 = arith.addf %add3A_553, %mul3A_632 : vector<16xf32>
        %mul3A_634 = arith.constant 16 : i32
        %mul3A_635 = arith.muli %scan3A_167, %mul3A_634 : i32
        %add3A_636 = arith.constant 11 : i32
        %add3A_637 = arith.addi %mul3A_635, %add3A_636 : i32
        %get3A_638 = arith.index_cast %add3A_637 : i32 to index
        %get3A_639 = arith.constant 16 : index
        %get3A_640 = tpu.vector_load %arg5[%get3A_638, %get3A_639] {strides = array<i32>} : memref<128x64xf32, #tpu.memory_space<vmem>>, vector<16xf32>,
        %mul3A_641 = arith.mulf %gather3A_624, %get3A_640 : vector<16xf32>
        %add3A_642 = arith.addf %add3A_562, %mul3A_641 : vector<16xf32>
        %mul3A_643 = arith.constant 16 : i32
        %mul3A_644 = arith.muli %scan3A_167, %mul3A_643 : i32
        %add3A_645 = arith.constant 11 : i32
        %add3A_646 = arith.addi %mul3A_644, %add3A_645 : i32
        %get3A_647 = arith.index_cast %add3A_646 : i32 to index
        %get3A_648 = arith.constant 32 : index
        %get3A_649 = tpu.vector_load %arg5[%get3A_647, %get3A_648] {strides = array<i32>} : memref<128x64xf32, #tpu.memory_space<vmem>>, vector<16xf32>,
        %mul3A_650 = arith.mulf %gather3A_624, %get3A_649 : vector<16xf32>
        %add3A_651 = arith.addf %add3A_571, %mul3A_650 : vector<16xf32>
        %mul3A_652 = arith.constant 16 : i32
        %mul3A_653 = arith.muli %scan3A_167, %mul3A_652 : i32
        %add3A_654 = arith.constant 11 : i32
        %add3A_655 = arith.addi %mul3A_653, %add3A_654 : i32
        %get3A_656 = arith.index_cast %add3A_655 : i32 to index
        %get3A_657 = arith.constant 48 : index
        %get3A_658 = tpu.vector_load %arg5[%get3A_656, %get3A_657] {strides = array<i32>} : memref<128x64xf32, #tpu.memory_space<vmem>>, vector<16xf32>,
        %mul3A_659 = arith.mulf %gather3A_624, %get3A_658 : vector<16xf32>
        %add3A_660 = arith.addf %add3A_580, %mul3A_659 : vector<16xf32>
        %broadcast_in_dim3A_661 = arith.constant 12 : i32
        %broadcast_in_dim3A_662 = vector.broadcast %broadcast_in_dim3A_661 : i32 to vector<16x1xi32>
        %gather3A_663 = vector.shape_cast %broadcast_in_dim3A_662 : vector<16x1xi32> to vector<16xi32>
        %gather3A_664 = tpu.dynamic_gather %get3A_181[%gather3A_663] in [0] : vector<16xf32>, vector<16xi32> -> vector<16xf32>
        %mul3A_665 = arith.constant 16 : i32
        %mul3A_666 = arith.muli %scan3A_167, %mul3A_665 : i32
        %add3A_667 = arith.constant 12 : i32
        %add3A_668 = arith.addi %mul3A_666, %add3A_667 : i32
        %get3A_669 = arith.index_cast %add3A_668 : i32 to index
        %get3A_670 = arith.constant 0 : index
        %get3A_671 = tpu.vector_load %arg5[%get3A_669, %get3A_670] {strides = array<i32>} : memref<128x64xf32, #tpu.memory_space<vmem>>, vector<16xf32>,
        %mul3A_672 = arith.mulf %gather3A_664, %get3A_671 : vector<16xf32>
        %add3A_673 = arith.addf %add3A_593, %mul3A_672 : vector<16xf32>
        %mul3A_674 = arith.constant 16 : i32
        %mul3A_675 = arith.muli %scan3A_167, %mul3A_674 : i32
        %add3A_676 = arith.constant 12 : i32
        %add3A_677 = arith.addi %mul3A_675, %add3A_676 : i32
        %get3A_678 = arith.index_cast %add3A_677 : i32 to index
        %get3A_679 = arith.constant 16 : index
        %get3A_680 = tpu.vector_load %arg5[%get3A_678, %get3A_679] {strides = array<i32>} : memref<128x64xf32, #tpu.memory_space<vmem>>, vector<16xf32>,
        %mul3A_681 = arith.mulf %gather3A_664, %get3A_680 : vector<16xf32>
        %add3A_682 = arith.addf %add3A_602, %mul3A_681 : vector<16xf32>
        %mul3A_683 = arith.constant 16 : i32
        %mul3A_684 = arith.muli %scan3A_167, %mul3A_683 : i32
        %add3A_685 = arith.constant 12 : i32
        %add3A_686 = arith.addi %mul3A_684, %add3A_685 : i32
        %get3A_687 = arith.index_cast %add3A_686 : i32 to index
        %get3A_688 = arith.constant 32 : index
        %get3A_689 = tpu.vector_load %arg5[%get3A_687, %get3A_688] {strides = array<i32>} : memref<128x64xf32, #tpu.memory_space<vmem>>, vector<16xf32>,
        %mul3A_690 = arith.mulf %gather3A_664, %get3A_689 : vector<16xf32>
        %add3A_691 = arith.addf %add3A_611, %mul3A_690 : vector<16xf32>
        %mul3A_692 = arith.constant 16 : i32
        %mul3A_693 = arith.muli %scan3A_167, %mul3A_692 : i32
        %add3A_694 = arith.constant 12 : i32
        %add3A_695 = arith.addi %mul3A_693, %add3A_694 : i32
        %get3A_696 = arith.index_cast %add3A_695 : i32 to index
        %get3A_697 = arith.constant 48 : index
        %get3A_698 = tpu.vector_load %arg5[%get3A_696, %get3A_697] {strides = array<i32>} : memref<128x64xf32, #tpu.memory_space<vmem>>, vector<16xf32>,
        %mul3A_699 = arith.mulf %gather3A_664, %get3A_698 : vector<16xf32>
        %add3A_700 = arith.addf %add3A_620, %mul3A_699 : vector<16xf32>
        %broadcast_in_dim3A_701 = arith.constant 13 : i32
        %broadcast_in_dim3A_702 = vector.broadcast %broadcast_in_dim3A_701 : i32 to vector<16x1xi32>
        %gather3A_703 = vector.shape_cast %broadcast_in_dim3A_702 : vector<16x1xi32> to vector<16xi32>
        %gather3A_704 = tpu.dynamic_gather %get3A_181[%gather3A_703] in [0] : vector<16xf32>, vector<16xi32> -> vector<16xf32>
        %mul3A_705 = arith.constant 16 : i32
        %mul3A_706 = arith.muli %scan3A_167, %mul3A_705 : i32
        %add3A_707 = arith.constant 13 : i32
        %add3A_708 = arith.addi %mul3A_706, %add3A_707 : i32
        %get3A_709 = arith.index_cast %add3A_708 : i32 to index
        %get3A_710 = arith.constant 0 : index
        %get3A_711 = tpu.vector_load %arg5[%get3A_709, %get3A_710] {strides = array<i32>} : memref<128x64xf32, #tpu.memory_space<vmem>>, vector<16xf32>,
        %mul3A_712 = arith.mulf %gather3A_704, %get3A_711 : vector<16xf32>
        %add3A_713 = arith.addf %add3A_633, %mul3A_712 : vector<16xf32>
        %mul3A_714 = arith.constant 16 : i32
        %mul3A_715 = arith.muli %scan3A_167, %mul3A_714 : i32
        %add3A_716 = arith.constant 13 : i32
        %add3A_717 = arith.addi %mul3A_715, %add3A_716 : i32
        %get3A_718 = arith.index_cast %add3A_717 : i32 to index
        %get3A_719 = arith.constant 16 : index
        %get3A_720 = tpu.vector_load %arg5[%get3A_718, %get3A_719] {strides = array<i32>} : memref<128x64xf32, #tpu.memory_space<vmem>>, vector<16xf32>,
        %mul3A_721 = arith.mulf %gather3A_704, %get3A_720 : vector<16xf32>
        %add3A_722 = arith.addf %add3A_642, %mul3A_721 : vector<16xf32>
        %mul3A_723 = arith.constant 16 : i32
        %mul3A_724 = arith.muli %scan3A_167, %mul3A_723 : i32
        %add3A_725 = arith.constant 13 : i32
        %add3A_726 = arith.addi %mul3A_724, %add3A_725 : i32
        %get3A_727 = arith.index_cast %add3A_726 : i32 to index
        %get3A_728 = arith.constant 32 : index
        %get3A_729 = tpu.vector_load %arg5[%get3A_727, %get3A_728] {strides = array<i32>} : memref<128x64xf32, #tpu.memory_space<vmem>>, vector<16xf32>,
        %mul3A_730 = arith.mulf %gather3A_704, %get3A_729 : vector<16xf32>
        %add3A_731 = arith.addf %add3A_651, %mul3A_730 : vector<16xf32>
        %mul3A_732 = arith.constant 16 : i32
        %mul3A_733 = arith.muli %scan3A_167, %mul3A_732 : i32
        %add3A_734 = arith.constant 13 : i32
        %add3A_735 = arith.addi %mul3A_733, %add3A_734 : i32
        %get3A_736 = arith.index_cast %add3A_735 : i32 to index
        %get3A_737 = arith.constant 48 : index
        %get3A_738 = tpu.vector_load %arg5[%get3A_736, %get3A_737] {strides = array<i32>} : memref<128x64xf32, #tpu.memory_space<vmem>>, vector<16xf32>,
        %mul3A_739 = arith.mulf %gather3A_704, %get3A_738 : vector<16xf32>
        %add3A_740 = arith.addf %add3A_660, %mul3A_739 : vector<16xf32>
        %broadcast_in_dim3A_741 = arith.constant 14 : i32
        %broadcast_in_dim3A_742 = vector.broadcast %broadcast_in_dim3A_741 : i32 to vector<16x1xi32>
        %gather3A_743 = vector.shape_cast %broadcast_in_dim3A_742 : vector<16x1xi32> to vector<16xi32>
        %gather3A_744 = tpu.dynamic_gather %get3A_181[%gather3A_743] in [0] : vector<16xf32>, vector<16xi32> -> vector<16xf32>
        %mul3A_745 = arith.constant 16 : i32
        %mul3A_746 = arith.muli %scan3A_167, %mul3A_745 : i32
        %add3A_747 = arith.constant 14 : i32
        %add3A_748 = arith.addi %mul3A_746, %add3A_747 : i32
        %get3A_749 = arith.index_cast %add3A_748 : i32 to index
        %get3A_750 = arith.constant 0 : index
        %get3A_751 = tpu.vector_load %arg5[%get3A_749, %get3A_750] {strides = array<i32>} : memref<128x64xf32, #tpu.memory_space<vmem>>, vector<16xf32>,
        %mul3A_752 = arith.mulf %gather3A_744, %get3A_751 : vector<16xf32>
        %add3A_753 = arith.addf %add3A_673, %mul3A_752 : vector<16xf32>
        %mul3A_754 = arith.constant 16 : i32
        %mul3A_755 = arith.muli %scan3A_167, %mul3A_754 : i32
        %add3A_756 = arith.constant 14 : i32
        %add3A_757 = arith.addi %mul3A_755, %add3A_756 : i32
        %get3A_758 = arith.index_cast %add3A_757 : i32 to index
        %get3A_759 = arith.constant 16 : index
        %get3A_760 = tpu.vector_load %arg5[%get3A_758, %get3A_759] {strides = array<i32>} : memref<128x64xf32, #tpu.memory_space<vmem>>, vector<16xf32>,
        %mul3A_761 = arith.mulf %gather3A_744, %get3A_760 : vector<16xf32>
        %add3A_762 = arith.addf %add3A_682, %mul3A_761 : vector<16xf32>
        %mul3A_763 = arith.constant 16 : i32
        %mul3A_764 = arith.muli %scan3A_167, %mul3A_763 : i32
        %add3A_765 = arith.constant 14 : i32
        %add3A_766 = arith.addi %mul3A_764, %add3A_765 : i32
        %get3A_767 = arith.index_cast %add3A_766 : i32 to index
        %get3A_768 = arith.constant 32 : index
        %get3A_769 = tpu.vector_load %arg5[%get3A_767, %get3A_768] {strides = array<i32>} : memref<128x64xf32, #tpu.memory_space<vmem>>, vector<16xf32>,
        %mul3A_770 = arith.mulf %gather3A_744, %get3A_769 : vector<16xf32>
        %add3A_771 = arith.addf %add3A_691, %mul3A_770 : vector<16xf32>
        %mul3A_772 = arith.constant 16 : i32
        %mul3A_773 = arith.muli %scan3A_167, %mul3A_772 : i32
        %add3A_774 = arith.constant 14 : i32
        %add3A_775 = arith.addi %mul3A_773, %add3A_774 : i32
        %get3A_776 = arith.index_cast %add3A_775 : i32 to index
        %get3A_777 = arith.constant 48 : index
        %get3A_778 = tpu.vector_load %arg5[%get3A_776, %get3A_777] {strides = array<i32>} : memref<128x64xf32, #tpu.memory_space<vmem>>, vector<16xf32>,
        %mul3A_779 = arith.mulf %gather3A_744, %get3A_778 : vector<16xf32>
        %add3A_780 = arith.addf %add3A_700, %mul3A_779 : vector<16xf32>
        %broadcast_in_dim3A_781 = arith.constant 15 : i32
        %broadcast_in_dim3A_782 = vector.broadcast %broadcast_in_dim3A_781 : i32 to vector<16x1xi32>
        %gather3A_783 = vector.shape_cast %broadcast_in_dim3A_782 : vector<16x1xi32> to vector<16xi32>
        %gather3A_784 = tpu.dynamic_gather %get3A_181[%gather3A_783] in [0] : vector<16xf32>, vector<16xi32> -> vector<16xf32>
        %mul3A_785 = arith.constant 16 : i32
        %mul3A_786 = arith.muli %scan3A_167, %mul3A_785 : i32
        %add3A_787 = arith.constant 15 : i32
        %add3A_788 = arith.addi %mul3A_786, %add3A_787 : i32
        %get3A_789 = arith.index_cast %add3A_788 : i32 to index
        %get3A_790 = arith.constant 0 : index
        %get3A_791 = tpu.vector_load %arg5[%get3A_789, %get3A_790] {strides = array<i32>} : memref<128x64xf32, #tpu.memory_space<vmem>>, vector<16xf32>,
        %mul3A_792 = arith.mulf %gather3A_784, %get3A_791 : vector<16xf32>
        %add3A_793 = arith.addf %add3A_713, %mul3A_792 : vector<16xf32>
        %mul3A_794 = arith.constant 16 : i32
        %mul3A_795 = arith.muli %scan3A_167, %mul3A_794 : i32
        %add3A_796 = arith.constant 15 : i32
        %add3A_797 = arith.addi %mul3A_795, %add3A_796 : i32
        %get3A_798 = arith.index_cast %add3A_797 : i32 to index
        %get3A_799 = arith.constant 16 : index
        %get3A_800 = tpu.vector_load %arg5[%get3A_798, %get3A_799] {strides = array<i32>} : memref<128x64xf32, #tpu.memory_space<vmem>>, vector<16xf32>,
        %mul3A_801 = arith.mulf %gather3A_784, %get3A_800 : vector<16xf32>
        %add3A_802 = arith.addf %add3A_722, %mul3A_801 : vector<16xf32>
        %mul3A_803 = arith.constant 16 : i32
        %mul3A_804 = arith.muli %scan3A_167, %mul3A_803 : i32
        %add3A_805 = arith.constant 15 : i32
        %add3A_806 = arith.addi %mul3A_804, %add3A_805 : i32
        %get3A_807 = arith.index_cast %add3A_806 : i32 to index
        %get3A_808 = arith.constant 32 : index
        %get3A_809 = tpu.vector_load %arg5[%get3A_807, %get3A_808] {strides = array<i32>} : memref<128x64xf32, #tpu.memory_space<vmem>>, vector<16xf32>,
        %mul3A_810 = arith.mulf %gather3A_784, %get3A_809 : vector<16xf32>
        %add3A_811 = arith.addf %add3A_731, %mul3A_810 : vector<16xf32>
        %mul3A_812 = arith.constant 16 : i32
        %mul3A_813 = arith.muli %scan3A_167, %mul3A_812 : i32
        %add3A_814 = arith.constant 15 : i32
        %add3A_815 = arith.addi %mul3A_813, %add3A_814 : i32
        %get3A_816 = arith.index_cast %add3A_815 : i32 to index
        %get3A_817 = arith.constant 48 : index
        %get3A_818 = tpu.vector_load %arg5[%get3A_816, %get3A_817] {strides = array<i32>} : memref<128x64xf32, #tpu.memory_space<vmem>>, vector<16xf32>,
        %mul3A_819 = arith.mulf %gather3A_784, %get3A_818 : vector<16xf32>
        %add3A_820 = arith.addf %add3A_740, %mul3A_819 : vector<16xf32>
        scf.yield %add3A_753, %add3A_762, %add3A_771, %add3A_780, %add3A_793, %add3A_802, %add3A_811, %add3A_820 : vector<16xf32>, vector<16xf32>, vector<16xf32>, vector<16xf32>, vector<16xf32>, vector<16xf32>, vector<16xf32>, vector<16xf32>
      }
      %scan3A_84 = arith.constant 8 : i32
      %add3A_85 = arith.constant 4 : i32
      %add3A_86 = arith.addi %add3A_69, %add3A_85 : i32
      %lt3A = arith.constant 128 : i32
      %lt3A_87 = arith.cmpi slt, %add3A_86, %lt3A : i32
      %convert_element_type3A = arith.extui %lt3A_87 : i1 to i32
      %cond3A = arith.constant 0 : i32
      %cond3A_88 = arith.cmpi ne, %convert_element_type3A, %cond3A : i32
      scf.if %cond3A_88 {
        %add3A_167 = arith.constant 4 : i32
        %add3A_168 = arith.addi %add3A_69, %add3A_167 : i32
        %mul3A_169 = arith.constant 128 : i32
        %mul3A_170 = arith.muli %add3A_168, %mul3A_169 : i32
        %add3A_171 = arith.addi %add3A_1, %mul3A_170 : i32
        %dma_start3A_172 = arith.constant 0 : i32
        %dma_start3A_173 = tpu.memref_slice %arg3[%arg1, %add3A_171, %dma_start3A_172] : memref<16x65536x64xf32, #tpu.memory_space<hbm>> -> memref<1x128x64xf32, #tpu.memory_space<hbm>>
        %dma_start3A_174 = tpu.memref_squeeze %dma_start3A_173 : memref<1x128x64xf32, #tpu.memory_space<hbm>> -> memref<128x64xf32, #tpu.memory_space<hbm>>
        %dma_start3A_175 = arith.constant 0 : i32
        %dma_start3A_176 = tpu.memref_slice %arg3[%arg1, %add3A_171, %dma_start3A_175] : memref<16x65536x64xf32, #tpu.memory_space<hbm>> -> memref<1x128x64xf32, #tpu.memory_space<hbm>>
        %dma_start3A_177 = tpu.memref_squeeze %dma_start3A_176 : memref<1x128x64xf32, #tpu.memory_space<hbm>> -> memref<128x64xf32, #tpu.memory_space<hbm>>
        tpu.enqueue_dma source(%dma_start3A_177 : memref<128x64xf32, #tpu.memory_space<hbm>>) target(%arg5 : memref<128x64xf32, #tpu.memory_space<vmem>>) target_semaphore(%arg11 : memref<!tpu.dma_semaphore, #tpu.memory_space<semaphore_mem>>)
      } else {
      }
      %mul3A_89 = arith.constant 4 : i32
      %mul3A_90 = arith.muli %scan3A_57, %mul3A_89 : i32
      %add3A_91 = arith.constant 1 : i32
      %add3A_92 = arith.addi %mul3A_90, %add3A_91 : i32
      %mul3A_93 = arith.constant 128 : i32
      %mul3A_94 = arith.muli %add3A_92, %mul3A_93 : i32
      %add3A_95 = arith.addi %add3A_1, %mul3A_94 : i32
      %dma_wait3A_96 = arith.constant 0 : i32
      %dma_wait3A_97 = tpu.memref_slice %arg3[%arg1, %add3A_95, %dma_wait3A_96] : memref<16x65536x64xf32, #tpu.memory_space<hbm>> -> memref<1x128x64xf32, #tpu.memory_space<hbm>>
      %dma_wait3A_98 = tpu.memref_squeeze %dma_wait3A_97 : memref<1x128x64xf32, #tpu.memory_space<hbm>> -> memref<128x64xf32, #tpu.memory_space<hbm>>
      %dma_wait3A_99 = arith.constant 0 : i32
      %dma_wait3A_100 = tpu.memref_slice %arg3[%arg1, %add3A_95, %dma_wait3A_99] : memref<16x65536x64xf32, #tpu.memory_space<hbm>> -> memref<1x128x64xf32, #tpu.memory_space<hbm>>
      %dma_wait3A_101 = tpu.memref_squeeze %dma_wait3A_100 : memref<1x128x64xf32, #tpu.memory_space<hbm>> -> memref<128x64xf32, #tpu.memory_space<hbm>>
      tpu.wait_dma2 semaphore(%arg12 : memref<!tpu.dma_semaphore, #tpu.memory_space<semaphore_mem>>) src(%dma_wait3A_101 : memref<128x64xf32, #tpu.memory_space<hbm>>) dst(%arg6 : memref<128x64xf32, #tpu.memory_space<vmem>>)
      %scan3A_102 = arith.constant 0 : i32
      %scan3A_103 = arith.constant 8 : i32
      %scan3A_104 = arith.addi %scan3A_102, %scan3A_103 : i32
      %scan3A_105 = arith.constant 1 : i32
      %scan3A_106:8 = scf.for %scan3A_167 = %scan3A_102 to %scan3A_104 step %scan3A_105 iter_args(%scan3A_168 = %scan3A_83#0, %scan3A_169 = %scan3A_83#1, %scan3A_170 = %scan3A_83#2, %scan3A_171 = %scan3A_83#3, %scan3A_172 = %scan3A_83#4, %scan3A_173 = %scan3A_83#5, %scan3A_174 = %scan3A_83#6, %scan3A_175 = %scan3A_83#7) -> (vector<16xf32>, vector<16xf32>, vector<16xf32>, vector<16xf32>, vector<16xf32>, vector<16xf32>, vector<16xf32>, vector<16xf32>)  : i32 {
        %mul3A_176 = arith.constant 128 : i32
        %mul3A_177 = arith.muli %add3A_92, %mul3A_176 : i32
        %mul3A_178 = arith.constant 16 : i32
        %mul3A_179 = arith.muli %scan3A_167, %mul3A_178 : i32
        %add3A_180 = arith.addi %mul3A_177, %mul3A_179 : i32
        %get3A = arith.index_cast %add3A_180 : i32 to index
        %get3A_181 = tpu.vector_load %arg9[%get3A] {strides = array<i32>} : memref<16384xf32, #tpu.memory_space<vmem>>, vector<16xf32>,
        %broadcast_in_dim3A_182 = arith.constant 0 : i32
        %broadcast_in_dim3A_183 = vector.broadcast %broadcast_in_dim3A_182 : i32 to vector<16x1xi32>
        %gather3A = vector.shape_cast %broadcast_in_dim3A_183 : vector<16x1xi32> to vector<16xi32>
        %gather3A_184 = tpu.dynamic_gather %get3A_181[%gather3A] in [0] : vector<16xf32>, vector<16xi32> -> vector<16xf32>
        %mul3A_185 = arith.constant 16 : i32
        %mul3A_186 = arith.muli %scan3A_167, %mul3A_185 : i32
        %add3A_187 = arith.constant 0 : i32
        %add3A_188 = arith.addi %mul3A_186, %add3A_187 : i32
        %get3A_189 = arith.index_cast %add3A_188 : i32 to index
        %get3A_190 = arith.constant 0 : index
        %get3A_191 = tpu.vector_load %arg6[%get3A_189, %get3A_190] {strides = array<i32>} : memref<128x64xf32, #tpu.memory_space<vmem>>, vector<16xf32>,
        %mul3A_192 = arith.mulf %gather3A_184, %get3A_191 : vector<16xf32>
        %add3A_193 = arith.addf %scan3A_168, %mul3A_192 : vector<16xf32>
        %mul3A_194 = arith.constant 16 : i32
        %mul3A_195 = arith.muli %scan3A_167, %mul3A_194 : i32
        %add3A_196 = arith.constant 0 : i32
        %add3A_197 = arith.addi %mul3A_195, %add3A_196 : i32
        %get3A_198 = arith.index_cast %add3A_197 : i32 to index
        %get3A_199 = arith.constant 16 : index
        %get3A_200 = tpu.vector_load %arg6[%get3A_198, %get3A_199] {strides = array<i32>} : memref<128x64xf32, #tpu.memory_space<vmem>>, vector<16xf32>,
        %mul3A_201 = arith.mulf %gather3A_184, %get3A_200 : vector<16xf32>
        %add3A_202 = arith.addf %scan3A_169, %mul3A_201 : vector<16xf32>
        %mul3A_203 = arith.constant 16 : i32
        %mul3A_204 = arith.muli %scan3A_167, %mul3A_203 : i32
        %add3A_205 = arith.constant 0 : i32
        %add3A_206 = arith.addi %mul3A_204, %add3A_205 : i32
        %get3A_207 = arith.index_cast %add3A_206 : i32 to index
        %get3A_208 = arith.constant 32 : index
        %get3A_209 = tpu.vector_load %arg6[%get3A_207, %get3A_208] {strides = array<i32>} : memref<128x64xf32, #tpu.memory_space<vmem>>, vector<16xf32>,
        %mul3A_210 = arith.mulf %gather3A_184, %get3A_209 : vector<16xf32>
        %add3A_211 = arith.addf %scan3A_170, %mul3A_210 : vector<16xf32>
        %mul3A_212 = arith.constant 16 : i32
        %mul3A_213 = arith.muli %scan3A_167, %mul3A_212 : i32
        %add3A_214 = arith.constant 0 : i32
        %add3A_215 = arith.addi %mul3A_213, %add3A_214 : i32
        %get3A_216 = arith.index_cast %add3A_215 : i32 to index
        %get3A_217 = arith.constant 48 : index
        %get3A_218 = tpu.vector_load %arg6[%get3A_216, %get3A_217] {strides = array<i32>} : memref<128x64xf32, #tpu.memory_space<vmem>>, vector<16xf32>,
        %mul3A_219 = arith.mulf %gather3A_184, %get3A_218 : vector<16xf32>
        %add3A_220 = arith.addf %scan3A_171, %mul3A_219 : vector<16xf32>
        %broadcast_in_dim3A_221 = arith.constant 1 : i32
        %broadcast_in_dim3A_222 = vector.broadcast %broadcast_in_dim3A_221 : i32 to vector<16x1xi32>
        %gather3A_223 = vector.shape_cast %broadcast_in_dim3A_222 : vector<16x1xi32> to vector<16xi32>
        %gather3A_224 = tpu.dynamic_gather %get3A_181[%gather3A_223] in [0] : vector<16xf32>, vector<16xi32> -> vector<16xf32>
        %mul3A_225 = arith.constant 16 : i32
        %mul3A_226 = arith.muli %scan3A_167, %mul3A_225 : i32
        %add3A_227 = arith.constant 1 : i32
        %add3A_228 = arith.addi %mul3A_226, %add3A_227 : i32
        %get3A_229 = arith.index_cast %add3A_228 : i32 to index
        %get3A_230 = arith.constant 0 : index
        %get3A_231 = tpu.vector_load %arg6[%get3A_229, %get3A_230] {strides = array<i32>} : memref<128x64xf32, #tpu.memory_space<vmem>>, vector<16xf32>,
        %mul3A_232 = arith.mulf %gather3A_224, %get3A_231 : vector<16xf32>
        %add3A_233 = arith.addf %scan3A_172, %mul3A_232 : vector<16xf32>
        %mul3A_234 = arith.constant 16 : i32
        %mul3A_235 = arith.muli %scan3A_167, %mul3A_234 : i32
        %add3A_236 = arith.constant 1 : i32
        %add3A_237 = arith.addi %mul3A_235, %add3A_236 : i32
        %get3A_238 = arith.index_cast %add3A_237 : i32 to index
        %get3A_239 = arith.constant 16 : index
        %get3A_240 = tpu.vector_load %arg6[%get3A_238, %get3A_239] {strides = array<i32>} : memref<128x64xf32, #tpu.memory_space<vmem>>, vector<16xf32>,
        %mul3A_241 = arith.mulf %gather3A_224, %get3A_240 : vector<16xf32>
        %add3A_242 = arith.addf %scan3A_173, %mul3A_241 : vector<16xf32>
        %mul3A_243 = arith.constant 16 : i32
        %mul3A_244 = arith.muli %scan3A_167, %mul3A_243 : i32
        %add3A_245 = arith.constant 1 : i32
        %add3A_246 = arith.addi %mul3A_244, %add3A_245 : i32
        %get3A_247 = arith.index_cast %add3A_246 : i32 to index
        %get3A_248 = arith.constant 32 : index
        %get3A_249 = tpu.vector_load %arg6[%get3A_247, %get3A_248] {strides = array<i32>} : memref<128x64xf32, #tpu.memory_space<vmem>>, vector<16xf32>,
        %mul3A_250 = arith.mulf %gather3A_224, %get3A_249 : vector<16xf32>
        %add3A_251 = arith.addf %scan3A_174, %mul3A_250 : vector<16xf32>
        %mul3A_252 = arith.constant 16 : i32
        %mul3A_253 = arith.muli %scan3A_167, %mul3A_252 : i32
        %add3A_254 = arith.constant 1 : i32
        %add3A_255 = arith.addi %mul3A_253, %add3A_254 : i32
        %get3A_256 = arith.index_cast %add3A_255 : i32 to index
        %get3A_257 = arith.constant 48 : index
        %get3A_258 = tpu.vector_load %arg6[%get3A_256, %get3A_257] {strides = array<i32>} : memref<128x64xf32, #tpu.memory_space<vmem>>, vector<16xf32>,
        %mul3A_259 = arith.mulf %gather3A_224, %get3A_258 : vector<16xf32>
        %add3A_260 = arith.addf %scan3A_175, %mul3A_259 : vector<16xf32>
        %broadcast_in_dim3A_261 = arith.constant 2 : i32
        %broadcast_in_dim3A_262 = vector.broadcast %broadcast_in_dim3A_261 : i32 to vector<16x1xi32>
        %gather3A_263 = vector.shape_cast %broadcast_in_dim3A_262 : vector<16x1xi32> to vector<16xi32>
        %gather3A_264 = tpu.dynamic_gather %get3A_181[%gather3A_263] in [0] : vector<16xf32>, vector<16xi32> -> vector<16xf32>
        %mul3A_265 = arith.constant 16 : i32
        %mul3A_266 = arith.muli %scan3A_167, %mul3A_265 : i32
        %add3A_267 = arith.constant 2 : i32
        %add3A_268 = arith.addi %mul3A_266, %add3A_267 : i32
        %get3A_269 = arith.index_cast %add3A_268 : i32 to index
        %get3A_270 = arith.constant 0 : index
        %get3A_271 = tpu.vector_load %arg6[%get3A_269, %get3A_270] {strides = array<i32>} : memref<128x64xf32, #tpu.memory_space<vmem>>, vector<16xf32>,
        %mul3A_272 = arith.mulf %gather3A_264, %get3A_271 : vector<16xf32>
        %add3A_273 = arith.addf %add3A_193, %mul3A_272 : vector<16xf32>
        %mul3A_274 = arith.constant 16 : i32
        %mul3A_275 = arith.muli %scan3A_167, %mul3A_274 : i32
        %add3A_276 = arith.constant 2 : i32
        %add3A_277 = arith.addi %mul3A_275, %add3A_276 : i32
        %get3A_278 = arith.index_cast %add3A_277 : i32 to index
        %get3A_279 = arith.constant 16 : index
        %get3A_280 = tpu.vector_load %arg6[%get3A_278, %get3A_279] {strides = array<i32>} : memref<128x64xf32, #tpu.memory_space<vmem>>, vector<16xf32>,
        %mul3A_281 = arith.mulf %gather3A_264, %get3A_280 : vector<16xf32>
        %add3A_282 = arith.addf %add3A_202, %mul3A_281 : vector<16xf32>
        %mul3A_283 = arith.constant 16 : i32
        %mul3A_284 = arith.muli %scan3A_167, %mul3A_283 : i32
        %add3A_285 = arith.constant 2 : i32
        %add3A_286 = arith.addi %mul3A_284, %add3A_285 : i32
        %get3A_287 = arith.index_cast %add3A_286 : i32 to index
        %get3A_288 = arith.constant 32 : index
        %get3A_289 = tpu.vector_load %arg6[%get3A_287, %get3A_288] {strides = array<i32>} : memref<128x64xf32, #tpu.memory_space<vmem>>, vector<16xf32>,
        %mul3A_290 = arith.mulf %gather3A_264, %get3A_289 : vector<16xf32>
        %add3A_291 = arith.addf %add3A_211, %mul3A_290 : vector<16xf32>
        %mul3A_292 = arith.constant 16 : i32
        %mul3A_293 = arith.muli %scan3A_167, %mul3A_292 : i32
        %add3A_294 = arith.constant 2 : i32
        %add3A_295 = arith.addi %mul3A_293, %add3A_294 : i32
        %get3A_296 = arith.index_cast %add3A_295 : i32 to index
        %get3A_297 = arith.constant 48 : index
        %get3A_298 = tpu.vector_load %arg6[%get3A_296, %get3A_297] {strides = array<i32>} : memref<128x64xf32, #tpu.memory_space<vmem>>, vector<16xf32>,
        %mul3A_299 = arith.mulf %gather3A_264, %get3A_298 : vector<16xf32>
        %add3A_300 = arith.addf %add3A_220, %mul3A_299 : vector<16xf32>
        %broadcast_in_dim3A_301 = arith.constant 3 : i32
        %broadcast_in_dim3A_302 = vector.broadcast %broadcast_in_dim3A_301 : i32 to vector<16x1xi32>
        %gather3A_303 = vector.shape_cast %broadcast_in_dim3A_302 : vector<16x1xi32> to vector<16xi32>
        %gather3A_304 = tpu.dynamic_gather %get3A_181[%gather3A_303] in [0] : vector<16xf32>, vector<16xi32> -> vector<16xf32>
        %mul3A_305 = arith.constant 16 : i32
        %mul3A_306 = arith.muli %scan3A_167, %mul3A_305 : i32
        %add3A_307 = arith.constant 3 : i32
        %add3A_308 = arith.addi %mul3A_306, %add3A_307 : i32
        %get3A_309 = arith.index_cast %add3A_308 : i32 to index
        %get3A_310 = arith.constant 0 : index
        %get3A_311 = tpu.vector_load %arg6[%get3A_309, %get3A_310] {strides = array<i32>} : memref<128x64xf32, #tpu.memory_space<vmem>>, vector<16xf32>,
        %mul3A_312 = arith.mulf %gather3A_304, %get3A_311 : vector<16xf32>
        %add3A_313 = arith.addf %add3A_233, %mul3A_312 : vector<16xf32>
        %mul3A_314 = arith.constant 16 : i32
        %mul3A_315 = arith.muli %scan3A_167, %mul3A_314 : i32
        %add3A_316 = arith.constant 3 : i32
        %add3A_317 = arith.addi %mul3A_315, %add3A_316 : i32
        %get3A_318 = arith.index_cast %add3A_317 : i32 to index
        %get3A_319 = arith.constant 16 : index
        %get3A_320 = tpu.vector_load %arg6[%get3A_318, %get3A_319] {strides = array<i32>} : memref<128x64xf32, #tpu.memory_space<vmem>>, vector<16xf32>,
        %mul3A_321 = arith.mulf %gather3A_304, %get3A_320 : vector<16xf32>
        %add3A_322 = arith.addf %add3A_242, %mul3A_321 : vector<16xf32>
        %mul3A_323 = arith.constant 16 : i32
        %mul3A_324 = arith.muli %scan3A_167, %mul3A_323 : i32
        %add3A_325 = arith.constant 3 : i32
        %add3A_326 = arith.addi %mul3A_324, %add3A_325 : i32
        %get3A_327 = arith.index_cast %add3A_326 : i32 to index
        %get3A_328 = arith.constant 32 : index
        %get3A_329 = tpu.vector_load %arg6[%get3A_327, %get3A_328] {strides = array<i32>} : memref<128x64xf32, #tpu.memory_space<vmem>>, vector<16xf32>,
        %mul3A_330 = arith.mulf %gather3A_304, %get3A_329 : vector<16xf32>
        %add3A_331 = arith.addf %add3A_251, %mul3A_330 : vector<16xf32>
        %mul3A_332 = arith.constant 16 : i32
        %mul3A_333 = arith.muli %scan3A_167, %mul3A_332 : i32
        %add3A_334 = arith.constant 3 : i32
        %add3A_335 = arith.addi %mul3A_333, %add3A_334 : i32
        %get3A_336 = arith.index_cast %add3A_335 : i32 to index
        %get3A_337 = arith.constant 48 : index
        %get3A_338 = tpu.vector_load %arg6[%get3A_336, %get3A_337] {strides = array<i32>} : memref<128x64xf32, #tpu.memory_space<vmem>>, vector<16xf32>,
        %mul3A_339 = arith.mulf %gather3A_304, %get3A_338 : vector<16xf32>
        %add3A_340 = arith.addf %add3A_260, %mul3A_339 : vector<16xf32>
        %broadcast_in_dim3A_341 = arith.constant 4 : i32
        %broadcast_in_dim3A_342 = vector.broadcast %broadcast_in_dim3A_341 : i32 to vector<16x1xi32>
        %gather3A_343 = vector.shape_cast %broadcast_in_dim3A_342 : vector<16x1xi32> to vector<16xi32>
        %gather3A_344 = tpu.dynamic_gather %get3A_181[%gather3A_343] in [0] : vector<16xf32>, vector<16xi32> -> vector<16xf32>
        %mul3A_345 = arith.constant 16 : i32
        %mul3A_346 = arith.muli %scan3A_167, %mul3A_345 : i32
        %add3A_347 = arith.constant 4 : i32
        %add3A_348 = arith.addi %mul3A_346, %add3A_347 : i32
        %get3A_349 = arith.index_cast %add3A_348 : i32 to index
        %get3A_350 = arith.constant 0 : index
        %get3A_351 = tpu.vector_load %arg6[%get3A_349, %get3A_350] {strides = array<i32>} : memref<128x64xf32, #tpu.memory_space<vmem>>, vector<16xf32>,
        %mul3A_352 = arith.mulf %gather3A_344, %get3A_351 : vector<16xf32>
        %add3A_353 = arith.addf %add3A_273, %mul3A_352 : vector<16xf32>
        %mul3A_354 = arith.constant 16 : i32
        %mul3A_355 = arith.muli %scan3A_167, %mul3A_354 : i32
        %add3A_356 = arith.constant 4 : i32
        %add3A_357 = arith.addi %mul3A_355, %add3A_356 : i32
        %get3A_358 = arith.index_cast %add3A_357 : i32 to index
        %get3A_359 = arith.constant 16 : index
        %get3A_360 = tpu.vector_load %arg6[%get3A_358, %get3A_359] {strides = array<i32>} : memref<128x64xf32, #tpu.memory_space<vmem>>, vector<16xf32>,
        %mul3A_361 = arith.mulf %gather3A_344, %get3A_360 : vector<16xf32>
        %add3A_362 = arith.addf %add3A_282, %mul3A_361 : vector<16xf32>
        %mul3A_363 = arith.constant 16 : i32
        %mul3A_364 = arith.muli %scan3A_167, %mul3A_363 : i32
        %add3A_365 = arith.constant 4 : i32
        %add3A_366 = arith.addi %mul3A_364, %add3A_365 : i32
        %get3A_367 = arith.index_cast %add3A_366 : i32 to index
        %get3A_368 = arith.constant 32 : index
        %get3A_369 = tpu.vector_load %arg6[%get3A_367, %get3A_368] {strides = array<i32>} : memref<128x64xf32, #tpu.memory_space<vmem>>, vector<16xf32>,
        %mul3A_370 = arith.mulf %gather3A_344, %get3A_369 : vector<16xf32>
        %add3A_371 = arith.addf %add3A_291, %mul3A_370 : vector<16xf32>
        %mul3A_372 = arith.constant 16 : i32
        %mul3A_373 = arith.muli %scan3A_167, %mul3A_372 : i32
        %add3A_374 = arith.constant 4 : i32
        %add3A_375 = arith.addi %mul3A_373, %add3A_374 : i32
        %get3A_376 = arith.index_cast %add3A_375 : i32 to index
        %get3A_377 = arith.constant 48 : index
        %get3A_378 = tpu.vector_load %arg6[%get3A_376, %get3A_377] {strides = array<i32>} : memref<128x64xf32, #tpu.memory_space<vmem>>, vector<16xf32>,
        %mul3A_379 = arith.mulf %gather3A_344, %get3A_378 : vector<16xf32>
        %add3A_380 = arith.addf %add3A_300, %mul3A_379 : vector<16xf32>
        %broadcast_in_dim3A_381 = arith.constant 5 : i32
        %broadcast_in_dim3A_382 = vector.broadcast %broadcast_in_dim3A_381 : i32 to vector<16x1xi32>
        %gather3A_383 = vector.shape_cast %broadcast_in_dim3A_382 : vector<16x1xi32> to vector<16xi32>
        %gather3A_384 = tpu.dynamic_gather %get3A_181[%gather3A_383] in [0] : vector<16xf32>, vector<16xi32> -> vector<16xf32>
        %mul3A_385 = arith.constant 16 : i32
        %mul3A_386 = arith.muli %scan3A_167, %mul3A_385 : i32
        %add3A_387 = arith.constant 5 : i32
        %add3A_388 = arith.addi %mul3A_386, %add3A_387 : i32
        %get3A_389 = arith.index_cast %add3A_388 : i32 to index
        %get3A_390 = arith.constant 0 : index
        %get3A_391 = tpu.vector_load %arg6[%get3A_389, %get3A_390] {strides = array<i32>} : memref<128x64xf32, #tpu.memory_space<vmem>>, vector<16xf32>,
        %mul3A_392 = arith.mulf %gather3A_384, %get3A_391 : vector<16xf32>
        %add3A_393 = arith.addf %add3A_313, %mul3A_392 : vector<16xf32>
        %mul3A_394 = arith.constant 16 : i32
        %mul3A_395 = arith.muli %scan3A_167, %mul3A_394 : i32
        %add3A_396 = arith.constant 5 : i32
        %add3A_397 = arith.addi %mul3A_395, %add3A_396 : i32
        %get3A_398 = arith.index_cast %add3A_397 : i32 to index
        %get3A_399 = arith.constant 16 : index
        %get3A_400 = tpu.vector_load %arg6[%get3A_398, %get3A_399] {strides = array<i32>} : memref<128x64xf32, #tpu.memory_space<vmem>>, vector<16xf32>,
        %mul3A_401 = arith.mulf %gather3A_384, %get3A_400 : vector<16xf32>
        %add3A_402 = arith.addf %add3A_322, %mul3A_401 : vector<16xf32>
        %mul3A_403 = arith.constant 16 : i32
        %mul3A_404 = arith.muli %scan3A_167, %mul3A_403 : i32
        %add3A_405 = arith.constant 5 : i32
        %add3A_406 = arith.addi %mul3A_404, %add3A_405 : i32
        %get3A_407 = arith.index_cast %add3A_406 : i32 to index
        %get3A_408 = arith.constant 32 : index
        %get3A_409 = tpu.vector_load %arg6[%get3A_407, %get3A_408] {strides = array<i32>} : memref<128x64xf32, #tpu.memory_space<vmem>>, vector<16xf32>,
        %mul3A_410 = arith.mulf %gather3A_384, %get3A_409 : vector<16xf32>
        %add3A_411 = arith.addf %add3A_331, %mul3A_410 : vector<16xf32>
        %mul3A_412 = arith.constant 16 : i32
        %mul3A_413 = arith.muli %scan3A_167, %mul3A_412 : i32
        %add3A_414 = arith.constant 5 : i32
        %add3A_415 = arith.addi %mul3A_413, %add3A_414 : i32
        %get3A_416 = arith.index_cast %add3A_415 : i32 to index
        %get3A_417 = arith.constant 48 : index
        %get3A_418 = tpu.vector_load %arg6[%get3A_416, %get3A_417] {strides = array<i32>} : memref<128x64xf32, #tpu.memory_space<vmem>>, vector<16xf32>,
        %mul3A_419 = arith.mulf %gather3A_384, %get3A_418 : vector<16xf32>
        %add3A_420 = arith.addf %add3A_340, %mul3A_419 : vector<16xf32>
        %broadcast_in_dim3A_421 = arith.constant 6 : i32
        %broadcast_in_dim3A_422 = vector.broadcast %broadcast_in_dim3A_421 : i32 to vector<16x1xi32>
        %gather3A_423 = vector.shape_cast %broadcast_in_dim3A_422 : vector<16x1xi32> to vector<16xi32>
        %gather3A_424 = tpu.dynamic_gather %get3A_181[%gather3A_423] in [0] : vector<16xf32>, vector<16xi32> -> vector<16xf32>
        %mul3A_425 = arith.constant 16 : i32
        %mul3A_426 = arith.muli %scan3A_167, %mul3A_425 : i32
        %add3A_427 = arith.constant 6 : i32
        %add3A_428 = arith.addi %mul3A_426, %add3A_427 : i32
        %get3A_429 = arith.index_cast %add3A_428 : i32 to index
        %get3A_430 = arith.constant 0 : index
        %get3A_431 = tpu.vector_load %arg6[%get3A_429, %get3A_430] {strides = array<i32>} : memref<128x64xf32, #tpu.memory_space<vmem>>, vector<16xf32>,
        %mul3A_432 = arith.mulf %gather3A_424, %get3A_431 : vector<16xf32>
        %add3A_433 = arith.addf %add3A_353, %mul3A_432 : vector<16xf32>
        %mul3A_434 = arith.constant 16 : i32
        %mul3A_435 = arith.muli %scan3A_167, %mul3A_434 : i32
        %add3A_436 = arith.constant 6 : i32
        %add3A_437 = arith.addi %mul3A_435, %add3A_436 : i32
        %get3A_438 = arith.index_cast %add3A_437 : i32 to index
        %get3A_439 = arith.constant 16 : index
        %get3A_440 = tpu.vector_load %arg6[%get3A_438, %get3A_439] {strides = array<i32>} : memref<128x64xf32, #tpu.memory_space<vmem>>, vector<16xf32>,
        %mul3A_441 = arith.mulf %gather3A_424, %get3A_440 : vector<16xf32>
        %add3A_442 = arith.addf %add3A_362, %mul3A_441 : vector<16xf32>
        %mul3A_443 = arith.constant 16 : i32
        %mul3A_444 = arith.muli %scan3A_167, %mul3A_443 : i32
        %add3A_445 = arith.constant 6 : i32
        %add3A_446 = arith.addi %mul3A_444, %add3A_445 : i32
        %get3A_447 = arith.index_cast %add3A_446 : i32 to index
        %get3A_448 = arith.constant 32 : index
        %get3A_449 = tpu.vector_load %arg6[%get3A_447, %get3A_448] {strides = array<i32>} : memref<128x64xf32, #tpu.memory_space<vmem>>, vector<16xf32>,
        %mul3A_450 = arith.mulf %gather3A_424, %get3A_449 : vector<16xf32>
        %add3A_451 = arith.addf %add3A_371, %mul3A_450 : vector<16xf32>
        %mul3A_452 = arith.constant 16 : i32
        %mul3A_453 = arith.muli %scan3A_167, %mul3A_452 : i32
        %add3A_454 = arith.constant 6 : i32
        %add3A_455 = arith.addi %mul3A_453, %add3A_454 : i32
        %get3A_456 = arith.index_cast %add3A_455 : i32 to index
        %get3A_457 = arith.constant 48 : index
        %get3A_458 = tpu.vector_load %arg6[%get3A_456, %get3A_457] {strides = array<i32>} : memref<128x64xf32, #tpu.memory_space<vmem>>, vector<16xf32>,
        %mul3A_459 = arith.mulf %gather3A_424, %get3A_458 : vector<16xf32>
        %add3A_460 = arith.addf %add3A_380, %mul3A_459 : vector<16xf32>
        %broadcast_in_dim3A_461 = arith.constant 7 : i32
        %broadcast_in_dim3A_462 = vector.broadcast %broadcast_in_dim3A_461 : i32 to vector<16x1xi32>
        %gather3A_463 = vector.shape_cast %broadcast_in_dim3A_462 : vector<16x1xi32> to vector<16xi32>
        %gather3A_464 = tpu.dynamic_gather %get3A_181[%gather3A_463] in [0] : vector<16xf32>, vector<16xi32> -> vector<16xf32>
        %mul3A_465 = arith.constant 16 : i32
        %mul3A_466 = arith.muli %scan3A_167, %mul3A_465 : i32
        %add3A_467 = arith.constant 7 : i32
        %add3A_468 = arith.addi %mul3A_466, %add3A_467 : i32
        %get3A_469 = arith.index_cast %add3A_468 : i32 to index
        %get3A_470 = arith.constant 0 : index
        %get3A_471 = tpu.vector_load %arg6[%get3A_469, %get3A_470] {strides = array<i32>} : memref<128x64xf32, #tpu.memory_space<vmem>>, vector<16xf32>,
        %mul3A_472 = arith.mulf %gather3A_464, %get3A_471 : vector<16xf32>
        %add3A_473 = arith.addf %add3A_393, %mul3A_472 : vector<16xf32>
        %mul3A_474 = arith.constant 16 : i32
        %mul3A_475 = arith.muli %scan3A_167, %mul3A_474 : i32
        %add3A_476 = arith.constant 7 : i32
        %add3A_477 = arith.addi %mul3A_475, %add3A_476 : i32
        %get3A_478 = arith.index_cast %add3A_477 : i32 to index
        %get3A_479 = arith.constant 16 : index
        %get3A_480 = tpu.vector_load %arg6[%get3A_478, %get3A_479] {strides = array<i32>} : memref<128x64xf32, #tpu.memory_space<vmem>>, vector<16xf32>,
        %mul3A_481 = arith.mulf %gather3A_464, %get3A_480 : vector<16xf32>
        %add3A_482 = arith.addf %add3A_402, %mul3A_481 : vector<16xf32>
        %mul3A_483 = arith.constant 16 : i32
        %mul3A_484 = arith.muli %scan3A_167, %mul3A_483 : i32
        %add3A_485 = arith.constant 7 : i32
        %add3A_486 = arith.addi %mul3A_484, %add3A_485 : i32
        %get3A_487 = arith.index_cast %add3A_486 : i32 to index
        %get3A_488 = arith.constant 32 : index
        %get3A_489 = tpu.vector_load %arg6[%get3A_487, %get3A_488] {strides = array<i32>} : memref<128x64xf32, #tpu.memory_space<vmem>>, vector<16xf32>,
        %mul3A_490 = arith.mulf %gather3A_464, %get3A_489 : vector<16xf32>
        %add3A_491 = arith.addf %add3A_411, %mul3A_490 : vector<16xf32>
        %mul3A_492 = arith.constant 16 : i32
        %mul3A_493 = arith.muli %scan3A_167, %mul3A_492 : i32
        %add3A_494 = arith.constant 7 : i32
        %add3A_495 = arith.addi %mul3A_493, %add3A_494 : i32
        %get3A_496 = arith.index_cast %add3A_495 : i32 to index
        %get3A_497 = arith.constant 48 : index
        %get3A_498 = tpu.vector_load %arg6[%get3A_496, %get3A_497] {strides = array<i32>} : memref<128x64xf32, #tpu.memory_space<vmem>>, vector<16xf32>,
        %mul3A_499 = arith.mulf %gather3A_464, %get3A_498 : vector<16xf32>
        %add3A_500 = arith.addf %add3A_420, %mul3A_499 : vector<16xf32>
        %broadcast_in_dim3A_501 = arith.constant 8 : i32
        %broadcast_in_dim3A_502 = vector.broadcast %broadcast_in_dim3A_501 : i32 to vector<16x1xi32>
        %gather3A_503 = vector.shape_cast %broadcast_in_dim3A_502 : vector<16x1xi32> to vector<16xi32>
        %gather3A_504 = tpu.dynamic_gather %get3A_181[%gather3A_503] in [0] : vector<16xf32>, vector<16xi32> -> vector<16xf32>
        %mul3A_505 = arith.constant 16 : i32
        %mul3A_506 = arith.muli %scan3A_167, %mul3A_505 : i32
        %add3A_507 = arith.constant 8 : i32
        %add3A_508 = arith.addi %mul3A_506, %add3A_507 : i32
        %get3A_509 = arith.index_cast %add3A_508 : i32 to index
        %get3A_510 = arith.constant 0 : index
        %get3A_511 = tpu.vector_load %arg6[%get3A_509, %get3A_510] {strides = array<i32>} : memref<128x64xf32, #tpu.memory_space<vmem>>, vector<16xf32>,
        %mul3A_512 = arith.mulf %gather3A_504, %get3A_511 : vector<16xf32>
        %add3A_513 = arith.addf %add3A_433, %mul3A_512 : vector<16xf32>
        %mul3A_514 = arith.constant 16 : i32
        %mul3A_515 = arith.muli %scan3A_167, %mul3A_514 : i32
        %add3A_516 = arith.constant 8 : i32
        %add3A_517 = arith.addi %mul3A_515, %add3A_516 : i32
        %get3A_518 = arith.index_cast %add3A_517 : i32 to index
        %get3A_519 = arith.constant 16 : index
        %get3A_520 = tpu.vector_load %arg6[%get3A_518, %get3A_519] {strides = array<i32>} : memref<128x64xf32, #tpu.memory_space<vmem>>, vector<16xf32>,
        %mul3A_521 = arith.mulf %gather3A_504, %get3A_520 : vector<16xf32>
        %add3A_522 = arith.addf %add3A_442, %mul3A_521 : vector<16xf32>
        %mul3A_523 = arith.constant 16 : i32
        %mul3A_524 = arith.muli %scan3A_167, %mul3A_523 : i32
        %add3A_525 = arith.constant 8 : i32
        %add3A_526 = arith.addi %mul3A_524, %add3A_525 : i32
        %get3A_527 = arith.index_cast %add3A_526 : i32 to index
        %get3A_528 = arith.constant 32 : index
        %get3A_529 = tpu.vector_load %arg6[%get3A_527, %get3A_528] {strides = array<i32>} : memref<128x64xf32, #tpu.memory_space<vmem>>, vector<16xf32>,
        %mul3A_530 = arith.mulf %gather3A_504, %get3A_529 : vector<16xf32>
        %add3A_531 = arith.addf %add3A_451, %mul3A_530 : vector<16xf32>
        %mul3A_532 = arith.constant 16 : i32
        %mul3A_533 = arith.muli %scan3A_167, %mul3A_532 : i32
        %add3A_534 = arith.constant 8 : i32
        %add3A_535 = arith.addi %mul3A_533, %add3A_534 : i32
        %get3A_536 = arith.index_cast %add3A_535 : i32 to index
        %get3A_537 = arith.constant 48 : index
        %get3A_538 = tpu.vector_load %arg6[%get3A_536, %get3A_537] {strides = array<i32>} : memref<128x64xf32, #tpu.memory_space<vmem>>, vector<16xf32>,
        %mul3A_539 = arith.mulf %gather3A_504, %get3A_538 : vector<16xf32>
        %add3A_540 = arith.addf %add3A_460, %mul3A_539 : vector<16xf32>
        %broadcast_in_dim3A_541 = arith.constant 9 : i32
        %broadcast_in_dim3A_542 = vector.broadcast %broadcast_in_dim3A_541 : i32 to vector<16x1xi32>
        %gather3A_543 = vector.shape_cast %broadcast_in_dim3A_542 : vector<16x1xi32> to vector<16xi32>
        %gather3A_544 = tpu.dynamic_gather %get3A_181[%gather3A_543] in [0] : vector<16xf32>, vector<16xi32> -> vector<16xf32>
        %mul3A_545 = arith.constant 16 : i32
        %mul3A_546 = arith.muli %scan3A_167, %mul3A_545 : i32
        %add3A_547 = arith.constant 9 : i32
        %add3A_548 = arith.addi %mul3A_546, %add3A_547 : i32
        %get3A_549 = arith.index_cast %add3A_548 : i32 to index
        %get3A_550 = arith.constant 0 : index
        %get3A_551 = tpu.vector_load %arg6[%get3A_549, %get3A_550] {strides = array<i32>} : memref<128x64xf32, #tpu.memory_space<vmem>>, vector<16xf32>,
        %mul3A_552 = arith.mulf %gather3A_544, %get3A_551 : vector<16xf32>
        %add3A_553 = arith.addf %add3A_473, %mul3A_552 : vector<16xf32>
        %mul3A_554 = arith.constant 16 : i32
        %mul3A_555 = arith.muli %scan3A_167, %mul3A_554 : i32
        %add3A_556 = arith.constant 9 : i32
        %add3A_557 = arith.addi %mul3A_555, %add3A_556 : i32
        %get3A_558 = arith.index_cast %add3A_557 : i32 to index
        %get3A_559 = arith.constant 16 : index
        %get3A_560 = tpu.vector_load %arg6[%get3A_558, %get3A_559] {strides = array<i32>} : memref<128x64xf32, #tpu.memory_space<vmem>>, vector<16xf32>,
        %mul3A_561 = arith.mulf %gather3A_544, %get3A_560 : vector<16xf32>
        %add3A_562 = arith.addf %add3A_482, %mul3A_561 : vector<16xf32>
        %mul3A_563 = arith.constant 16 : i32
        %mul3A_564 = arith.muli %scan3A_167, %mul3A_563 : i32
        %add3A_565 = arith.constant 9 : i32
        %add3A_566 = arith.addi %mul3A_564, %add3A_565 : i32
        %get3A_567 = arith.index_cast %add3A_566 : i32 to index
        %get3A_568 = arith.constant 32 : index
        %get3A_569 = tpu.vector_load %arg6[%get3A_567, %get3A_568] {strides = array<i32>} : memref<128x64xf32, #tpu.memory_space<vmem>>, vector<16xf32>,
        %mul3A_570 = arith.mulf %gather3A_544, %get3A_569 : vector<16xf32>
        %add3A_571 = arith.addf %add3A_491, %mul3A_570 : vector<16xf32>
        %mul3A_572 = arith.constant 16 : i32
        %mul3A_573 = arith.muli %scan3A_167, %mul3A_572 : i32
        %add3A_574 = arith.constant 9 : i32
        %add3A_575 = arith.addi %mul3A_573, %add3A_574 : i32
        %get3A_576 = arith.index_cast %add3A_575 : i32 to index
        %get3A_577 = arith.constant 48 : index
        %get3A_578 = tpu.vector_load %arg6[%get3A_576, %get3A_577] {strides = array<i32>} : memref<128x64xf32, #tpu.memory_space<vmem>>, vector<16xf32>,
        %mul3A_579 = arith.mulf %gather3A_544, %get3A_578 : vector<16xf32>
        %add3A_580 = arith.addf %add3A_500, %mul3A_579 : vector<16xf32>
        %broadcast_in_dim3A_581 = arith.constant 10 : i32
        %broadcast_in_dim3A_582 = vector.broadcast %broadcast_in_dim3A_581 : i32 to vector<16x1xi32>
        %gather3A_583 = vector.shape_cast %broadcast_in_dim3A_582 : vector<16x1xi32> to vector<16xi32>
        %gather3A_584 = tpu.dynamic_gather %get3A_181[%gather3A_583] in [0] : vector<16xf32>, vector<16xi32> -> vector<16xf32>
        %mul3A_585 = arith.constant 16 : i32
        %mul3A_586 = arith.muli %scan3A_167, %mul3A_585 : i32
        %add3A_587 = arith.constant 10 : i32
        %add3A_588 = arith.addi %mul3A_586, %add3A_587 : i32
        %get3A_589 = arith.index_cast %add3A_588 : i32 to index
        %get3A_590 = arith.constant 0 : index
        %get3A_591 = tpu.vector_load %arg6[%get3A_589, %get3A_590] {strides = array<i32>} : memref<128x64xf32, #tpu.memory_space<vmem>>, vector<16xf32>,
        %mul3A_592 = arith.mulf %gather3A_584, %get3A_591 : vector<16xf32>
        %add3A_593 = arith.addf %add3A_513, %mul3A_592 : vector<16xf32>
        %mul3A_594 = arith.constant 16 : i32
        %mul3A_595 = arith.muli %scan3A_167, %mul3A_594 : i32
        %add3A_596 = arith.constant 10 : i32
        %add3A_597 = arith.addi %mul3A_595, %add3A_596 : i32
        %get3A_598 = arith.index_cast %add3A_597 : i32 to index
        %get3A_599 = arith.constant 16 : index
        %get3A_600 = tpu.vector_load %arg6[%get3A_598, %get3A_599] {strides = array<i32>} : memref<128x64xf32, #tpu.memory_space<vmem>>, vector<16xf32>,
        %mul3A_601 = arith.mulf %gather3A_584, %get3A_600 : vector<16xf32>
        %add3A_602 = arith.addf %add3A_522, %mul3A_601 : vector<16xf32>
        %mul3A_603 = arith.constant 16 : i32
        %mul3A_604 = arith.muli %scan3A_167, %mul3A_603 : i32
        %add3A_605 = arith.constant 10 : i32
        %add3A_606 = arith.addi %mul3A_604, %add3A_605 : i32
        %get3A_607 = arith.index_cast %add3A_606 : i32 to index
        %get3A_608 = arith.constant 32 : index
        %get3A_609 = tpu.vector_load %arg6[%get3A_607, %get3A_608] {strides = array<i32>} : memref<128x64xf32, #tpu.memory_space<vmem>>, vector<16xf32>,
        %mul3A_610 = arith.mulf %gather3A_584, %get3A_609 : vector<16xf32>
        %add3A_611 = arith.addf %add3A_531, %mul3A_610 : vector<16xf32>
        %mul3A_612 = arith.constant 16 : i32
        %mul3A_613 = arith.muli %scan3A_167, %mul3A_612 : i32
        %add3A_614 = arith.constant 10 : i32
        %add3A_615 = arith.addi %mul3A_613, %add3A_614 : i32
        %get3A_616 = arith.index_cast %add3A_615 : i32 to index
        %get3A_617 = arith.constant 48 : index
        %get3A_618 = tpu.vector_load %arg6[%get3A_616, %get3A_617] {strides = array<i32>} : memref<128x64xf32, #tpu.memory_space<vmem>>, vector<16xf32>,
        %mul3A_619 = arith.mulf %gather3A_584, %get3A_618 : vector<16xf32>
        %add3A_620 = arith.addf %add3A_540, %mul3A_619 : vector<16xf32>
        %broadcast_in_dim3A_621 = arith.constant 11 : i32
        %broadcast_in_dim3A_622 = vector.broadcast %broadcast_in_dim3A_621 : i32 to vector<16x1xi32>
        %gather3A_623 = vector.shape_cast %broadcast_in_dim3A_622 : vector<16x1xi32> to vector<16xi32>
        %gather3A_624 = tpu.dynamic_gather %get3A_181[%gather3A_623] in [0] : vector<16xf32>, vector<16xi32> -> vector<16xf32>
        %mul3A_625 = arith.constant 16 : i32
        %mul3A_626 = arith.muli %scan3A_167, %mul3A_625 : i32
        %add3A_627 = arith.constant 11 : i32
        %add3A_628 = arith.addi %mul3A_626, %add3A_627 : i32
        %get3A_629 = arith.index_cast %add3A_628 : i32 to index
        %get3A_630 = arith.constant 0 : index
        %get3A_631 = tpu.vector_load %arg6[%get3A_629, %get3A_630] {strides = array<i32>} : memref<128x64xf32, #tpu.memory_space<vmem>>, vector<16xf32>,
        %mul3A_632 = arith.mulf %gather3A_624, %get3A_631 : vector<16xf32>
        %add3A_633 = arith.addf %add3A_553, %mul3A_632 : vector<16xf32>
        %mul3A_634 = arith.constant 16 : i32
        %mul3A_635 = arith.muli %scan3A_167, %mul3A_634 : i32
        %add3A_636 = arith.constant 11 : i32
        %add3A_637 = arith.addi %mul3A_635, %add3A_636 : i32
        %get3A_638 = arith.index_cast %add3A_637 : i32 to index
        %get3A_639 = arith.constant 16 : index
        %get3A_640 = tpu.vector_load %arg6[%get3A_638, %get3A_639] {strides = array<i32>} : memref<128x64xf32, #tpu.memory_space<vmem>>, vector<16xf32>,
        %mul3A_641 = arith.mulf %gather3A_624, %get3A_640 : vector<16xf32>
        %add3A_642 = arith.addf %add3A_562, %mul3A_641 : vector<16xf32>
        %mul3A_643 = arith.constant 16 : i32
        %mul3A_644 = arith.muli %scan3A_167, %mul3A_643 : i32
        %add3A_645 = arith.constant 11 : i32
        %add3A_646 = arith.addi %mul3A_644, %add3A_645 : i32
        %get3A_647 = arith.index_cast %add3A_646 : i32 to index
        %get3A_648 = arith.constant 32 : index
        %get3A_649 = tpu.vector_load %arg6[%get3A_647, %get3A_648] {strides = array<i32>} : memref<128x64xf32, #tpu.memory_space<vmem>>, vector<16xf32>,
        %mul3A_650 = arith.mulf %gather3A_624, %get3A_649 : vector<16xf32>
        %add3A_651 = arith.addf %add3A_571, %mul3A_650 : vector<16xf32>
        %mul3A_652 = arith.constant 16 : i32
        %mul3A_653 = arith.muli %scan3A_167, %mul3A_652 : i32
        %add3A_654 = arith.constant 11 : i32
        %add3A_655 = arith.addi %mul3A_653, %add3A_654 : i32
        %get3A_656 = arith.index_cast %add3A_655 : i32 to index
        %get3A_657 = arith.constant 48 : index
        %get3A_658 = tpu.vector_load %arg6[%get3A_656, %get3A_657] {strides = array<i32>} : memref<128x64xf32, #tpu.memory_space<vmem>>, vector<16xf32>,
        %mul3A_659 = arith.mulf %gather3A_624, %get3A_658 : vector<16xf32>
        %add3A_660 = arith.addf %add3A_580, %mul3A_659 : vector<16xf32>
        %broadcast_in_dim3A_661 = arith.constant 12 : i32
        %broadcast_in_dim3A_662 = vector.broadcast %broadcast_in_dim3A_661 : i32 to vector<16x1xi32>
        %gather3A_663 = vector.shape_cast %broadcast_in_dim3A_662 : vector<16x1xi32> to vector<16xi32>
        %gather3A_664 = tpu.dynamic_gather %get3A_181[%gather3A_663] in [0] : vector<16xf32>, vector<16xi32> -> vector<16xf32>
        %mul3A_665 = arith.constant 16 : i32
        %mul3A_666 = arith.muli %scan3A_167, %mul3A_665 : i32
        %add3A_667 = arith.constant 12 : i32
        %add3A_668 = arith.addi %mul3A_666, %add3A_667 : i32
        %get3A_669 = arith.index_cast %add3A_668 : i32 to index
        %get3A_670 = arith.constant 0 : index
        %get3A_671 = tpu.vector_load %arg6[%get3A_669, %get3A_670] {strides = array<i32>} : memref<128x64xf32, #tpu.memory_space<vmem>>, vector<16xf32>,
        %mul3A_672 = arith.mulf %gather3A_664, %get3A_671 : vector<16xf32>
        %add3A_673 = arith.addf %add3A_593, %mul3A_672 : vector<16xf32>
        %mul3A_674 = arith.constant 16 : i32
        %mul3A_675 = arith.muli %scan3A_167, %mul3A_674 : i32
        %add3A_676 = arith.constant 12 : i32
        %add3A_677 = arith.addi %mul3A_675, %add3A_676 : i32
        %get3A_678 = arith.index_cast %add3A_677 : i32 to index
        %get3A_679 = arith.constant 16 : index
        %get3A_680 = tpu.vector_load %arg6[%get3A_678, %get3A_679] {strides = array<i32>} : memref<128x64xf32, #tpu.memory_space<vmem>>, vector<16xf32>,
        %mul3A_681 = arith.mulf %gather3A_664, %get3A_680 : vector<16xf32>
        %add3A_682 = arith.addf %add3A_602, %mul3A_681 : vector<16xf32>
        %mul3A_683 = arith.constant 16 : i32
        %mul3A_684 = arith.muli %scan3A_167, %mul3A_683 : i32
        %add3A_685 = arith.constant 12 : i32
        %add3A_686 = arith.addi %mul3A_684, %add3A_685 : i32
        %get3A_687 = arith.index_cast %add3A_686 : i32 to index
        %get3A_688 = arith.constant 32 : index
        %get3A_689 = tpu.vector_load %arg6[%get3A_687, %get3A_688] {strides = array<i32>} : memref<128x64xf32, #tpu.memory_space<vmem>>, vector<16xf32>,
        %mul3A_690 = arith.mulf %gather3A_664, %get3A_689 : vector<16xf32>
        %add3A_691 = arith.addf %add3A_611, %mul3A_690 : vector<16xf32>
        %mul3A_692 = arith.constant 16 : i32
        %mul3A_693 = arith.muli %scan3A_167, %mul3A_692 : i32
        %add3A_694 = arith.constant 12 : i32
        %add3A_695 = arith.addi %mul3A_693, %add3A_694 : i32
        %get3A_696 = arith.index_cast %add3A_695 : i32 to index
        %get3A_697 = arith.constant 48 : index
        %get3A_698 = tpu.vector_load %arg6[%get3A_696, %get3A_697] {strides = array<i32>} : memref<128x64xf32, #tpu.memory_space<vmem>>, vector<16xf32>,
        %mul3A_699 = arith.mulf %gather3A_664, %get3A_698 : vector<16xf32>
        %add3A_700 = arith.addf %add3A_620, %mul3A_699 : vector<16xf32>
        %broadcast_in_dim3A_701 = arith.constant 13 : i32
        %broadcast_in_dim3A_702 = vector.broadcast %broadcast_in_dim3A_701 : i32 to vector<16x1xi32>
        %gather3A_703 = vector.shape_cast %broadcast_in_dim3A_702 : vector<16x1xi32> to vector<16xi32>
        %gather3A_704 = tpu.dynamic_gather %get3A_181[%gather3A_703] in [0] : vector<16xf32>, vector<16xi32> -> vector<16xf32>
        %mul3A_705 = arith.constant 16 : i32
        %mul3A_706 = arith.muli %scan3A_167, %mul3A_705 : i32
        %add3A_707 = arith.constant 13 : i32
        %add3A_708 = arith.addi %mul3A_706, %add3A_707 : i32
        %get3A_709 = arith.index_cast %add3A_708 : i32 to index
        %get3A_710 = arith.constant 0 : index
        %get3A_711 = tpu.vector_load %arg6[%get3A_709, %get3A_710] {strides = array<i32>} : memref<128x64xf32, #tpu.memory_space<vmem>>, vector<16xf32>,
        %mul3A_712 = arith.mulf %gather3A_704, %get3A_711 : vector<16xf32>
        %add3A_713 = arith.addf %add3A_633, %mul3A_712 : vector<16xf32>
        %mul3A_714 = arith.constant 16 : i32
        %mul3A_715 = arith.muli %scan3A_167, %mul3A_714 : i32
        %add3A_716 = arith.constant 13 : i32
        %add3A_717 = arith.addi %mul3A_715, %add3A_716 : i32
        %get3A_718 = arith.index_cast %add3A_717 : i32 to index
        %get3A_719 = arith.constant 16 : index
        %get3A_720 = tpu.vector_load %arg6[%get3A_718, %get3A_719] {strides = array<i32>} : memref<128x64xf32, #tpu.memory_space<vmem>>, vector<16xf32>,
        %mul3A_721 = arith.mulf %gather3A_704, %get3A_720 : vector<16xf32>
        %add3A_722 = arith.addf %add3A_642, %mul3A_721 : vector<16xf32>
        %mul3A_723 = arith.constant 16 : i32
        %mul3A_724 = arith.muli %scan3A_167, %mul3A_723 : i32
        %add3A_725 = arith.constant 13 : i32
        %add3A_726 = arith.addi %mul3A_724, %add3A_725 : i32
        %get3A_727 = arith.index_cast %add3A_726 : i32 to index
        %get3A_728 = arith.constant 32 : index
        %get3A_729 = tpu.vector_load %arg6[%get3A_727, %get3A_728] {strides = array<i32>} : memref<128x64xf32, #tpu.memory_space<vmem>>, vector<16xf32>,
        %mul3A_730 = arith.mulf %gather3A_704, %get3A_729 : vector<16xf32>
        %add3A_731 = arith.addf %add3A_651, %mul3A_730 : vector<16xf32>
        %mul3A_732 = arith.constant 16 : i32
        %mul3A_733 = arith.muli %scan3A_167, %mul3A_732 : i32
        %add3A_734 = arith.constant 13 : i32
        %add3A_735 = arith.addi %mul3A_733, %add3A_734 : i32
        %get3A_736 = arith.index_cast %add3A_735 : i32 to index
        %get3A_737 = arith.constant 48 : index
        %get3A_738 = tpu.vector_load %arg6[%get3A_736, %get3A_737] {strides = array<i32>} : memref<128x64xf32, #tpu.memory_space<vmem>>, vector<16xf32>,
        %mul3A_739 = arith.mulf %gather3A_704, %get3A_738 : vector<16xf32>
        %add3A_740 = arith.addf %add3A_660, %mul3A_739 : vector<16xf32>
        %broadcast_in_dim3A_741 = arith.constant 14 : i32
        %broadcast_in_dim3A_742 = vector.broadcast %broadcast_in_dim3A_741 : i32 to vector<16x1xi32>
        %gather3A_743 = vector.shape_cast %broadcast_in_dim3A_742 : vector<16x1xi32> to vector<16xi32>
        %gather3A_744 = tpu.dynamic_gather %get3A_181[%gather3A_743] in [0] : vector<16xf32>, vector<16xi32> -> vector<16xf32>
        %mul3A_745 = arith.constant 16 : i32
        %mul3A_746 = arith.muli %scan3A_167, %mul3A_745 : i32
        %add3A_747 = arith.constant 14 : i32
        %add3A_748 = arith.addi %mul3A_746, %add3A_747 : i32
        %get3A_749 = arith.index_cast %add3A_748 : i32 to index
        %get3A_750 = arith.constant 0 : index
        %get3A_751 = tpu.vector_load %arg6[%get3A_749, %get3A_750] {strides = array<i32>} : memref<128x64xf32, #tpu.memory_space<vmem>>, vector<16xf32>,
        %mul3A_752 = arith.mulf %gather3A_744, %get3A_751 : vector<16xf32>
        %add3A_753 = arith.addf %add3A_673, %mul3A_752 : vector<16xf32>
        %mul3A_754 = arith.constant 16 : i32
        %mul3A_755 = arith.muli %scan3A_167, %mul3A_754 : i32
        %add3A_756 = arith.constant 14 : i32
        %add3A_757 = arith.addi %mul3A_755, %add3A_756 : i32
        %get3A_758 = arith.index_cast %add3A_757 : i32 to index
        %get3A_759 = arith.constant 16 : index
        %get3A_760 = tpu.vector_load %arg6[%get3A_758, %get3A_759] {strides = array<i32>} : memref<128x64xf32, #tpu.memory_space<vmem>>, vector<16xf32>,
        %mul3A_761 = arith.mulf %gather3A_744, %get3A_760 : vector<16xf32>
        %add3A_762 = arith.addf %add3A_682, %mul3A_761 : vector<16xf32>
        %mul3A_763 = arith.constant 16 : i32
        %mul3A_764 = arith.muli %scan3A_167, %mul3A_763 : i32
        %add3A_765 = arith.constant 14 : i32
        %add3A_766 = arith.addi %mul3A_764, %add3A_765 : i32
        %get3A_767 = arith.index_cast %add3A_766 : i32 to index
        %get3A_768 = arith.constant 32 : index
        %get3A_769 = tpu.vector_load %arg6[%get3A_767, %get3A_768] {strides = array<i32>} : memref<128x64xf32, #tpu.memory_space<vmem>>, vector<16xf32>,
        %mul3A_770 = arith.mulf %gather3A_744, %get3A_769 : vector<16xf32>
        %add3A_771 = arith.addf %add3A_691, %mul3A_770 : vector<16xf32>
        %mul3A_772 = arith.constant 16 : i32
        %mul3A_773 = arith.muli %scan3A_167, %mul3A_772 : i32
        %add3A_774 = arith.constant 14 : i32
        %add3A_775 = arith.addi %mul3A_773, %add3A_774 : i32
        %get3A_776 = arith.index_cast %add3A_775 : i32 to index
        %get3A_777 = arith.constant 48 : index
        %get3A_778 = tpu.vector_load %arg6[%get3A_776, %get3A_777] {strides = array<i32>} : memref<128x64xf32, #tpu.memory_space<vmem>>, vector<16xf32>,
        %mul3A_779 = arith.mulf %gather3A_744, %get3A_778 : vector<16xf32>
        %add3A_780 = arith.addf %add3A_700, %mul3A_779 : vector<16xf32>
        %broadcast_in_dim3A_781 = arith.constant 15 : i32
        %broadcast_in_dim3A_782 = vector.broadcast %broadcast_in_dim3A_781 : i32 to vector<16x1xi32>
        %gather3A_783 = vector.shape_cast %broadcast_in_dim3A_782 : vector<16x1xi32> to vector<16xi32>
        %gather3A_784 = tpu.dynamic_gather %get3A_181[%gather3A_783] in [0] : vector<16xf32>, vector<16xi32> -> vector<16xf32>
        %mul3A_785 = arith.constant 16 : i32
        %mul3A_786 = arith.muli %scan3A_167, %mul3A_785 : i32
        %add3A_787 = arith.constant 15 : i32
        %add3A_788 = arith.addi %mul3A_786, %add3A_787 : i32
        %get3A_789 = arith.index_cast %add3A_788 : i32 to index
        %get3A_790 = arith.constant 0 : index
        %get3A_791 = tpu.vector_load %arg6[%get3A_789, %get3A_790] {strides = array<i32>} : memref<128x64xf32, #tpu.memory_space<vmem>>, vector<16xf32>,
        %mul3A_792 = arith.mulf %gather3A_784, %get3A_791 : vector<16xf32>
        %add3A_793 = arith.addf %add3A_713, %mul3A_792 : vector<16xf32>
        %mul3A_794 = arith.constant 16 : i32
        %mul3A_795 = arith.muli %scan3A_167, %mul3A_794 : i32
        %add3A_796 = arith.constant 15 : i32
        %add3A_797 = arith.addi %mul3A_795, %add3A_796 : i32
        %get3A_798 = arith.index_cast %add3A_797 : i32 to index
        %get3A_799 = arith.constant 16 : index
        %get3A_800 = tpu.vector_load %arg6[%get3A_798, %get3A_799] {strides = array<i32>} : memref<128x64xf32, #tpu.memory_space<vmem>>, vector<16xf32>,
        %mul3A_801 = arith.mulf %gather3A_784, %get3A_800 : vector<16xf32>
        %add3A_802 = arith.addf %add3A_722, %mul3A_801 : vector<16xf32>
        %mul3A_803 = arith.constant 16 : i32
        %mul3A_804 = arith.muli %scan3A_167, %mul3A_803 : i32
        %add3A_805 = arith.constant 15 : i32
        %add3A_806 = arith.addi %mul3A_804, %add3A_805 : i32
        %get3A_807 = arith.index_cast %add3A_806 : i32 to index
        %get3A_808 = arith.constant 32 : index
        %get3A_809 = tpu.vector_load %arg6[%get3A_807, %get3A_808] {strides = array<i32>} : memref<128x64xf32, #tpu.memory_space<vmem>>, vector<16xf32>,
        %mul3A_810 = arith.mulf %gather3A_784, %get3A_809 : vector<16xf32>
        %add3A_811 = arith.addf %add3A_731, %mul3A_810 : vector<16xf32>
        %mul3A_812 = arith.constant 16 : i32
        %mul3A_813 = arith.muli %scan3A_167, %mul3A_812 : i32
        %add3A_814 = arith.constant 15 : i32
        %add3A_815 = arith.addi %mul3A_813, %add3A_814 : i32
        %get3A_816 = arith.index_cast %add3A_815 : i32 to index
        %get3A_817 = arith.constant 48 : index
        %get3A_818 = tpu.vector_load %arg6[%get3A_816, %get3A_817] {strides = array<i32>} : memref<128x64xf32, #tpu.memory_space<vmem>>, vector<16xf32>,
        %mul3A_819 = arith.mulf %gather3A_784, %get3A_818 : vector<16xf32>
        %add3A_820 = arith.addf %add3A_740, %mul3A_819 : vector<16xf32>
        scf.yield %add3A_753, %add3A_762, %add3A_771, %add3A_780, %add3A_793, %add3A_802, %add3A_811, %add3A_820 : vector<16xf32>, vector<16xf32>, vector<16xf32>, vector<16xf32>, vector<16xf32>, vector<16xf32>, vector<16xf32>, vector<16xf32>
      }
      %scan3A_107 = arith.constant 8 : i32
      %add3A_108 = arith.constant 4 : i32
      %add3A_109 = arith.addi %add3A_92, %add3A_108 : i32
      %lt3A_110 = arith.constant 128 : i32
      %lt3A_111 = arith.cmpi slt, %add3A_109, %lt3A_110 : i32
      %convert_element_type3A_112 = arith.extui %lt3A_111 : i1 to i32
      %cond3A_113 = arith.constant 0 : i32
      %cond3A_114 = arith.cmpi ne, %convert_element_type3A_112, %cond3A_113 : i32
      scf.if %cond3A_114 {
        %add3A_167 = arith.constant 4 : i32
        %add3A_168 = arith.addi %add3A_92, %add3A_167 : i32
        %mul3A_169 = arith.constant 128 : i32
        %mul3A_170 = arith.muli %add3A_168, %mul3A_169 : i32
        %add3A_171 = arith.addi %add3A_1, %mul3A_170 : i32
        %dma_start3A_172 = arith.constant 0 : i32
        %dma_start3A_173 = tpu.memref_slice %arg3[%arg1, %add3A_171, %dma_start3A_172] : memref<16x65536x64xf32, #tpu.memory_space<hbm>> -> memref<1x128x64xf32, #tpu.memory_space<hbm>>
        %dma_start3A_174 = tpu.memref_squeeze %dma_start3A_173 : memref<1x128x64xf32, #tpu.memory_space<hbm>> -> memref<128x64xf32, #tpu.memory_space<hbm>>
        %dma_start3A_175 = arith.constant 0 : i32
        %dma_start3A_176 = tpu.memref_slice %arg3[%arg1, %add3A_171, %dma_start3A_175] : memref<16x65536x64xf32, #tpu.memory_space<hbm>> -> memref<1x128x64xf32, #tpu.memory_space<hbm>>
        %dma_start3A_177 = tpu.memref_squeeze %dma_start3A_176 : memref<1x128x64xf32, #tpu.memory_space<hbm>> -> memref<128x64xf32, #tpu.memory_space<hbm>>
        tpu.enqueue_dma source(%dma_start3A_177 : memref<128x64xf32, #tpu.memory_space<hbm>>) target(%arg6 : memref<128x64xf32, #tpu.memory_space<vmem>>) target_semaphore(%arg12 : memref<!tpu.dma_semaphore, #tpu.memory_space<semaphore_mem>>)
      } else {
      }
      %mul3A_115 = arith.constant 4 : i32
      %mul3A_116 = arith.muli %scan3A_57, %mul3A_115 : i32
      %add3A_117 = arith.constant 2 : i32
      %add3A_118 = arith.addi %mul3A_116, %add3A_117 : i32
      %mul3A_119 = arith.constant 128 : i32
      %mul3A_120 = arith.muli %add3A_118, %mul3A_119 : i32
      %add3A_121 = arith.addi %add3A_1, %mul3A_120 : i32
      %dma_wait3A_122 = arith.constant 0 : i32
      %dma_wait3A_123 = tpu.memref_slice %arg3[%arg1, %add3A_121, %dma_wait3A_122] : memref<16x65536x64xf32, #tpu.memory_space<hbm>> -> memref<1x128x64xf32, #tpu.memory_space<hbm>>
      %dma_wait3A_124 = tpu.memref_squeeze %dma_wait3A_123 : memref<1x128x64xf32, #tpu.memory_space<hbm>> -> memref<128x64xf32, #tpu.memory_space<hbm>>
      %dma_wait3A_125 = arith.constant 0 : i32
      %dma_wait3A_126 = tpu.memref_slice %arg3[%arg1, %add3A_121, %dma_wait3A_125] : memref<16x65536x64xf32, #tpu.memory_space<hbm>> -> memref<1x128x64xf32, #tpu.memory_space<hbm>>
      %dma_wait3A_127 = tpu.memref_squeeze %dma_wait3A_126 : memref<1x128x64xf32, #tpu.memory_space<hbm>> -> memref<128x64xf32, #tpu.memory_space<hbm>>
      tpu.wait_dma2 semaphore(%arg13 : memref<!tpu.dma_semaphore, #tpu.memory_space<semaphore_mem>>) src(%dma_wait3A_127 : memref<128x64xf32, #tpu.memory_space<hbm>>) dst(%arg7 : memref<128x64xf32, #tpu.memory_space<vmem>>)
      %scan3A_128 = arith.constant 0 : i32
      %scan3A_129 = arith.constant 8 : i32
      %scan3A_130 = arith.addi %scan3A_128, %scan3A_129 : i32
      %scan3A_131 = arith.constant 1 : i32
      %scan3A_132:8 = scf.for %scan3A_167 = %scan3A_128 to %scan3A_130 step %scan3A_131 iter_args(%scan3A_168 = %scan3A_106#0, %scan3A_169 = %scan3A_106#1, %scan3A_170 = %scan3A_106#2, %scan3A_171 = %scan3A_106#3, %scan3A_172 = %scan3A_106#4, %scan3A_173 = %scan3A_106#5, %scan3A_174 = %scan3A_106#6, %scan3A_175 = %scan3A_106#7) -> (vector<16xf32>, vector<16xf32>, vector<16xf32>, vector<16xf32>, vector<16xf32>, vector<16xf32>, vector<16xf32>, vector<16xf32>)  : i32 {
        %mul3A_176 = arith.constant 128 : i32
        %mul3A_177 = arith.muli %add3A_118, %mul3A_176 : i32
        %mul3A_178 = arith.constant 16 : i32
        %mul3A_179 = arith.muli %scan3A_167, %mul3A_178 : i32
        %add3A_180 = arith.addi %mul3A_177, %mul3A_179 : i32
        %get3A = arith.index_cast %add3A_180 : i32 to index
        %get3A_181 = tpu.vector_load %arg9[%get3A] {strides = array<i32>} : memref<16384xf32, #tpu.memory_space<vmem>>, vector<16xf32>,
        %broadcast_in_dim3A_182 = arith.constant 0 : i32
        %broadcast_in_dim3A_183 = vector.broadcast %broadcast_in_dim3A_182 : i32 to vector<16x1xi32>
        %gather3A = vector.shape_cast %broadcast_in_dim3A_183 : vector<16x1xi32> to vector<16xi32>
        %gather3A_184 = tpu.dynamic_gather %get3A_181[%gather3A] in [0] : vector<16xf32>, vector<16xi32> -> vector<16xf32>
        %mul3A_185 = arith.constant 16 : i32
        %mul3A_186 = arith.muli %scan3A_167, %mul3A_185 : i32
        %add3A_187 = arith.constant 0 : i32
        %add3A_188 = arith.addi %mul3A_186, %add3A_187 : i32
        %get3A_189 = arith.index_cast %add3A_188 : i32 to index
        %get3A_190 = arith.constant 0 : index
        %get3A_191 = tpu.vector_load %arg7[%get3A_189, %get3A_190] {strides = array<i32>} : memref<128x64xf32, #tpu.memory_space<vmem>>, vector<16xf32>,
        %mul3A_192 = arith.mulf %gather3A_184, %get3A_191 : vector<16xf32>
        %add3A_193 = arith.addf %scan3A_168, %mul3A_192 : vector<16xf32>
        %mul3A_194 = arith.constant 16 : i32
        %mul3A_195 = arith.muli %scan3A_167, %mul3A_194 : i32
        %add3A_196 = arith.constant 0 : i32
        %add3A_197 = arith.addi %mul3A_195, %add3A_196 : i32
        %get3A_198 = arith.index_cast %add3A_197 : i32 to index
        %get3A_199 = arith.constant 16 : index
        %get3A_200 = tpu.vector_load %arg7[%get3A_198, %get3A_199] {strides = array<i32>} : memref<128x64xf32, #tpu.memory_space<vmem>>, vector<16xf32>,
        %mul3A_201 = arith.mulf %gather3A_184, %get3A_200 : vector<16xf32>
        %add3A_202 = arith.addf %scan3A_169, %mul3A_201 : vector<16xf32>
        %mul3A_203 = arith.constant 16 : i32
        %mul3A_204 = arith.muli %scan3A_167, %mul3A_203 : i32
        %add3A_205 = arith.constant 0 : i32
        %add3A_206 = arith.addi %mul3A_204, %add3A_205 : i32
        %get3A_207 = arith.index_cast %add3A_206 : i32 to index
        %get3A_208 = arith.constant 32 : index
        %get3A_209 = tpu.vector_load %arg7[%get3A_207, %get3A_208] {strides = array<i32>} : memref<128x64xf32, #tpu.memory_space<vmem>>, vector<16xf32>,
        %mul3A_210 = arith.mulf %gather3A_184, %get3A_209 : vector<16xf32>
        %add3A_211 = arith.addf %scan3A_170, %mul3A_210 : vector<16xf32>
        %mul3A_212 = arith.constant 16 : i32
        %mul3A_213 = arith.muli %scan3A_167, %mul3A_212 : i32
        %add3A_214 = arith.constant 0 : i32
        %add3A_215 = arith.addi %mul3A_213, %add3A_214 : i32
        %get3A_216 = arith.index_cast %add3A_215 : i32 to index
        %get3A_217 = arith.constant 48 : index
        %get3A_218 = tpu.vector_load %arg7[%get3A_216, %get3A_217] {strides = array<i32>} : memref<128x64xf32, #tpu.memory_space<vmem>>, vector<16xf32>,
        %mul3A_219 = arith.mulf %gather3A_184, %get3A_218 : vector<16xf32>
        %add3A_220 = arith.addf %scan3A_171, %mul3A_219 : vector<16xf32>
        %broadcast_in_dim3A_221 = arith.constant 1 : i32
        %broadcast_in_dim3A_222 = vector.broadcast %broadcast_in_dim3A_221 : i32 to vector<16x1xi32>
        %gather3A_223 = vector.shape_cast %broadcast_in_dim3A_222 : vector<16x1xi32> to vector<16xi32>
        %gather3A_224 = tpu.dynamic_gather %get3A_181[%gather3A_223] in [0] : vector<16xf32>, vector<16xi32> -> vector<16xf32>
        %mul3A_225 = arith.constant 16 : i32
        %mul3A_226 = arith.muli %scan3A_167, %mul3A_225 : i32
        %add3A_227 = arith.constant 1 : i32
        %add3A_228 = arith.addi %mul3A_226, %add3A_227 : i32
        %get3A_229 = arith.index_cast %add3A_228 : i32 to index
        %get3A_230 = arith.constant 0 : index
        %get3A_231 = tpu.vector_load %arg7[%get3A_229, %get3A_230] {strides = array<i32>} : memref<128x64xf32, #tpu.memory_space<vmem>>, vector<16xf32>,
        %mul3A_232 = arith.mulf %gather3A_224, %get3A_231 : vector<16xf32>
        %add3A_233 = arith.addf %scan3A_172, %mul3A_232 : vector<16xf32>
        %mul3A_234 = arith.constant 16 : i32
        %mul3A_235 = arith.muli %scan3A_167, %mul3A_234 : i32
        %add3A_236 = arith.constant 1 : i32
        %add3A_237 = arith.addi %mul3A_235, %add3A_236 : i32
        %get3A_238 = arith.index_cast %add3A_237 : i32 to index
        %get3A_239 = arith.constant 16 : index
        %get3A_240 = tpu.vector_load %arg7[%get3A_238, %get3A_239] {strides = array<i32>} : memref<128x64xf32, #tpu.memory_space<vmem>>, vector<16xf32>,
        %mul3A_241 = arith.mulf %gather3A_224, %get3A_240 : vector<16xf32>
        %add3A_242 = arith.addf %scan3A_173, %mul3A_241 : vector<16xf32>
        %mul3A_243 = arith.constant 16 : i32
        %mul3A_244 = arith.muli %scan3A_167, %mul3A_243 : i32
        %add3A_245 = arith.constant 1 : i32
        %add3A_246 = arith.addi %mul3A_244, %add3A_245 : i32
        %get3A_247 = arith.index_cast %add3A_246 : i32 to index
        %get3A_248 = arith.constant 32 : index
        %get3A_249 = tpu.vector_load %arg7[%get3A_247, %get3A_248] {strides = array<i32>} : memref<128x64xf32, #tpu.memory_space<vmem>>, vector<16xf32>,
        %mul3A_250 = arith.mulf %gather3A_224, %get3A_249 : vector<16xf32>
        %add3A_251 = arith.addf %scan3A_174, %mul3A_250 : vector<16xf32>
        %mul3A_252 = arith.constant 16 : i32
        %mul3A_253 = arith.muli %scan3A_167, %mul3A_252 : i32
        %add3A_254 = arith.constant 1 : i32
        %add3A_255 = arith.addi %mul3A_253, %add3A_254 : i32
        %get3A_256 = arith.index_cast %add3A_255 : i32 to index
        %get3A_257 = arith.constant 48 : index
        %get3A_258 = tpu.vector_load %arg7[%get3A_256, %get3A_257] {strides = array<i32>} : memref<128x64xf32, #tpu.memory_space<vmem>>, vector<16xf32>,
        %mul3A_259 = arith.mulf %gather3A_224, %get3A_258 : vector<16xf32>
        %add3A_260 = arith.addf %scan3A_175, %mul3A_259 : vector<16xf32>
        %broadcast_in_dim3A_261 = arith.constant 2 : i32
        %broadcast_in_dim3A_262 = vector.broadcast %broadcast_in_dim3A_261 : i32 to vector<16x1xi32>
        %gather3A_263 = vector.shape_cast %broadcast_in_dim3A_262 : vector<16x1xi32> to vector<16xi32>
        %gather3A_264 = tpu.dynamic_gather %get3A_181[%gather3A_263] in [0] : vector<16xf32>, vector<16xi32> -> vector<16xf32>
        %mul3A_265 = arith.constant 16 : i32
        %mul3A_266 = arith.muli %scan3A_167, %mul3A_265 : i32
        %add3A_267 = arith.constant 2 : i32
        %add3A_268 = arith.addi %mul3A_266, %add3A_267 : i32
        %get3A_269 = arith.index_cast %add3A_268 : i32 to index
        %get3A_270 = arith.constant 0 : index
        %get3A_271 = tpu.vector_load %arg7[%get3A_269, %get3A_270] {strides = array<i32>} : memref<128x64xf32, #tpu.memory_space<vmem>>, vector<16xf32>,
        %mul3A_272 = arith.mulf %gather3A_264, %get3A_271 : vector<16xf32>
        %add3A_273 = arith.addf %add3A_193, %mul3A_272 : vector<16xf32>
        %mul3A_274 = arith.constant 16 : i32
        %mul3A_275 = arith.muli %scan3A_167, %mul3A_274 : i32
        %add3A_276 = arith.constant 2 : i32
        %add3A_277 = arith.addi %mul3A_275, %add3A_276 : i32
        %get3A_278 = arith.index_cast %add3A_277 : i32 to index
        %get3A_279 = arith.constant 16 : index
        %get3A_280 = tpu.vector_load %arg7[%get3A_278, %get3A_279] {strides = array<i32>} : memref<128x64xf32, #tpu.memory_space<vmem>>, vector<16xf32>,
        %mul3A_281 = arith.mulf %gather3A_264, %get3A_280 : vector<16xf32>
        %add3A_282 = arith.addf %add3A_202, %mul3A_281 : vector<16xf32>
        %mul3A_283 = arith.constant 16 : i32
        %mul3A_284 = arith.muli %scan3A_167, %mul3A_283 : i32
        %add3A_285 = arith.constant 2 : i32
        %add3A_286 = arith.addi %mul3A_284, %add3A_285 : i32
        %get3A_287 = arith.index_cast %add3A_286 : i32 to index
        %get3A_288 = arith.constant 32 : index
        %get3A_289 = tpu.vector_load %arg7[%get3A_287, %get3A_288] {strides = array<i32>} : memref<128x64xf32, #tpu.memory_space<vmem>>, vector<16xf32>,
        %mul3A_290 = arith.mulf %gather3A_264, %get3A_289 : vector<16xf32>
        %add3A_291 = arith.addf %add3A_211, %mul3A_290 : vector<16xf32>
        %mul3A_292 = arith.constant 16 : i32
        %mul3A_293 = arith.muli %scan3A_167, %mul3A_292 : i32
        %add3A_294 = arith.constant 2 : i32
        %add3A_295 = arith.addi %mul3A_293, %add3A_294 : i32
        %get3A_296 = arith.index_cast %add3A_295 : i32 to index
        %get3A_297 = arith.constant 48 : index
        %get3A_298 = tpu.vector_load %arg7[%get3A_296, %get3A_297] {strides = array<i32>} : memref<128x64xf32, #tpu.memory_space<vmem>>, vector<16xf32>,
        %mul3A_299 = arith.mulf %gather3A_264, %get3A_298 : vector<16xf32>
        %add3A_300 = arith.addf %add3A_220, %mul3A_299 : vector<16xf32>
        %broadcast_in_dim3A_301 = arith.constant 3 : i32
        %broadcast_in_dim3A_302 = vector.broadcast %broadcast_in_dim3A_301 : i32 to vector<16x1xi32>
        %gather3A_303 = vector.shape_cast %broadcast_in_dim3A_302 : vector<16x1xi32> to vector<16xi32>
        %gather3A_304 = tpu.dynamic_gather %get3A_181[%gather3A_303] in [0] : vector<16xf32>, vector<16xi32> -> vector<16xf32>
        %mul3A_305 = arith.constant 16 : i32
        %mul3A_306 = arith.muli %scan3A_167, %mul3A_305 : i32
        %add3A_307 = arith.constant 3 : i32
        %add3A_308 = arith.addi %mul3A_306, %add3A_307 : i32
        %get3A_309 = arith.index_cast %add3A_308 : i32 to index
        %get3A_310 = arith.constant 0 : index
        %get3A_311 = tpu.vector_load %arg7[%get3A_309, %get3A_310] {strides = array<i32>} : memref<128x64xf32, #tpu.memory_space<vmem>>, vector<16xf32>,
        %mul3A_312 = arith.mulf %gather3A_304, %get3A_311 : vector<16xf32>
        %add3A_313 = arith.addf %add3A_233, %mul3A_312 : vector<16xf32>
        %mul3A_314 = arith.constant 16 : i32
        %mul3A_315 = arith.muli %scan3A_167, %mul3A_314 : i32
        %add3A_316 = arith.constant 3 : i32
        %add3A_317 = arith.addi %mul3A_315, %add3A_316 : i32
        %get3A_318 = arith.index_cast %add3A_317 : i32 to index
        %get3A_319 = arith.constant 16 : index
        %get3A_320 = tpu.vector_load %arg7[%get3A_318, %get3A_319] {strides = array<i32>} : memref<128x64xf32, #tpu.memory_space<vmem>>, vector<16xf32>,
        %mul3A_321 = arith.mulf %gather3A_304, %get3A_320 : vector<16xf32>
        %add3A_322 = arith.addf %add3A_242, %mul3A_321 : vector<16xf32>
        %mul3A_323 = arith.constant 16 : i32
        %mul3A_324 = arith.muli %scan3A_167, %mul3A_323 : i32
        %add3A_325 = arith.constant 3 : i32
        %add3A_326 = arith.addi %mul3A_324, %add3A_325 : i32
        %get3A_327 = arith.index_cast %add3A_326 : i32 to index
        %get3A_328 = arith.constant 32 : index
        %get3A_329 = tpu.vector_load %arg7[%get3A_327, %get3A_328] {strides = array<i32>} : memref<128x64xf32, #tpu.memory_space<vmem>>, vector<16xf32>,
        %mul3A_330 = arith.mulf %gather3A_304, %get3A_329 : vector<16xf32>
        %add3A_331 = arith.addf %add3A_251, %mul3A_330 : vector<16xf32>
        %mul3A_332 = arith.constant 16 : i32
        %mul3A_333 = arith.muli %scan3A_167, %mul3A_332 : i32
        %add3A_334 = arith.constant 3 : i32
        %add3A_335 = arith.addi %mul3A_333, %add3A_334 : i32
        %get3A_336 = arith.index_cast %add3A_335 : i32 to index
        %get3A_337 = arith.constant 48 : index
        %get3A_338 = tpu.vector_load %arg7[%get3A_336, %get3A_337] {strides = array<i32>} : memref<128x64xf32, #tpu.memory_space<vmem>>, vector<16xf32>,
        %mul3A_339 = arith.mulf %gather3A_304, %get3A_338 : vector<16xf32>
        %add3A_340 = arith.addf %add3A_260, %mul3A_339 : vector<16xf32>
        %broadcast_in_dim3A_341 = arith.constant 4 : i32
        %broadcast_in_dim3A_342 = vector.broadcast %broadcast_in_dim3A_341 : i32 to vector<16x1xi32>
        %gather3A_343 = vector.shape_cast %broadcast_in_dim3A_342 : vector<16x1xi32> to vector<16xi32>
        %gather3A_344 = tpu.dynamic_gather %get3A_181[%gather3A_343] in [0] : vector<16xf32>, vector<16xi32> -> vector<16xf32>
        %mul3A_345 = arith.constant 16 : i32
        %mul3A_346 = arith.muli %scan3A_167, %mul3A_345 : i32
        %add3A_347 = arith.constant 4 : i32
        %add3A_348 = arith.addi %mul3A_346, %add3A_347 : i32
        %get3A_349 = arith.index_cast %add3A_348 : i32 to index
        %get3A_350 = arith.constant 0 : index
        %get3A_351 = tpu.vector_load %arg7[%get3A_349, %get3A_350] {strides = array<i32>} : memref<128x64xf32, #tpu.memory_space<vmem>>, vector<16xf32>,
        %mul3A_352 = arith.mulf %gather3A_344, %get3A_351 : vector<16xf32>
        %add3A_353 = arith.addf %add3A_273, %mul3A_352 : vector<16xf32>
        %mul3A_354 = arith.constant 16 : i32
        %mul3A_355 = arith.muli %scan3A_167, %mul3A_354 : i32
        %add3A_356 = arith.constant 4 : i32
        %add3A_357 = arith.addi %mul3A_355, %add3A_356 : i32
        %get3A_358 = arith.index_cast %add3A_357 : i32 to index
        %get3A_359 = arith.constant 16 : index
        %get3A_360 = tpu.vector_load %arg7[%get3A_358, %get3A_359] {strides = array<i32>} : memref<128x64xf32, #tpu.memory_space<vmem>>, vector<16xf32>,
        %mul3A_361 = arith.mulf %gather3A_344, %get3A_360 : vector<16xf32>
        %add3A_362 = arith.addf %add3A_282, %mul3A_361 : vector<16xf32>
        %mul3A_363 = arith.constant 16 : i32
        %mul3A_364 = arith.muli %scan3A_167, %mul3A_363 : i32
        %add3A_365 = arith.constant 4 : i32
        %add3A_366 = arith.addi %mul3A_364, %add3A_365 : i32
        %get3A_367 = arith.index_cast %add3A_366 : i32 to index
        %get3A_368 = arith.constant 32 : index
        %get3A_369 = tpu.vector_load %arg7[%get3A_367, %get3A_368] {strides = array<i32>} : memref<128x64xf32, #tpu.memory_space<vmem>>, vector<16xf32>,
        %mul3A_370 = arith.mulf %gather3A_344, %get3A_369 : vector<16xf32>
        %add3A_371 = arith.addf %add3A_291, %mul3A_370 : vector<16xf32>
        %mul3A_372 = arith.constant 16 : i32
        %mul3A_373 = arith.muli %scan3A_167, %mul3A_372 : i32
        %add3A_374 = arith.constant 4 : i32
        %add3A_375 = arith.addi %mul3A_373, %add3A_374 : i32
        %get3A_376 = arith.index_cast %add3A_375 : i32 to index
        %get3A_377 = arith.constant 48 : index
        %get3A_378 = tpu.vector_load %arg7[%get3A_376, %get3A_377] {strides = array<i32>} : memref<128x64xf32, #tpu.memory_space<vmem>>, vector<16xf32>,
        %mul3A_379 = arith.mulf %gather3A_344, %get3A_378 : vector<16xf32>
        %add3A_380 = arith.addf %add3A_300, %mul3A_379 : vector<16xf32>
        %broadcast_in_dim3A_381 = arith.constant 5 : i32
        %broadcast_in_dim3A_382 = vector.broadcast %broadcast_in_dim3A_381 : i32 to vector<16x1xi32>
        %gather3A_383 = vector.shape_cast %broadcast_in_dim3A_382 : vector<16x1xi32> to vector<16xi32>
        %gather3A_384 = tpu.dynamic_gather %get3A_181[%gather3A_383] in [0] : vector<16xf32>, vector<16xi32> -> vector<16xf32>
        %mul3A_385 = arith.constant 16 : i32
        %mul3A_386 = arith.muli %scan3A_167, %mul3A_385 : i32
        %add3A_387 = arith.constant 5 : i32
        %add3A_388 = arith.addi %mul3A_386, %add3A_387 : i32
        %get3A_389 = arith.index_cast %add3A_388 : i32 to index
        %get3A_390 = arith.constant 0 : index
        %get3A_391 = tpu.vector_load %arg7[%get3A_389, %get3A_390] {strides = array<i32>} : memref<128x64xf32, #tpu.memory_space<vmem>>, vector<16xf32>,
        %mul3A_392 = arith.mulf %gather3A_384, %get3A_391 : vector<16xf32>
        %add3A_393 = arith.addf %add3A_313, %mul3A_392 : vector<16xf32>
        %mul3A_394 = arith.constant 16 : i32
        %mul3A_395 = arith.muli %scan3A_167, %mul3A_394 : i32
        %add3A_396 = arith.constant 5 : i32
        %add3A_397 = arith.addi %mul3A_395, %add3A_396 : i32
        %get3A_398 = arith.index_cast %add3A_397 : i32 to index
        %get3A_399 = arith.constant 16 : index
        %get3A_400 = tpu.vector_load %arg7[%get3A_398, %get3A_399] {strides = array<i32>} : memref<128x64xf32, #tpu.memory_space<vmem>>, vector<16xf32>,
        %mul3A_401 = arith.mulf %gather3A_384, %get3A_400 : vector<16xf32>
        %add3A_402 = arith.addf %add3A_322, %mul3A_401 : vector<16xf32>
        %mul3A_403 = arith.constant 16 : i32
        %mul3A_404 = arith.muli %scan3A_167, %mul3A_403 : i32
        %add3A_405 = arith.constant 5 : i32
        %add3A_406 = arith.addi %mul3A_404, %add3A_405 : i32
        %get3A_407 = arith.index_cast %add3A_406 : i32 to index
        %get3A_408 = arith.constant 32 : index
        %get3A_409 = tpu.vector_load %arg7[%get3A_407, %get3A_408] {strides = array<i32>} : memref<128x64xf32, #tpu.memory_space<vmem>>, vector<16xf32>,
        %mul3A_410 = arith.mulf %gather3A_384, %get3A_409 : vector<16xf32>
        %add3A_411 = arith.addf %add3A_331, %mul3A_410 : vector<16xf32>
        %mul3A_412 = arith.constant 16 : i32
        %mul3A_413 = arith.muli %scan3A_167, %mul3A_412 : i32
        %add3A_414 = arith.constant 5 : i32
        %add3A_415 = arith.addi %mul3A_413, %add3A_414 : i32
        %get3A_416 = arith.index_cast %add3A_415 : i32 to index
        %get3A_417 = arith.constant 48 : index
        %get3A_418 = tpu.vector_load %arg7[%get3A_416, %get3A_417] {strides = array<i32>} : memref<128x64xf32, #tpu.memory_space<vmem>>, vector<16xf32>,
        %mul3A_419 = arith.mulf %gather3A_384, %get3A_418 : vector<16xf32>
        %add3A_420 = arith.addf %add3A_340, %mul3A_419 : vector<16xf32>
        %broadcast_in_dim3A_421 = arith.constant 6 : i32
        %broadcast_in_dim3A_422 = vector.broadcast %broadcast_in_dim3A_421 : i32 to vector<16x1xi32>
        %gather3A_423 = vector.shape_cast %broadcast_in_dim3A_422 : vector<16x1xi32> to vector<16xi32>
        %gather3A_424 = tpu.dynamic_gather %get3A_181[%gather3A_423] in [0] : vector<16xf32>, vector<16xi32> -> vector<16xf32>
        %mul3A_425 = arith.constant 16 : i32
        %mul3A_426 = arith.muli %scan3A_167, %mul3A_425 : i32
        %add3A_427 = arith.constant 6 : i32
        %add3A_428 = arith.addi %mul3A_426, %add3A_427 : i32
        %get3A_429 = arith.index_cast %add3A_428 : i32 to index
        %get3A_430 = arith.constant 0 : index
        %get3A_431 = tpu.vector_load %arg7[%get3A_429, %get3A_430] {strides = array<i32>} : memref<128x64xf32, #tpu.memory_space<vmem>>, vector<16xf32>,
        %mul3A_432 = arith.mulf %gather3A_424, %get3A_431 : vector<16xf32>
        %add3A_433 = arith.addf %add3A_353, %mul3A_432 : vector<16xf32>
        %mul3A_434 = arith.constant 16 : i32
        %mul3A_435 = arith.muli %scan3A_167, %mul3A_434 : i32
        %add3A_436 = arith.constant 6 : i32
        %add3A_437 = arith.addi %mul3A_435, %add3A_436 : i32
        %get3A_438 = arith.index_cast %add3A_437 : i32 to index
        %get3A_439 = arith.constant 16 : index
        %get3A_440 = tpu.vector_load %arg7[%get3A_438, %get3A_439] {strides = array<i32>} : memref<128x64xf32, #tpu.memory_space<vmem>>, vector<16xf32>,
        %mul3A_441 = arith.mulf %gather3A_424, %get3A_440 : vector<16xf32>
        %add3A_442 = arith.addf %add3A_362, %mul3A_441 : vector<16xf32>
        %mul3A_443 = arith.constant 16 : i32
        %mul3A_444 = arith.muli %scan3A_167, %mul3A_443 : i32
        %add3A_445 = arith.constant 6 : i32
        %add3A_446 = arith.addi %mul3A_444, %add3A_445 : i32
        %get3A_447 = arith.index_cast %add3A_446 : i32 to index
        %get3A_448 = arith.constant 32 : index
        %get3A_449 = tpu.vector_load %arg7[%get3A_447, %get3A_448] {strides = array<i32>} : memref<128x64xf32, #tpu.memory_space<vmem>>, vector<16xf32>,
        %mul3A_450 = arith.mulf %gather3A_424, %get3A_449 : vector<16xf32>
        %add3A_451 = arith.addf %add3A_371, %mul3A_450 : vector<16xf32>
        %mul3A_452 = arith.constant 16 : i32
        %mul3A_453 = arith.muli %scan3A_167, %mul3A_452 : i32
        %add3A_454 = arith.constant 6 : i32
        %add3A_455 = arith.addi %mul3A_453, %add3A_454 : i32
        %get3A_456 = arith.index_cast %add3A_455 : i32 to index
        %get3A_457 = arith.constant 48 : index
        %get3A_458 = tpu.vector_load %arg7[%get3A_456, %get3A_457] {strides = array<i32>} : memref<128x64xf32, #tpu.memory_space<vmem>>, vector<16xf32>,
        %mul3A_459 = arith.mulf %gather3A_424, %get3A_458 : vector<16xf32>
        %add3A_460 = arith.addf %add3A_380, %mul3A_459 : vector<16xf32>
        %broadcast_in_dim3A_461 = arith.constant 7 : i32
        %broadcast_in_dim3A_462 = vector.broadcast %broadcast_in_dim3A_461 : i32 to vector<16x1xi32>
        %gather3A_463 = vector.shape_cast %broadcast_in_dim3A_462 : vector<16x1xi32> to vector<16xi32>
        %gather3A_464 = tpu.dynamic_gather %get3A_181[%gather3A_463] in [0] : vector<16xf32>, vector<16xi32> -> vector<16xf32>
        %mul3A_465 = arith.constant 16 : i32
        %mul3A_466 = arith.muli %scan3A_167, %mul3A_465 : i32
        %add3A_467 = arith.constant 7 : i32
        %add3A_468 = arith.addi %mul3A_466, %add3A_467 : i32
        %get3A_469 = arith.index_cast %add3A_468 : i32 to index
        %get3A_470 = arith.constant 0 : index
        %get3A_471 = tpu.vector_load %arg7[%get3A_469, %get3A_470] {strides = array<i32>} : memref<128x64xf32, #tpu.memory_space<vmem>>, vector<16xf32>,
        %mul3A_472 = arith.mulf %gather3A_464, %get3A_471 : vector<16xf32>
        %add3A_473 = arith.addf %add3A_393, %mul3A_472 : vector<16xf32>
        %mul3A_474 = arith.constant 16 : i32
        %mul3A_475 = arith.muli %scan3A_167, %mul3A_474 : i32
        %add3A_476 = arith.constant 7 : i32
        %add3A_477 = arith.addi %mul3A_475, %add3A_476 : i32
        %get3A_478 = arith.index_cast %add3A_477 : i32 to index
        %get3A_479 = arith.constant 16 : index
        %get3A_480 = tpu.vector_load %arg7[%get3A_478, %get3A_479] {strides = array<i32>} : memref<128x64xf32, #tpu.memory_space<vmem>>, vector<16xf32>,
        %mul3A_481 = arith.mulf %gather3A_464, %get3A_480 : vector<16xf32>
        %add3A_482 = arith.addf %add3A_402, %mul3A_481 : vector<16xf32>
        %mul3A_483 = arith.constant 16 : i32
        %mul3A_484 = arith.muli %scan3A_167, %mul3A_483 : i32
        %add3A_485 = arith.constant 7 : i32
        %add3A_486 = arith.addi %mul3A_484, %add3A_485 : i32
        %get3A_487 = arith.index_cast %add3A_486 : i32 to index
        %get3A_488 = arith.constant 32 : index
        %get3A_489 = tpu.vector_load %arg7[%get3A_487, %get3A_488] {strides = array<i32>} : memref<128x64xf32, #tpu.memory_space<vmem>>, vector<16xf32>,
        %mul3A_490 = arith.mulf %gather3A_464, %get3A_489 : vector<16xf32>
        %add3A_491 = arith.addf %add3A_411, %mul3A_490 : vector<16xf32>
        %mul3A_492 = arith.constant 16 : i32
        %mul3A_493 = arith.muli %scan3A_167, %mul3A_492 : i32
        %add3A_494 = arith.constant 7 : i32
        %add3A_495 = arith.addi %mul3A_493, %add3A_494 : i32
        %get3A_496 = arith.index_cast %add3A_495 : i32 to index
        %get3A_497 = arith.constant 48 : index
        %get3A_498 = tpu.vector_load %arg7[%get3A_496, %get3A_497] {strides = array<i32>} : memref<128x64xf32, #tpu.memory_space<vmem>>, vector<16xf32>,
        %mul3A_499 = arith.mulf %gather3A_464, %get3A_498 : vector<16xf32>
        %add3A_500 = arith.addf %add3A_420, %mul3A_499 : vector<16xf32>
        %broadcast_in_dim3A_501 = arith.constant 8 : i32
        %broadcast_in_dim3A_502 = vector.broadcast %broadcast_in_dim3A_501 : i32 to vector<16x1xi32>
        %gather3A_503 = vector.shape_cast %broadcast_in_dim3A_502 : vector<16x1xi32> to vector<16xi32>
        %gather3A_504 = tpu.dynamic_gather %get3A_181[%gather3A_503] in [0] : vector<16xf32>, vector<16xi32> -> vector<16xf32>
        %mul3A_505 = arith.constant 16 : i32
        %mul3A_506 = arith.muli %scan3A_167, %mul3A_505 : i32
        %add3A_507 = arith.constant 8 : i32
        %add3A_508 = arith.addi %mul3A_506, %add3A_507 : i32
        %get3A_509 = arith.index_cast %add3A_508 : i32 to index
        %get3A_510 = arith.constant 0 : index
        %get3A_511 = tpu.vector_load %arg7[%get3A_509, %get3A_510] {strides = array<i32>} : memref<128x64xf32, #tpu.memory_space<vmem>>, vector<16xf32>,
        %mul3A_512 = arith.mulf %gather3A_504, %get3A_511 : vector<16xf32>
        %add3A_513 = arith.addf %add3A_433, %mul3A_512 : vector<16xf32>
        %mul3A_514 = arith.constant 16 : i32
        %mul3A_515 = arith.muli %scan3A_167, %mul3A_514 : i32
        %add3A_516 = arith.constant 8 : i32
        %add3A_517 = arith.addi %mul3A_515, %add3A_516 : i32
        %get3A_518 = arith.index_cast %add3A_517 : i32 to index
        %get3A_519 = arith.constant 16 : index
        %get3A_520 = tpu.vector_load %arg7[%get3A_518, %get3A_519] {strides = array<i32>} : memref<128x64xf32, #tpu.memory_space<vmem>>, vector<16xf32>,
        %mul3A_521 = arith.mulf %gather3A_504, %get3A_520 : vector<16xf32>
        %add3A_522 = arith.addf %add3A_442, %mul3A_521 : vector<16xf32>
        %mul3A_523 = arith.constant 16 : i32
        %mul3A_524 = arith.muli %scan3A_167, %mul3A_523 : i32
        %add3A_525 = arith.constant 8 : i32
        %add3A_526 = arith.addi %mul3A_524, %add3A_525 : i32
        %get3A_527 = arith.index_cast %add3A_526 : i32 to index
        %get3A_528 = arith.constant 32 : index
        %get3A_529 = tpu.vector_load %arg7[%get3A_527, %get3A_528] {strides = array<i32>} : memref<128x64xf32, #tpu.memory_space<vmem>>, vector<16xf32>,
        %mul3A_530 = arith.mulf %gather3A_504, %get3A_529 : vector<16xf32>
        %add3A_531 = arith.addf %add3A_451, %mul3A_530 : vector<16xf32>
        %mul3A_532 = arith.constant 16 : i32
        %mul3A_533 = arith.muli %scan3A_167, %mul3A_532 : i32
        %add3A_534 = arith.constant 8 : i32
        %add3A_535 = arith.addi %mul3A_533, %add3A_534 : i32
        %get3A_536 = arith.index_cast %add3A_535 : i32 to index
        %get3A_537 = arith.constant 48 : index
        %get3A_538 = tpu.vector_load %arg7[%get3A_536, %get3A_537] {strides = array<i32>} : memref<128x64xf32, #tpu.memory_space<vmem>>, vector<16xf32>,
        %mul3A_539 = arith.mulf %gather3A_504, %get3A_538 : vector<16xf32>
        %add3A_540 = arith.addf %add3A_460, %mul3A_539 : vector<16xf32>
        %broadcast_in_dim3A_541 = arith.constant 9 : i32
        %broadcast_in_dim3A_542 = vector.broadcast %broadcast_in_dim3A_541 : i32 to vector<16x1xi32>
        %gather3A_543 = vector.shape_cast %broadcast_in_dim3A_542 : vector<16x1xi32> to vector<16xi32>
        %gather3A_544 = tpu.dynamic_gather %get3A_181[%gather3A_543] in [0] : vector<16xf32>, vector<16xi32> -> vector<16xf32>
        %mul3A_545 = arith.constant 16 : i32
        %mul3A_546 = arith.muli %scan3A_167, %mul3A_545 : i32
        %add3A_547 = arith.constant 9 : i32
        %add3A_548 = arith.addi %mul3A_546, %add3A_547 : i32
        %get3A_549 = arith.index_cast %add3A_548 : i32 to index
        %get3A_550 = arith.constant 0 : index
        %get3A_551 = tpu.vector_load %arg7[%get3A_549, %get3A_550] {strides = array<i32>} : memref<128x64xf32, #tpu.memory_space<vmem>>, vector<16xf32>,
        %mul3A_552 = arith.mulf %gather3A_544, %get3A_551 : vector<16xf32>
        %add3A_553 = arith.addf %add3A_473, %mul3A_552 : vector<16xf32>
        %mul3A_554 = arith.constant 16 : i32
        %mul3A_555 = arith.muli %scan3A_167, %mul3A_554 : i32
        %add3A_556 = arith.constant 9 : i32
        %add3A_557 = arith.addi %mul3A_555, %add3A_556 : i32
        %get3A_558 = arith.index_cast %add3A_557 : i32 to index
        %get3A_559 = arith.constant 16 : index
        %get3A_560 = tpu.vector_load %arg7[%get3A_558, %get3A_559] {strides = array<i32>} : memref<128x64xf32, #tpu.memory_space<vmem>>, vector<16xf32>,
        %mul3A_561 = arith.mulf %gather3A_544, %get3A_560 : vector<16xf32>
        %add3A_562 = arith.addf %add3A_482, %mul3A_561 : vector<16xf32>
        %mul3A_563 = arith.constant 16 : i32
        %mul3A_564 = arith.muli %scan3A_167, %mul3A_563 : i32
        %add3A_565 = arith.constant 9 : i32
        %add3A_566 = arith.addi %mul3A_564, %add3A_565 : i32
        %get3A_567 = arith.index_cast %add3A_566 : i32 to index
        %get3A_568 = arith.constant 32 : index
        %get3A_569 = tpu.vector_load %arg7[%get3A_567, %get3A_568] {strides = array<i32>} : memref<128x64xf32, #tpu.memory_space<vmem>>, vector<16xf32>,
        %mul3A_570 = arith.mulf %gather3A_544, %get3A_569 : vector<16xf32>
        %add3A_571 = arith.addf %add3A_491, %mul3A_570 : vector<16xf32>
        %mul3A_572 = arith.constant 16 : i32
        %mul3A_573 = arith.muli %scan3A_167, %mul3A_572 : i32
        %add3A_574 = arith.constant 9 : i32
        %add3A_575 = arith.addi %mul3A_573, %add3A_574 : i32
        %get3A_576 = arith.index_cast %add3A_575 : i32 to index
        %get3A_577 = arith.constant 48 : index
        %get3A_578 = tpu.vector_load %arg7[%get3A_576, %get3A_577] {strides = array<i32>} : memref<128x64xf32, #tpu.memory_space<vmem>>, vector<16xf32>,
        %mul3A_579 = arith.mulf %gather3A_544, %get3A_578 : vector<16xf32>
        %add3A_580 = arith.addf %add3A_500, %mul3A_579 : vector<16xf32>
        %broadcast_in_dim3A_581 = arith.constant 10 : i32
        %broadcast_in_dim3A_582 = vector.broadcast %broadcast_in_dim3A_581 : i32 to vector<16x1xi32>
        %gather3A_583 = vector.shape_cast %broadcast_in_dim3A_582 : vector<16x1xi32> to vector<16xi32>
        %gather3A_584 = tpu.dynamic_gather %get3A_181[%gather3A_583] in [0] : vector<16xf32>, vector<16xi32> -> vector<16xf32>
        %mul3A_585 = arith.constant 16 : i32
        %mul3A_586 = arith.muli %scan3A_167, %mul3A_585 : i32
        %add3A_587 = arith.constant 10 : i32
        %add3A_588 = arith.addi %mul3A_586, %add3A_587 : i32
        %get3A_589 = arith.index_cast %add3A_588 : i32 to index
        %get3A_590 = arith.constant 0 : index
        %get3A_591 = tpu.vector_load %arg7[%get3A_589, %get3A_590] {strides = array<i32>} : memref<128x64xf32, #tpu.memory_space<vmem>>, vector<16xf32>,
        %mul3A_592 = arith.mulf %gather3A_584, %get3A_591 : vector<16xf32>
        %add3A_593 = arith.addf %add3A_513, %mul3A_592 : vector<16xf32>
        %mul3A_594 = arith.constant 16 : i32
        %mul3A_595 = arith.muli %scan3A_167, %mul3A_594 : i32
        %add3A_596 = arith.constant 10 : i32
        %add3A_597 = arith.addi %mul3A_595, %add3A_596 : i32
        %get3A_598 = arith.index_cast %add3A_597 : i32 to index
        %get3A_599 = arith.constant 16 : index
        %get3A_600 = tpu.vector_load %arg7[%get3A_598, %get3A_599] {strides = array<i32>} : memref<128x64xf32, #tpu.memory_space<vmem>>, vector<16xf32>,
        %mul3A_601 = arith.mulf %gather3A_584, %get3A_600 : vector<16xf32>
        %add3A_602 = arith.addf %add3A_522, %mul3A_601 : vector<16xf32>
        %mul3A_603 = arith.constant 16 : i32
        %mul3A_604 = arith.muli %scan3A_167, %mul3A_603 : i32
        %add3A_605 = arith.constant 10 : i32
        %add3A_606 = arith.addi %mul3A_604, %add3A_605 : i32
        %get3A_607 = arith.index_cast %add3A_606 : i32 to index
        %get3A_608 = arith.constant 32 : index
        %get3A_609 = tpu.vector_load %arg7[%get3A_607, %get3A_608] {strides = array<i32>} : memref<128x64xf32, #tpu.memory_space<vmem>>, vector<16xf32>,
        %mul3A_610 = arith.mulf %gather3A_584, %get3A_609 : vector<16xf32>
        %add3A_611 = arith.addf %add3A_531, %mul3A_610 : vector<16xf32>
        %mul3A_612 = arith.constant 16 : i32
        %mul3A_613 = arith.muli %scan3A_167, %mul3A_612 : i32
        %add3A_614 = arith.constant 10 : i32
        %add3A_615 = arith.addi %mul3A_613, %add3A_614 : i32
        %get3A_616 = arith.index_cast %add3A_615 : i32 to index
        %get3A_617 = arith.constant 48 : index
        %get3A_618 = tpu.vector_load %arg7[%get3A_616, %get3A_617] {strides = array<i32>} : memref<128x64xf32, #tpu.memory_space<vmem>>, vector<16xf32>,
        %mul3A_619 = arith.mulf %gather3A_584, %get3A_618 : vector<16xf32>
        %add3A_620 = arith.addf %add3A_540, %mul3A_619 : vector<16xf32>
        %broadcast_in_dim3A_621 = arith.constant 11 : i32
        %broadcast_in_dim3A_622 = vector.broadcast %broadcast_in_dim3A_621 : i32 to vector<16x1xi32>
        %gather3A_623 = vector.shape_cast %broadcast_in_dim3A_622 : vector<16x1xi32> to vector<16xi32>
        %gather3A_624 = tpu.dynamic_gather %get3A_181[%gather3A_623] in [0] : vector<16xf32>, vector<16xi32> -> vector<16xf32>
        %mul3A_625 = arith.constant 16 : i32
        %mul3A_626 = arith.muli %scan3A_167, %mul3A_625 : i32
        %add3A_627 = arith.constant 11 : i32
        %add3A_628 = arith.addi %mul3A_626, %add3A_627 : i32
        %get3A_629 = arith.index_cast %add3A_628 : i32 to index
        %get3A_630 = arith.constant 0 : index
        %get3A_631 = tpu.vector_load %arg7[%get3A_629, %get3A_630] {strides = array<i32>} : memref<128x64xf32, #tpu.memory_space<vmem>>, vector<16xf32>,
        %mul3A_632 = arith.mulf %gather3A_624, %get3A_631 : vector<16xf32>
        %add3A_633 = arith.addf %add3A_553, %mul3A_632 : vector<16xf32>
        %mul3A_634 = arith.constant 16 : i32
        %mul3A_635 = arith.muli %scan3A_167, %mul3A_634 : i32
        %add3A_636 = arith.constant 11 : i32
        %add3A_637 = arith.addi %mul3A_635, %add3A_636 : i32
        %get3A_638 = arith.index_cast %add3A_637 : i32 to index
        %get3A_639 = arith.constant 16 : index
        %get3A_640 = tpu.vector_load %arg7[%get3A_638, %get3A_639] {strides = array<i32>} : memref<128x64xf32, #tpu.memory_space<vmem>>, vector<16xf32>,
        %mul3A_641 = arith.mulf %gather3A_624, %get3A_640 : vector<16xf32>
        %add3A_642 = arith.addf %add3A_562, %mul3A_641 : vector<16xf32>
        %mul3A_643 = arith.constant 16 : i32
        %mul3A_644 = arith.muli %scan3A_167, %mul3A_643 : i32
        %add3A_645 = arith.constant 11 : i32
        %add3A_646 = arith.addi %mul3A_644, %add3A_645 : i32
        %get3A_647 = arith.index_cast %add3A_646 : i32 to index
        %get3A_648 = arith.constant 32 : index
        %get3A_649 = tpu.vector_load %arg7[%get3A_647, %get3A_648] {strides = array<i32>} : memref<128x64xf32, #tpu.memory_space<vmem>>, vector<16xf32>,
        %mul3A_650 = arith.mulf %gather3A_624, %get3A_649 : vector<16xf32>
        %add3A_651 = arith.addf %add3A_571, %mul3A_650 : vector<16xf32>
        %mul3A_652 = arith.constant 16 : i32
        %mul3A_653 = arith.muli %scan3A_167, %mul3A_652 : i32
        %add3A_654 = arith.constant 11 : i32
        %add3A_655 = arith.addi %mul3A_653, %add3A_654 : i32
        %get3A_656 = arith.index_cast %add3A_655 : i32 to index
        %get3A_657 = arith.constant 48 : index
        %get3A_658 = tpu.vector_load %arg7[%get3A_656, %get3A_657] {strides = array<i32>} : memref<128x64xf32, #tpu.memory_space<vmem>>, vector<16xf32>,
        %mul3A_659 = arith.mulf %gather3A_624, %get3A_658 : vector<16xf32>
        %add3A_660 = arith.addf %add3A_580, %mul3A_659 : vector<16xf32>
        %broadcast_in_dim3A_661 = arith.constant 12 : i32
        %broadcast_in_dim3A_662 = vector.broadcast %broadcast_in_dim3A_661 : i32 to vector<16x1xi32>
        %gather3A_663 = vector.shape_cast %broadcast_in_dim3A_662 : vector<16x1xi32> to vector<16xi32>
        %gather3A_664 = tpu.dynamic_gather %get3A_181[%gather3A_663] in [0] : vector<16xf32>, vector<16xi32> -> vector<16xf32>
        %mul3A_665 = arith.constant 16 : i32
        %mul3A_666 = arith.muli %scan3A_167, %mul3A_665 : i32
        %add3A_667 = arith.constant 12 : i32
        %add3A_668 = arith.addi %mul3A_666, %add3A_667 : i32
        %get3A_669 = arith.index_cast %add3A_668 : i32 to index
        %get3A_670 = arith.constant 0 : index
        %get3A_671 = tpu.vector_load %arg7[%get3A_669, %get3A_670] {strides = array<i32>} : memref<128x64xf32, #tpu.memory_space<vmem>>, vector<16xf32>,
        %mul3A_672 = arith.mulf %gather3A_664, %get3A_671 : vector<16xf32>
        %add3A_673 = arith.addf %add3A_593, %mul3A_672 : vector<16xf32>
        %mul3A_674 = arith.constant 16 : i32
        %mul3A_675 = arith.muli %scan3A_167, %mul3A_674 : i32
        %add3A_676 = arith.constant 12 : i32
        %add3A_677 = arith.addi %mul3A_675, %add3A_676 : i32
        %get3A_678 = arith.index_cast %add3A_677 : i32 to index
        %get3A_679 = arith.constant 16 : index
        %get3A_680 = tpu.vector_load %arg7[%get3A_678, %get3A_679] {strides = array<i32>} : memref<128x64xf32, #tpu.memory_space<vmem>>, vector<16xf32>,
        %mul3A_681 = arith.mulf %gather3A_664, %get3A_680 : vector<16xf32>
        %add3A_682 = arith.addf %add3A_602, %mul3A_681 : vector<16xf32>
        %mul3A_683 = arith.constant 16 : i32
        %mul3A_684 = arith.muli %scan3A_167, %mul3A_683 : i32
        %add3A_685 = arith.constant 12 : i32
        %add3A_686 = arith.addi %mul3A_684, %add3A_685 : i32
        %get3A_687 = arith.index_cast %add3A_686 : i32 to index
        %get3A_688 = arith.constant 32 : index
        %get3A_689 = tpu.vector_load %arg7[%get3A_687, %get3A_688] {strides = array<i32>} : memref<128x64xf32, #tpu.memory_space<vmem>>, vector<16xf32>,
        %mul3A_690 = arith.mulf %gather3A_664, %get3A_689 : vector<16xf32>
        %add3A_691 = arith.addf %add3A_611, %mul3A_690 : vector<16xf32>
        %mul3A_692 = arith.constant 16 : i32
        %mul3A_693 = arith.muli %scan3A_167, %mul3A_692 : i32
        %add3A_694 = arith.constant 12 : i32
        %add3A_695 = arith.addi %mul3A_693, %add3A_694 : i32
        %get3A_696 = arith.index_cast %add3A_695 : i32 to index
        %get3A_697 = arith.constant 48 : index
        %get3A_698 = tpu.vector_load %arg7[%get3A_696, %get3A_697] {strides = array<i32>} : memref<128x64xf32, #tpu.memory_space<vmem>>, vector<16xf32>,
        %mul3A_699 = arith.mulf %gather3A_664, %get3A_698 : vector<16xf32>
        %add3A_700 = arith.addf %add3A_620, %mul3A_699 : vector<16xf32>
        %broadcast_in_dim3A_701 = arith.constant 13 : i32
        %broadcast_in_dim3A_702 = vector.broadcast %broadcast_in_dim3A_701 : i32 to vector<16x1xi32>
        %gather3A_703 = vector.shape_cast %broadcast_in_dim3A_702 : vector<16x1xi32> to vector<16xi32>
        %gather3A_704 = tpu.dynamic_gather %get3A_181[%gather3A_703] in [0] : vector<16xf32>, vector<16xi32> -> vector<16xf32>
        %mul3A_705 = arith.constant 16 : i32
        %mul3A_706 = arith.muli %scan3A_167, %mul3A_705 : i32
        %add3A_707 = arith.constant 13 : i32
        %add3A_708 = arith.addi %mul3A_706, %add3A_707 : i32
        %get3A_709 = arith.index_cast %add3A_708 : i32 to index
        %get3A_710 = arith.constant 0 : index
        %get3A_711 = tpu.vector_load %arg7[%get3A_709, %get3A_710] {strides = array<i32>} : memref<128x64xf32, #tpu.memory_space<vmem>>, vector<16xf32>,
        %mul3A_712 = arith.mulf %gather3A_704, %get3A_711 : vector<16xf32>
        %add3A_713 = arith.addf %add3A_633, %mul3A_712 : vector<16xf32>
        %mul3A_714 = arith.constant 16 : i32
        %mul3A_715 = arith.muli %scan3A_167, %mul3A_714 : i32
        %add3A_716 = arith.constant 13 : i32
        %add3A_717 = arith.addi %mul3A_715, %add3A_716 : i32
        %get3A_718 = arith.index_cast %add3A_717 : i32 to index
        %get3A_719 = arith.constant 16 : index
        %get3A_720 = tpu.vector_load %arg7[%get3A_718, %get3A_719] {strides = array<i32>} : memref<128x64xf32, #tpu.memory_space<vmem>>, vector<16xf32>,
        %mul3A_721 = arith.mulf %gather3A_704, %get3A_720 : vector<16xf32>
        %add3A_722 = arith.addf %add3A_642, %mul3A_721 : vector<16xf32>
        %mul3A_723 = arith.constant 16 : i32
        %mul3A_724 = arith.muli %scan3A_167, %mul3A_723 : i32
        %add3A_725 = arith.constant 13 : i32
        %add3A_726 = arith.addi %mul3A_724, %add3A_725 : i32
        %get3A_727 = arith.index_cast %add3A_726 : i32 to index
        %get3A_728 = arith.constant 32 : index
        %get3A_729 = tpu.vector_load %arg7[%get3A_727, %get3A_728] {strides = array<i32>} : memref<128x64xf32, #tpu.memory_space<vmem>>, vector<16xf32>,
        %mul3A_730 = arith.mulf %gather3A_704, %get3A_729 : vector<16xf32>
        %add3A_731 = arith.addf %add3A_651, %mul3A_730 : vector<16xf32>
        %mul3A_732 = arith.constant 16 : i32
        %mul3A_733 = arith.muli %scan3A_167, %mul3A_732 : i32
        %add3A_734 = arith.constant 13 : i32
        %add3A_735 = arith.addi %mul3A_733, %add3A_734 : i32
        %get3A_736 = arith.index_cast %add3A_735 : i32 to index
        %get3A_737 = arith.constant 48 : index
        %get3A_738 = tpu.vector_load %arg7[%get3A_736, %get3A_737] {strides = array<i32>} : memref<128x64xf32, #tpu.memory_space<vmem>>, vector<16xf32>,
        %mul3A_739 = arith.mulf %gather3A_704, %get3A_738 : vector<16xf32>
        %add3A_740 = arith.addf %add3A_660, %mul3A_739 : vector<16xf32>
        %broadcast_in_dim3A_741 = arith.constant 14 : i32
        %broadcast_in_dim3A_742 = vector.broadcast %broadcast_in_dim3A_741 : i32 to vector<16x1xi32>
        %gather3A_743 = vector.shape_cast %broadcast_in_dim3A_742 : vector<16x1xi32> to vector<16xi32>
        %gather3A_744 = tpu.dynamic_gather %get3A_181[%gather3A_743] in [0] : vector<16xf32>, vector<16xi32> -> vector<16xf32>
        %mul3A_745 = arith.constant 16 : i32
        %mul3A_746 = arith.muli %scan3A_167, %mul3A_745 : i32
        %add3A_747 = arith.constant 14 : i32
        %add3A_748 = arith.addi %mul3A_746, %add3A_747 : i32
        %get3A_749 = arith.index_cast %add3A_748 : i32 to index
        %get3A_750 = arith.constant 0 : index
        %get3A_751 = tpu.vector_load %arg7[%get3A_749, %get3A_750] {strides = array<i32>} : memref<128x64xf32, #tpu.memory_space<vmem>>, vector<16xf32>,
        %mul3A_752 = arith.mulf %gather3A_744, %get3A_751 : vector<16xf32>
        %add3A_753 = arith.addf %add3A_673, %mul3A_752 : vector<16xf32>
        %mul3A_754 = arith.constant 16 : i32
        %mul3A_755 = arith.muli %scan3A_167, %mul3A_754 : i32
        %add3A_756 = arith.constant 14 : i32
        %add3A_757 = arith.addi %mul3A_755, %add3A_756 : i32
        %get3A_758 = arith.index_cast %add3A_757 : i32 to index
        %get3A_759 = arith.constant 16 : index
        %get3A_760 = tpu.vector_load %arg7[%get3A_758, %get3A_759] {strides = array<i32>} : memref<128x64xf32, #tpu.memory_space<vmem>>, vector<16xf32>,
        %mul3A_761 = arith.mulf %gather3A_744, %get3A_760 : vector<16xf32>
        %add3A_762 = arith.addf %add3A_682, %mul3A_761 : vector<16xf32>
        %mul3A_763 = arith.constant 16 : i32
        %mul3A_764 = arith.muli %scan3A_167, %mul3A_763 : i32
        %add3A_765 = arith.constant 14 : i32
        %add3A_766 = arith.addi %mul3A_764, %add3A_765 : i32
        %get3A_767 = arith.index_cast %add3A_766 : i32 to index
        %get3A_768 = arith.constant 32 : index
        %get3A_769 = tpu.vector_load %arg7[%get3A_767, %get3A_768] {strides = array<i32>} : memref<128x64xf32, #tpu.memory_space<vmem>>, vector<16xf32>,
        %mul3A_770 = arith.mulf %gather3A_744, %get3A_769 : vector<16xf32>
        %add3A_771 = arith.addf %add3A_691, %mul3A_770 : vector<16xf32>
        %mul3A_772 = arith.constant 16 : i32
        %mul3A_773 = arith.muli %scan3A_167, %mul3A_772 : i32
        %add3A_774 = arith.constant 14 : i32
        %add3A_775 = arith.addi %mul3A_773, %add3A_774 : i32
        %get3A_776 = arith.index_cast %add3A_775 : i32 to index
        %get3A_777 = arith.constant 48 : index
        %get3A_778 = tpu.vector_load %arg7[%get3A_776, %get3A_777] {strides = array<i32>} : memref<128x64xf32, #tpu.memory_space<vmem>>, vector<16xf32>,
        %mul3A_779 = arith.mulf %gather3A_744, %get3A_778 : vector<16xf32>
        %add3A_780 = arith.addf %add3A_700, %mul3A_779 : vector<16xf32>
        %broadcast_in_dim3A_781 = arith.constant 15 : i32
        %broadcast_in_dim3A_782 = vector.broadcast %broadcast_in_dim3A_781 : i32 to vector<16x1xi32>
        %gather3A_783 = vector.shape_cast %broadcast_in_dim3A_782 : vector<16x1xi32> to vector<16xi32>
        %gather3A_784 = tpu.dynamic_gather %get3A_181[%gather3A_783] in [0] : vector<16xf32>, vector<16xi32> -> vector<16xf32>
        %mul3A_785 = arith.constant 16 : i32
        %mul3A_786 = arith.muli %scan3A_167, %mul3A_785 : i32
        %add3A_787 = arith.constant 15 : i32
        %add3A_788 = arith.addi %mul3A_786, %add3A_787 : i32
        %get3A_789 = arith.index_cast %add3A_788 : i32 to index
        %get3A_790 = arith.constant 0 : index
        %get3A_791 = tpu.vector_load %arg7[%get3A_789, %get3A_790] {strides = array<i32>} : memref<128x64xf32, #tpu.memory_space<vmem>>, vector<16xf32>,
        %mul3A_792 = arith.mulf %gather3A_784, %get3A_791 : vector<16xf32>
        %add3A_793 = arith.addf %add3A_713, %mul3A_792 : vector<16xf32>
        %mul3A_794 = arith.constant 16 : i32
        %mul3A_795 = arith.muli %scan3A_167, %mul3A_794 : i32
        %add3A_796 = arith.constant 15 : i32
        %add3A_797 = arith.addi %mul3A_795, %add3A_796 : i32
        %get3A_798 = arith.index_cast %add3A_797 : i32 to index
        %get3A_799 = arith.constant 16 : index
        %get3A_800 = tpu.vector_load %arg7[%get3A_798, %get3A_799] {strides = array<i32>} : memref<128x64xf32, #tpu.memory_space<vmem>>, vector<16xf32>,
        %mul3A_801 = arith.mulf %gather3A_784, %get3A_800 : vector<16xf32>
        %add3A_802 = arith.addf %add3A_722, %mul3A_801 : vector<16xf32>
        %mul3A_803 = arith.constant 16 : i32
        %mul3A_804 = arith.muli %scan3A_167, %mul3A_803 : i32
        %add3A_805 = arith.constant 15 : i32
        %add3A_806 = arith.addi %mul3A_804, %add3A_805 : i32
        %get3A_807 = arith.index_cast %add3A_806 : i32 to index
        %get3A_808 = arith.constant 32 : index
        %get3A_809 = tpu.vector_load %arg7[%get3A_807, %get3A_808] {strides = array<i32>} : memref<128x64xf32, #tpu.memory_space<vmem>>, vector<16xf32>,
        %mul3A_810 = arith.mulf %gather3A_784, %get3A_809 : vector<16xf32>
        %add3A_811 = arith.addf %add3A_731, %mul3A_810 : vector<16xf32>
        %mul3A_812 = arith.constant 16 : i32
        %mul3A_813 = arith.muli %scan3A_167, %mul3A_812 : i32
        %add3A_814 = arith.constant 15 : i32
        %add3A_815 = arith.addi %mul3A_813, %add3A_814 : i32
        %get3A_816 = arith.index_cast %add3A_815 : i32 to index
        %get3A_817 = arith.constant 48 : index
        %get3A_818 = tpu.vector_load %arg7[%get3A_816, %get3A_817] {strides = array<i32>} : memref<128x64xf32, #tpu.memory_space<vmem>>, vector<16xf32>,
        %mul3A_819 = arith.mulf %gather3A_784, %get3A_818 : vector<16xf32>
        %add3A_820 = arith.addf %add3A_740, %mul3A_819 : vector<16xf32>
        scf.yield %add3A_753, %add3A_762, %add3A_771, %add3A_780, %add3A_793, %add3A_802, %add3A_811, %add3A_820 : vector<16xf32>, vector<16xf32>, vector<16xf32>, vector<16xf32>, vector<16xf32>, vector<16xf32>, vector<16xf32>, vector<16xf32>
      }
      %scan3A_133 = arith.constant 8 : i32
      %add3A_134 = arith.constant 4 : i32
      %add3A_135 = arith.addi %add3A_118, %add3A_134 : i32
      %lt3A_136 = arith.constant 128 : i32
      %lt3A_137 = arith.cmpi slt, %add3A_135, %lt3A_136 : i32
      %convert_element_type3A_138 = arith.extui %lt3A_137 : i1 to i32
      %cond3A_139 = arith.constant 0 : i32
      %cond3A_140 = arith.cmpi ne, %convert_element_type3A_138, %cond3A_139 : i32
      scf.if %cond3A_140 {
        %add3A_167 = arith.constant 4 : i32
        %add3A_168 = arith.addi %add3A_118, %add3A_167 : i32
        %mul3A_169 = arith.constant 128 : i32
        %mul3A_170 = arith.muli %add3A_168, %mul3A_169 : i32
        %add3A_171 = arith.addi %add3A_1, %mul3A_170 : i32
        %dma_start3A_172 = arith.constant 0 : i32
        %dma_start3A_173 = tpu.memref_slice %arg3[%arg1, %add3A_171, %dma_start3A_172] : memref<16x65536x64xf32, #tpu.memory_space<hbm>> -> memref<1x128x64xf32, #tpu.memory_space<hbm>>
        %dma_start3A_174 = tpu.memref_squeeze %dma_start3A_173 : memref<1x128x64xf32, #tpu.memory_space<hbm>> -> memref<128x64xf32, #tpu.memory_space<hbm>>
        %dma_start3A_175 = arith.constant 0 : i32
        %dma_start3A_176 = tpu.memref_slice %arg3[%arg1, %add3A_171, %dma_start3A_175] : memref<16x65536x64xf32, #tpu.memory_space<hbm>> -> memref<1x128x64xf32, #tpu.memory_space<hbm>>
        %dma_start3A_177 = tpu.memref_squeeze %dma_start3A_176 : memref<1x128x64xf32, #tpu.memory_space<hbm>> -> memref<128x64xf32, #tpu.memory_space<hbm>>
        tpu.enqueue_dma source(%dma_start3A_177 : memref<128x64xf32, #tpu.memory_space<hbm>>) target(%arg7 : memref<128x64xf32, #tpu.memory_space<vmem>>) target_semaphore(%arg13 : memref<!tpu.dma_semaphore, #tpu.memory_space<semaphore_mem>>)
      } else {
      }
      %mul3A_141 = arith.constant 4 : i32
      %mul3A_142 = arith.muli %scan3A_57, %mul3A_141 : i32
      %add3A_143 = arith.constant 3 : i32
      %add3A_144 = arith.addi %mul3A_142, %add3A_143 : i32
      %mul3A_145 = arith.constant 128 : i32
      %mul3A_146 = arith.muli %add3A_144, %mul3A_145 : i32
      %add3A_147 = arith.addi %add3A_1, %mul3A_146 : i32
      %dma_wait3A_148 = arith.constant 0 : i32
      %dma_wait3A_149 = tpu.memref_slice %arg3[%arg1, %add3A_147, %dma_wait3A_148] : memref<16x65536x64xf32, #tpu.memory_space<hbm>> -> memref<1x128x64xf32, #tpu.memory_space<hbm>>
      %dma_wait3A_150 = tpu.memref_squeeze %dma_wait3A_149 : memref<1x128x64xf32, #tpu.memory_space<hbm>> -> memref<128x64xf32, #tpu.memory_space<hbm>>
      %dma_wait3A_151 = arith.constant 0 : i32
      %dma_wait3A_152 = tpu.memref_slice %arg3[%arg1, %add3A_147, %dma_wait3A_151] : memref<16x65536x64xf32, #tpu.memory_space<hbm>> -> memref<1x128x64xf32, #tpu.memory_space<hbm>>
      %dma_wait3A_153 = tpu.memref_squeeze %dma_wait3A_152 : memref<1x128x64xf32, #tpu.memory_space<hbm>> -> memref<128x64xf32, #tpu.memory_space<hbm>>
      tpu.wait_dma2 semaphore(%arg14 : memref<!tpu.dma_semaphore, #tpu.memory_space<semaphore_mem>>) src(%dma_wait3A_153 : memref<128x64xf32, #tpu.memory_space<hbm>>) dst(%arg8 : memref<128x64xf32, #tpu.memory_space<vmem>>)
      %scan3A_154 = arith.constant 0 : i32
      %scan3A_155 = arith.constant 8 : i32
      %scan3A_156 = arith.addi %scan3A_154, %scan3A_155 : i32
      %scan3A_157 = arith.constant 1 : i32
      %scan3A_158:8 = scf.for %scan3A_167 = %scan3A_154 to %scan3A_156 step %scan3A_157 iter_args(%scan3A_168 = %scan3A_132#0, %scan3A_169 = %scan3A_132#1, %scan3A_170 = %scan3A_132#2, %scan3A_171 = %scan3A_132#3, %scan3A_172 = %scan3A_132#4, %scan3A_173 = %scan3A_132#5, %scan3A_174 = %scan3A_132#6, %scan3A_175 = %scan3A_132#7) -> (vector<16xf32>, vector<16xf32>, vector<16xf32>, vector<16xf32>, vector<16xf32>, vector<16xf32>, vector<16xf32>, vector<16xf32>)  : i32 {
        %mul3A_176 = arith.constant 128 : i32
        %mul3A_177 = arith.muli %add3A_144, %mul3A_176 : i32
        %mul3A_178 = arith.constant 16 : i32
        %mul3A_179 = arith.muli %scan3A_167, %mul3A_178 : i32
        %add3A_180 = arith.addi %mul3A_177, %mul3A_179 : i32
        %get3A = arith.index_cast %add3A_180 : i32 to index
        %get3A_181 = tpu.vector_load %arg9[%get3A] {strides = array<i32>} : memref<16384xf32, #tpu.memory_space<vmem>>, vector<16xf32>,
        %broadcast_in_dim3A_182 = arith.constant 0 : i32
        %broadcast_in_dim3A_183 = vector.broadcast %broadcast_in_dim3A_182 : i32 to vector<16x1xi32>
        %gather3A = vector.shape_cast %broadcast_in_dim3A_183 : vector<16x1xi32> to vector<16xi32>
        %gather3A_184 = tpu.dynamic_gather %get3A_181[%gather3A] in [0] : vector<16xf32>, vector<16xi32> -> vector<16xf32>
        %mul3A_185 = arith.constant 16 : i32
        %mul3A_186 = arith.muli %scan3A_167, %mul3A_185 : i32
        %add3A_187 = arith.constant 0 : i32
        %add3A_188 = arith.addi %mul3A_186, %add3A_187 : i32
        %get3A_189 = arith.index_cast %add3A_188 : i32 to index
        %get3A_190 = arith.constant 0 : index
        %get3A_191 = tpu.vector_load %arg8[%get3A_189, %get3A_190] {strides = array<i32>} : memref<128x64xf32, #tpu.memory_space<vmem>>, vector<16xf32>,
        %mul3A_192 = arith.mulf %gather3A_184, %get3A_191 : vector<16xf32>
        %add3A_193 = arith.addf %scan3A_168, %mul3A_192 : vector<16xf32>
        %mul3A_194 = arith.constant 16 : i32
        %mul3A_195 = arith.muli %scan3A_167, %mul3A_194 : i32
        %add3A_196 = arith.constant 0 : i32
        %add3A_197 = arith.addi %mul3A_195, %add3A_196 : i32
        %get3A_198 = arith.index_cast %add3A_197 : i32 to index
        %get3A_199 = arith.constant 16 : index
        %get3A_200 = tpu.vector_load %arg8[%get3A_198, %get3A_199] {strides = array<i32>} : memref<128x64xf32, #tpu.memory_space<vmem>>, vector<16xf32>,
        %mul3A_201 = arith.mulf %gather3A_184, %get3A_200 : vector<16xf32>
        %add3A_202 = arith.addf %scan3A_169, %mul3A_201 : vector<16xf32>
        %mul3A_203 = arith.constant 16 : i32
        %mul3A_204 = arith.muli %scan3A_167, %mul3A_203 : i32
        %add3A_205 = arith.constant 0 : i32
        %add3A_206 = arith.addi %mul3A_204, %add3A_205 : i32
        %get3A_207 = arith.index_cast %add3A_206 : i32 to index
        %get3A_208 = arith.constant 32 : index
        %get3A_209 = tpu.vector_load %arg8[%get3A_207, %get3A_208] {strides = array<i32>} : memref<128x64xf32, #tpu.memory_space<vmem>>, vector<16xf32>,
        %mul3A_210 = arith.mulf %gather3A_184, %get3A_209 : vector<16xf32>
        %add3A_211 = arith.addf %scan3A_170, %mul3A_210 : vector<16xf32>
        %mul3A_212 = arith.constant 16 : i32
        %mul3A_213 = arith.muli %scan3A_167, %mul3A_212 : i32
        %add3A_214 = arith.constant 0 : i32
        %add3A_215 = arith.addi %mul3A_213, %add3A_214 : i32
        %get3A_216 = arith.index_cast %add3A_215 : i32 to index
        %get3A_217 = arith.constant 48 : index
        %get3A_218 = tpu.vector_load %arg8[%get3A_216, %get3A_217] {strides = array<i32>} : memref<128x64xf32, #tpu.memory_space<vmem>>, vector<16xf32>,
        %mul3A_219 = arith.mulf %gather3A_184, %get3A_218 : vector<16xf32>
        %add3A_220 = arith.addf %scan3A_171, %mul3A_219 : vector<16xf32>
        %broadcast_in_dim3A_221 = arith.constant 1 : i32
        %broadcast_in_dim3A_222 = vector.broadcast %broadcast_in_dim3A_221 : i32 to vector<16x1xi32>
        %gather3A_223 = vector.shape_cast %broadcast_in_dim3A_222 : vector<16x1xi32> to vector<16xi32>
        %gather3A_224 = tpu.dynamic_gather %get3A_181[%gather3A_223] in [0] : vector<16xf32>, vector<16xi32> -> vector<16xf32>
        %mul3A_225 = arith.constant 16 : i32
        %mul3A_226 = arith.muli %scan3A_167, %mul3A_225 : i32
        %add3A_227 = arith.constant 1 : i32
        %add3A_228 = arith.addi %mul3A_226, %add3A_227 : i32
        %get3A_229 = arith.index_cast %add3A_228 : i32 to index
        %get3A_230 = arith.constant 0 : index
        %get3A_231 = tpu.vector_load %arg8[%get3A_229, %get3A_230] {strides = array<i32>} : memref<128x64xf32, #tpu.memory_space<vmem>>, vector<16xf32>,
        %mul3A_232 = arith.mulf %gather3A_224, %get3A_231 : vector<16xf32>
        %add3A_233 = arith.addf %scan3A_172, %mul3A_232 : vector<16xf32>
        %mul3A_234 = arith.constant 16 : i32
        %mul3A_235 = arith.muli %scan3A_167, %mul3A_234 : i32
        %add3A_236 = arith.constant 1 : i32
        %add3A_237 = arith.addi %mul3A_235, %add3A_236 : i32
        %get3A_238 = arith.index_cast %add3A_237 : i32 to index
        %get3A_239 = arith.constant 16 : index
        %get3A_240 = tpu.vector_load %arg8[%get3A_238, %get3A_239] {strides = array<i32>} : memref<128x64xf32, #tpu.memory_space<vmem>>, vector<16xf32>,
        %mul3A_241 = arith.mulf %gather3A_224, %get3A_240 : vector<16xf32>
        %add3A_242 = arith.addf %scan3A_173, %mul3A_241 : vector<16xf32>
        %mul3A_243 = arith.constant 16 : i32
        %mul3A_244 = arith.muli %scan3A_167, %mul3A_243 : i32
        %add3A_245 = arith.constant 1 : i32
        %add3A_246 = arith.addi %mul3A_244, %add3A_245 : i32
        %get3A_247 = arith.index_cast %add3A_246 : i32 to index
        %get3A_248 = arith.constant 32 : index
        %get3A_249 = tpu.vector_load %arg8[%get3A_247, %get3A_248] {strides = array<i32>} : memref<128x64xf32, #tpu.memory_space<vmem>>, vector<16xf32>,
        %mul3A_250 = arith.mulf %gather3A_224, %get3A_249 : vector<16xf32>
        %add3A_251 = arith.addf %scan3A_174, %mul3A_250 : vector<16xf32>
        %mul3A_252 = arith.constant 16 : i32
        %mul3A_253 = arith.muli %scan3A_167, %mul3A_252 : i32
        %add3A_254 = arith.constant 1 : i32
        %add3A_255 = arith.addi %mul3A_253, %add3A_254 : i32
        %get3A_256 = arith.index_cast %add3A_255 : i32 to index
        %get3A_257 = arith.constant 48 : index
        %get3A_258 = tpu.vector_load %arg8[%get3A_256, %get3A_257] {strides = array<i32>} : memref<128x64xf32, #tpu.memory_space<vmem>>, vector<16xf32>,
        %mul3A_259 = arith.mulf %gather3A_224, %get3A_258 : vector<16xf32>
        %add3A_260 = arith.addf %scan3A_175, %mul3A_259 : vector<16xf32>
        %broadcast_in_dim3A_261 = arith.constant 2 : i32
        %broadcast_in_dim3A_262 = vector.broadcast %broadcast_in_dim3A_261 : i32 to vector<16x1xi32>
        %gather3A_263 = vector.shape_cast %broadcast_in_dim3A_262 : vector<16x1xi32> to vector<16xi32>
        %gather3A_264 = tpu.dynamic_gather %get3A_181[%gather3A_263] in [0] : vector<16xf32>, vector<16xi32> -> vector<16xf32>
        %mul3A_265 = arith.constant 16 : i32
        %mul3A_266 = arith.muli %scan3A_167, %mul3A_265 : i32
        %add3A_267 = arith.constant 2 : i32
        %add3A_268 = arith.addi %mul3A_266, %add3A_267 : i32
        %get3A_269 = arith.index_cast %add3A_268 : i32 to index
        %get3A_270 = arith.constant 0 : index
        %get3A_271 = tpu.vector_load %arg8[%get3A_269, %get3A_270] {strides = array<i32>} : memref<128x64xf32, #tpu.memory_space<vmem>>, vector<16xf32>,
        %mul3A_272 = arith.mulf %gather3A_264, %get3A_271 : vector<16xf32>
        %add3A_273 = arith.addf %add3A_193, %mul3A_272 : vector<16xf32>
        %mul3A_274 = arith.constant 16 : i32
        %mul3A_275 = arith.muli %scan3A_167, %mul3A_274 : i32
        %add3A_276 = arith.constant 2 : i32
        %add3A_277 = arith.addi %mul3A_275, %add3A_276 : i32
        %get3A_278 = arith.index_cast %add3A_277 : i32 to index
        %get3A_279 = arith.constant 16 : index
        %get3A_280 = tpu.vector_load %arg8[%get3A_278, %get3A_279] {strides = array<i32>} : memref<128x64xf32, #tpu.memory_space<vmem>>, vector<16xf32>,
        %mul3A_281 = arith.mulf %gather3A_264, %get3A_280 : vector<16xf32>
        %add3A_282 = arith.addf %add3A_202, %mul3A_281 : vector<16xf32>
        %mul3A_283 = arith.constant 16 : i32
        %mul3A_284 = arith.muli %scan3A_167, %mul3A_283 : i32
        %add3A_285 = arith.constant 2 : i32
        %add3A_286 = arith.addi %mul3A_284, %add3A_285 : i32
        %get3A_287 = arith.index_cast %add3A_286 : i32 to index
        %get3A_288 = arith.constant 32 : index
        %get3A_289 = tpu.vector_load %arg8[%get3A_287, %get3A_288] {strides = array<i32>} : memref<128x64xf32, #tpu.memory_space<vmem>>, vector<16xf32>,
        %mul3A_290 = arith.mulf %gather3A_264, %get3A_289 : vector<16xf32>
        %add3A_291 = arith.addf %add3A_211, %mul3A_290 : vector<16xf32>
        %mul3A_292 = arith.constant 16 : i32
        %mul3A_293 = arith.muli %scan3A_167, %mul3A_292 : i32
        %add3A_294 = arith.constant 2 : i32
        %add3A_295 = arith.addi %mul3A_293, %add3A_294 : i32
        %get3A_296 = arith.index_cast %add3A_295 : i32 to index
        %get3A_297 = arith.constant 48 : index
        %get3A_298 = tpu.vector_load %arg8[%get3A_296, %get3A_297] {strides = array<i32>} : memref<128x64xf32, #tpu.memory_space<vmem>>, vector<16xf32>,
        %mul3A_299 = arith.mulf %gather3A_264, %get3A_298 : vector<16xf32>
        %add3A_300 = arith.addf %add3A_220, %mul3A_299 : vector<16xf32>
        %broadcast_in_dim3A_301 = arith.constant 3 : i32
        %broadcast_in_dim3A_302 = vector.broadcast %broadcast_in_dim3A_301 : i32 to vector<16x1xi32>
        %gather3A_303 = vector.shape_cast %broadcast_in_dim3A_302 : vector<16x1xi32> to vector<16xi32>
        %gather3A_304 = tpu.dynamic_gather %get3A_181[%gather3A_303] in [0] : vector<16xf32>, vector<16xi32> -> vector<16xf32>
        %mul3A_305 = arith.constant 16 : i32
        %mul3A_306 = arith.muli %scan3A_167, %mul3A_305 : i32
        %add3A_307 = arith.constant 3 : i32
        %add3A_308 = arith.addi %mul3A_306, %add3A_307 : i32
        %get3A_309 = arith.index_cast %add3A_308 : i32 to index
        %get3A_310 = arith.constant 0 : index
        %get3A_311 = tpu.vector_load %arg8[%get3A_309, %get3A_310] {strides = array<i32>} : memref<128x64xf32, #tpu.memory_space<vmem>>, vector<16xf32>,
        %mul3A_312 = arith.mulf %gather3A_304, %get3A_311 : vector<16xf32>
        %add3A_313 = arith.addf %add3A_233, %mul3A_312 : vector<16xf32>
        %mul3A_314 = arith.constant 16 : i32
        %mul3A_315 = arith.muli %scan3A_167, %mul3A_314 : i32
        %add3A_316 = arith.constant 3 : i32
        %add3A_317 = arith.addi %mul3A_315, %add3A_316 : i32
        %get3A_318 = arith.index_cast %add3A_317 : i32 to index
        %get3A_319 = arith.constant 16 : index
        %get3A_320 = tpu.vector_load %arg8[%get3A_318, %get3A_319] {strides = array<i32>} : memref<128x64xf32, #tpu.memory_space<vmem>>, vector<16xf32>,
        %mul3A_321 = arith.mulf %gather3A_304, %get3A_320 : vector<16xf32>
        %add3A_322 = arith.addf %add3A_242, %mul3A_321 : vector<16xf32>
        %mul3A_323 = arith.constant 16 : i32
        %mul3A_324 = arith.muli %scan3A_167, %mul3A_323 : i32
        %add3A_325 = arith.constant 3 : i32
        %add3A_326 = arith.addi %mul3A_324, %add3A_325 : i32
        %get3A_327 = arith.index_cast %add3A_326 : i32 to index
        %get3A_328 = arith.constant 32 : index
        %get3A_329 = tpu.vector_load %arg8[%get3A_327, %get3A_328] {strides = array<i32>} : memref<128x64xf32, #tpu.memory_space<vmem>>, vector<16xf32>,
        %mul3A_330 = arith.mulf %gather3A_304, %get3A_329 : vector<16xf32>
        %add3A_331 = arith.addf %add3A_251, %mul3A_330 : vector<16xf32>
        %mul3A_332 = arith.constant 16 : i32
        %mul3A_333 = arith.muli %scan3A_167, %mul3A_332 : i32
        %add3A_334 = arith.constant 3 : i32
        %add3A_335 = arith.addi %mul3A_333, %add3A_334 : i32
        %get3A_336 = arith.index_cast %add3A_335 : i32 to index
        %get3A_337 = arith.constant 48 : index
        %get3A_338 = tpu.vector_load %arg8[%get3A_336, %get3A_337] {strides = array<i32>} : memref<128x64xf32, #tpu.memory_space<vmem>>, vector<16xf32>,
        %mul3A_339 = arith.mulf %gather3A_304, %get3A_338 : vector<16xf32>
        %add3A_340 = arith.addf %add3A_260, %mul3A_339 : vector<16xf32>
        %broadcast_in_dim3A_341 = arith.constant 4 : i32
        %broadcast_in_dim3A_342 = vector.broadcast %broadcast_in_dim3A_341 : i32 to vector<16x1xi32>
        %gather3A_343 = vector.shape_cast %broadcast_in_dim3A_342 : vector<16x1xi32> to vector<16xi32>
        %gather3A_344 = tpu.dynamic_gather %get3A_181[%gather3A_343] in [0] : vector<16xf32>, vector<16xi32> -> vector<16xf32>
        %mul3A_345 = arith.constant 16 : i32
        %mul3A_346 = arith.muli %scan3A_167, %mul3A_345 : i32
        %add3A_347 = arith.constant 4 : i32
        %add3A_348 = arith.addi %mul3A_346, %add3A_347 : i32
        %get3A_349 = arith.index_cast %add3A_348 : i32 to index
        %get3A_350 = arith.constant 0 : index
        %get3A_351 = tpu.vector_load %arg8[%get3A_349, %get3A_350] {strides = array<i32>} : memref<128x64xf32, #tpu.memory_space<vmem>>, vector<16xf32>,
        %mul3A_352 = arith.mulf %gather3A_344, %get3A_351 : vector<16xf32>
        %add3A_353 = arith.addf %add3A_273, %mul3A_352 : vector<16xf32>
        %mul3A_354 = arith.constant 16 : i32
        %mul3A_355 = arith.muli %scan3A_167, %mul3A_354 : i32
        %add3A_356 = arith.constant 4 : i32
        %add3A_357 = arith.addi %mul3A_355, %add3A_356 : i32
        %get3A_358 = arith.index_cast %add3A_357 : i32 to index
        %get3A_359 = arith.constant 16 : index
        %get3A_360 = tpu.vector_load %arg8[%get3A_358, %get3A_359] {strides = array<i32>} : memref<128x64xf32, #tpu.memory_space<vmem>>, vector<16xf32>,
        %mul3A_361 = arith.mulf %gather3A_344, %get3A_360 : vector<16xf32>
        %add3A_362 = arith.addf %add3A_282, %mul3A_361 : vector<16xf32>
        %mul3A_363 = arith.constant 16 : i32
        %mul3A_364 = arith.muli %scan3A_167, %mul3A_363 : i32
        %add3A_365 = arith.constant 4 : i32
        %add3A_366 = arith.addi %mul3A_364, %add3A_365 : i32
        %get3A_367 = arith.index_cast %add3A_366 : i32 to index
        %get3A_368 = arith.constant 32 : index
        %get3A_369 = tpu.vector_load %arg8[%get3A_367, %get3A_368] {strides = array<i32>} : memref<128x64xf32, #tpu.memory_space<vmem>>, vector<16xf32>,
        %mul3A_370 = arith.mulf %gather3A_344, %get3A_369 : vector<16xf32>
        %add3A_371 = arith.addf %add3A_291, %mul3A_370 : vector<16xf32>
        %mul3A_372 = arith.constant 16 : i32
        %mul3A_373 = arith.muli %scan3A_167, %mul3A_372 : i32
        %add3A_374 = arith.constant 4 : i32
        %add3A_375 = arith.addi %mul3A_373, %add3A_374 : i32
        %get3A_376 = arith.index_cast %add3A_375 : i32 to index
        %get3A_377 = arith.constant 48 : index
        %get3A_378 = tpu.vector_load %arg8[%get3A_376, %get3A_377] {strides = array<i32>} : memref<128x64xf32, #tpu.memory_space<vmem>>, vector<16xf32>,
        %mul3A_379 = arith.mulf %gather3A_344, %get3A_378 : vector<16xf32>
        %add3A_380 = arith.addf %add3A_300, %mul3A_379 : vector<16xf32>
        %broadcast_in_dim3A_381 = arith.constant 5 : i32
        %broadcast_in_dim3A_382 = vector.broadcast %broadcast_in_dim3A_381 : i32 to vector<16x1xi32>
        %gather3A_383 = vector.shape_cast %broadcast_in_dim3A_382 : vector<16x1xi32> to vector<16xi32>
        %gather3A_384 = tpu.dynamic_gather %get3A_181[%gather3A_383] in [0] : vector<16xf32>, vector<16xi32> -> vector<16xf32>
        %mul3A_385 = arith.constant 16 : i32
        %mul3A_386 = arith.muli %scan3A_167, %mul3A_385 : i32
        %add3A_387 = arith.constant 5 : i32
        %add3A_388 = arith.addi %mul3A_386, %add3A_387 : i32
        %get3A_389 = arith.index_cast %add3A_388 : i32 to index
        %get3A_390 = arith.constant 0 : index
        %get3A_391 = tpu.vector_load %arg8[%get3A_389, %get3A_390] {strides = array<i32>} : memref<128x64xf32, #tpu.memory_space<vmem>>, vector<16xf32>,
        %mul3A_392 = arith.mulf %gather3A_384, %get3A_391 : vector<16xf32>
        %add3A_393 = arith.addf %add3A_313, %mul3A_392 : vector<16xf32>
        %mul3A_394 = arith.constant 16 : i32
        %mul3A_395 = arith.muli %scan3A_167, %mul3A_394 : i32
        %add3A_396 = arith.constant 5 : i32
        %add3A_397 = arith.addi %mul3A_395, %add3A_396 : i32
        %get3A_398 = arith.index_cast %add3A_397 : i32 to index
        %get3A_399 = arith.constant 16 : index
        %get3A_400 = tpu.vector_load %arg8[%get3A_398, %get3A_399] {strides = array<i32>} : memref<128x64xf32, #tpu.memory_space<vmem>>, vector<16xf32>,
        %mul3A_401 = arith.mulf %gather3A_384, %get3A_400 : vector<16xf32>
        %add3A_402 = arith.addf %add3A_322, %mul3A_401 : vector<16xf32>
        %mul3A_403 = arith.constant 16 : i32
        %mul3A_404 = arith.muli %scan3A_167, %mul3A_403 : i32
        %add3A_405 = arith.constant 5 : i32
        %add3A_406 = arith.addi %mul3A_404, %add3A_405 : i32
        %get3A_407 = arith.index_cast %add3A_406 : i32 to index
        %get3A_408 = arith.constant 32 : index
        %get3A_409 = tpu.vector_load %arg8[%get3A_407, %get3A_408] {strides = array<i32>} : memref<128x64xf32, #tpu.memory_space<vmem>>, vector<16xf32>,
        %mul3A_410 = arith.mulf %gather3A_384, %get3A_409 : vector<16xf32>
        %add3A_411 = arith.addf %add3A_331, %mul3A_410 : vector<16xf32>
        %mul3A_412 = arith.constant 16 : i32
        %mul3A_413 = arith.muli %scan3A_167, %mul3A_412 : i32
        %add3A_414 = arith.constant 5 : i32
        %add3A_415 = arith.addi %mul3A_413, %add3A_414 : i32
        %get3A_416 = arith.index_cast %add3A_415 : i32 to index
        %get3A_417 = arith.constant 48 : index
        %get3A_418 = tpu.vector_load %arg8[%get3A_416, %get3A_417] {strides = array<i32>} : memref<128x64xf32, #tpu.memory_space<vmem>>, vector<16xf32>,
        %mul3A_419 = arith.mulf %gather3A_384, %get3A_418 : vector<16xf32>
        %add3A_420 = arith.addf %add3A_340, %mul3A_419 : vector<16xf32>
        %broadcast_in_dim3A_421 = arith.constant 6 : i32
        %broadcast_in_dim3A_422 = vector.broadcast %broadcast_in_dim3A_421 : i32 to vector<16x1xi32>
        %gather3A_423 = vector.shape_cast %broadcast_in_dim3A_422 : vector<16x1xi32> to vector<16xi32>
        %gather3A_424 = tpu.dynamic_gather %get3A_181[%gather3A_423] in [0] : vector<16xf32>, vector<16xi32> -> vector<16xf32>
        %mul3A_425 = arith.constant 16 : i32
        %mul3A_426 = arith.muli %scan3A_167, %mul3A_425 : i32
        %add3A_427 = arith.constant 6 : i32
        %add3A_428 = arith.addi %mul3A_426, %add3A_427 : i32
        %get3A_429 = arith.index_cast %add3A_428 : i32 to index
        %get3A_430 = arith.constant 0 : index
        %get3A_431 = tpu.vector_load %arg8[%get3A_429, %get3A_430] {strides = array<i32>} : memref<128x64xf32, #tpu.memory_space<vmem>>, vector<16xf32>,
        %mul3A_432 = arith.mulf %gather3A_424, %get3A_431 : vector<16xf32>
        %add3A_433 = arith.addf %add3A_353, %mul3A_432 : vector<16xf32>
        %mul3A_434 = arith.constant 16 : i32
        %mul3A_435 = arith.muli %scan3A_167, %mul3A_434 : i32
        %add3A_436 = arith.constant 6 : i32
        %add3A_437 = arith.addi %mul3A_435, %add3A_436 : i32
        %get3A_438 = arith.index_cast %add3A_437 : i32 to index
        %get3A_439 = arith.constant 16 : index
        %get3A_440 = tpu.vector_load %arg8[%get3A_438, %get3A_439] {strides = array<i32>} : memref<128x64xf32, #tpu.memory_space<vmem>>, vector<16xf32>,
        %mul3A_441 = arith.mulf %gather3A_424, %get3A_440 : vector<16xf32>
        %add3A_442 = arith.addf %add3A_362, %mul3A_441 : vector<16xf32>
        %mul3A_443 = arith.constant 16 : i32
        %mul3A_444 = arith.muli %scan3A_167, %mul3A_443 : i32
        %add3A_445 = arith.constant 6 : i32
        %add3A_446 = arith.addi %mul3A_444, %add3A_445 : i32
        %get3A_447 = arith.index_cast %add3A_446 : i32 to index
        %get3A_448 = arith.constant 32 : index
        %get3A_449 = tpu.vector_load %arg8[%get3A_447, %get3A_448] {strides = array<i32>} : memref<128x64xf32, #tpu.memory_space<vmem>>, vector<16xf32>,
        %mul3A_450 = arith.mulf %gather3A_424, %get3A_449 : vector<16xf32>
        %add3A_451 = arith.addf %add3A_371, %mul3A_450 : vector<16xf32>
        %mul3A_452 = arith.constant 16 : i32
        %mul3A_453 = arith.muli %scan3A_167, %mul3A_452 : i32
        %add3A_454 = arith.constant 6 : i32
        %add3A_455 = arith.addi %mul3A_453, %add3A_454 : i32
        %get3A_456 = arith.index_cast %add3A_455 : i32 to index
        %get3A_457 = arith.constant 48 : index
        %get3A_458 = tpu.vector_load %arg8[%get3A_456, %get3A_457] {strides = array<i32>} : memref<128x64xf32, #tpu.memory_space<vmem>>, vector<16xf32>,
        %mul3A_459 = arith.mulf %gather3A_424, %get3A_458 : vector<16xf32>
        %add3A_460 = arith.addf %add3A_380, %mul3A_459 : vector<16xf32>
        %broadcast_in_dim3A_461 = arith.constant 7 : i32
        %broadcast_in_dim3A_462 = vector.broadcast %broadcast_in_dim3A_461 : i32 to vector<16x1xi32>
        %gather3A_463 = vector.shape_cast %broadcast_in_dim3A_462 : vector<16x1xi32> to vector<16xi32>
        %gather3A_464 = tpu.dynamic_gather %get3A_181[%gather3A_463] in [0] : vector<16xf32>, vector<16xi32> -> vector<16xf32>
        %mul3A_465 = arith.constant 16 : i32
        %mul3A_466 = arith.muli %scan3A_167, %mul3A_465 : i32
        %add3A_467 = arith.constant 7 : i32
        %add3A_468 = arith.addi %mul3A_466, %add3A_467 : i32
        %get3A_469 = arith.index_cast %add3A_468 : i32 to index
        %get3A_470 = arith.constant 0 : index
        %get3A_471 = tpu.vector_load %arg8[%get3A_469, %get3A_470] {strides = array<i32>} : memref<128x64xf32, #tpu.memory_space<vmem>>, vector<16xf32>,
        %mul3A_472 = arith.mulf %gather3A_464, %get3A_471 : vector<16xf32>
        %add3A_473 = arith.addf %add3A_393, %mul3A_472 : vector<16xf32>
        %mul3A_474 = arith.constant 16 : i32
        %mul3A_475 = arith.muli %scan3A_167, %mul3A_474 : i32
        %add3A_476 = arith.constant 7 : i32
        %add3A_477 = arith.addi %mul3A_475, %add3A_476 : i32
        %get3A_478 = arith.index_cast %add3A_477 : i32 to index
        %get3A_479 = arith.constant 16 : index
        %get3A_480 = tpu.vector_load %arg8[%get3A_478, %get3A_479] {strides = array<i32>} : memref<128x64xf32, #tpu.memory_space<vmem>>, vector<16xf32>,
        %mul3A_481 = arith.mulf %gather3A_464, %get3A_480 : vector<16xf32>
        %add3A_482 = arith.addf %add3A_402, %mul3A_481 : vector<16xf32>
        %mul3A_483 = arith.constant 16 : i32
        %mul3A_484 = arith.muli %scan3A_167, %mul3A_483 : i32
        %add3A_485 = arith.constant 7 : i32
        %add3A_486 = arith.addi %mul3A_484, %add3A_485 : i32
        %get3A_487 = arith.index_cast %add3A_486 : i32 to index
        %get3A_488 = arith.constant 32 : index
        %get3A_489 = tpu.vector_load %arg8[%get3A_487, %get3A_488] {strides = array<i32>} : memref<128x64xf32, #tpu.memory_space<vmem>>, vector<16xf32>,
        %mul3A_490 = arith.mulf %gather3A_464, %get3A_489 : vector<16xf32>
        %add3A_491 = arith.addf %add3A_411, %mul3A_490 : vector<16xf32>
        %mul3A_492 = arith.constant 16 : i32
        %mul3A_493 = arith.muli %scan3A_167, %mul3A_492 : i32
        %add3A_494 = arith.constant 7 : i32
        %add3A_495 = arith.addi %mul3A_493, %add3A_494 : i32
        %get3A_496 = arith.index_cast %add3A_495 : i32 to index
        %get3A_497 = arith.constant 48 : index
        %get3A_498 = tpu.vector_load %arg8[%get3A_496, %get3A_497] {strides = array<i32>} : memref<128x64xf32, #tpu.memory_space<vmem>>, vector<16xf32>,
        %mul3A_499 = arith.mulf %gather3A_464, %get3A_498 : vector<16xf32>
        %add3A_500 = arith.addf %add3A_420, %mul3A_499 : vector<16xf32>
        %broadcast_in_dim3A_501 = arith.constant 8 : i32
        %broadcast_in_dim3A_502 = vector.broadcast %broadcast_in_dim3A_501 : i32 to vector<16x1xi32>
        %gather3A_503 = vector.shape_cast %broadcast_in_dim3A_502 : vector<16x1xi32> to vector<16xi32>
        %gather3A_504 = tpu.dynamic_gather %get3A_181[%gather3A_503] in [0] : vector<16xf32>, vector<16xi32> -> vector<16xf32>
        %mul3A_505 = arith.constant 16 : i32
        %mul3A_506 = arith.muli %scan3A_167, %mul3A_505 : i32
        %add3A_507 = arith.constant 8 : i32
        %add3A_508 = arith.addi %mul3A_506, %add3A_507 : i32
        %get3A_509 = arith.index_cast %add3A_508 : i32 to index
        %get3A_510 = arith.constant 0 : index
        %get3A_511 = tpu.vector_load %arg8[%get3A_509, %get3A_510] {strides = array<i32>} : memref<128x64xf32, #tpu.memory_space<vmem>>, vector<16xf32>,
        %mul3A_512 = arith.mulf %gather3A_504, %get3A_511 : vector<16xf32>
        %add3A_513 = arith.addf %add3A_433, %mul3A_512 : vector<16xf32>
        %mul3A_514 = arith.constant 16 : i32
        %mul3A_515 = arith.muli %scan3A_167, %mul3A_514 : i32
        %add3A_516 = arith.constant 8 : i32
        %add3A_517 = arith.addi %mul3A_515, %add3A_516 : i32
        %get3A_518 = arith.index_cast %add3A_517 : i32 to index
        %get3A_519 = arith.constant 16 : index
        %get3A_520 = tpu.vector_load %arg8[%get3A_518, %get3A_519] {strides = array<i32>} : memref<128x64xf32, #tpu.memory_space<vmem>>, vector<16xf32>,
        %mul3A_521 = arith.mulf %gather3A_504, %get3A_520 : vector<16xf32>
        %add3A_522 = arith.addf %add3A_442, %mul3A_521 : vector<16xf32>
        %mul3A_523 = arith.constant 16 : i32
        %mul3A_524 = arith.muli %scan3A_167, %mul3A_523 : i32
        %add3A_525 = arith.constant 8 : i32
        %add3A_526 = arith.addi %mul3A_524, %add3A_525 : i32
        %get3A_527 = arith.index_cast %add3A_526 : i32 to index
        %get3A_528 = arith.constant 32 : index
        %get3A_529 = tpu.vector_load %arg8[%get3A_527, %get3A_528] {strides = array<i32>} : memref<128x64xf32, #tpu.memory_space<vmem>>, vector<16xf32>,
        %mul3A_530 = arith.mulf %gather3A_504, %get3A_529 : vector<16xf32>
        %add3A_531 = arith.addf %add3A_451, %mul3A_530 : vector<16xf32>
        %mul3A_532 = arith.constant 16 : i32
        %mul3A_533 = arith.muli %scan3A_167, %mul3A_532 : i32
        %add3A_534 = arith.constant 8 : i32
        %add3A_535 = arith.addi %mul3A_533, %add3A_534 : i32
        %get3A_536 = arith.index_cast %add3A_535 : i32 to index
        %get3A_537 = arith.constant 48 : index
        %get3A_538 = tpu.vector_load %arg8[%get3A_536, %get3A_537] {strides = array<i32>} : memref<128x64xf32, #tpu.memory_space<vmem>>, vector<16xf32>,
        %mul3A_539 = arith.mulf %gather3A_504, %get3A_538 : vector<16xf32>
        %add3A_540 = arith.addf %add3A_460, %mul3A_539 : vector<16xf32>
        %broadcast_in_dim3A_541 = arith.constant 9 : i32
        %broadcast_in_dim3A_542 = vector.broadcast %broadcast_in_dim3A_541 : i32 to vector<16x1xi32>
        %gather3A_543 = vector.shape_cast %broadcast_in_dim3A_542 : vector<16x1xi32> to vector<16xi32>
        %gather3A_544 = tpu.dynamic_gather %get3A_181[%gather3A_543] in [0] : vector<16xf32>, vector<16xi32> -> vector<16xf32>
        %mul3A_545 = arith.constant 16 : i32
        %mul3A_546 = arith.muli %scan3A_167, %mul3A_545 : i32
        %add3A_547 = arith.constant 9 : i32
        %add3A_548 = arith.addi %mul3A_546, %add3A_547 : i32
        %get3A_549 = arith.index_cast %add3A_548 : i32 to index
        %get3A_550 = arith.constant 0 : index
        %get3A_551 = tpu.vector_load %arg8[%get3A_549, %get3A_550] {strides = array<i32>} : memref<128x64xf32, #tpu.memory_space<vmem>>, vector<16xf32>,
        %mul3A_552 = arith.mulf %gather3A_544, %get3A_551 : vector<16xf32>
        %add3A_553 = arith.addf %add3A_473, %mul3A_552 : vector<16xf32>
        %mul3A_554 = arith.constant 16 : i32
        %mul3A_555 = arith.muli %scan3A_167, %mul3A_554 : i32
        %add3A_556 = arith.constant 9 : i32
        %add3A_557 = arith.addi %mul3A_555, %add3A_556 : i32
        %get3A_558 = arith.index_cast %add3A_557 : i32 to index
        %get3A_559 = arith.constant 16 : index
        %get3A_560 = tpu.vector_load %arg8[%get3A_558, %get3A_559] {strides = array<i32>} : memref<128x64xf32, #tpu.memory_space<vmem>>, vector<16xf32>,
        %mul3A_561 = arith.mulf %gather3A_544, %get3A_560 : vector<16xf32>
        %add3A_562 = arith.addf %add3A_482, %mul3A_561 : vector<16xf32>
        %mul3A_563 = arith.constant 16 : i32
        %mul3A_564 = arith.muli %scan3A_167, %mul3A_563 : i32
        %add3A_565 = arith.constant 9 : i32
        %add3A_566 = arith.addi %mul3A_564, %add3A_565 : i32
        %get3A_567 = arith.index_cast %add3A_566 : i32 to index
        %get3A_568 = arith.constant 32 : index
        %get3A_569 = tpu.vector_load %arg8[%get3A_567, %get3A_568] {strides = array<i32>} : memref<128x64xf32, #tpu.memory_space<vmem>>, vector<16xf32>,
        %mul3A_570 = arith.mulf %gather3A_544, %get3A_569 : vector<16xf32>
        %add3A_571 = arith.addf %add3A_491, %mul3A_570 : vector<16xf32>
        %mul3A_572 = arith.constant 16 : i32
        %mul3A_573 = arith.muli %scan3A_167, %mul3A_572 : i32
        %add3A_574 = arith.constant 9 : i32
        %add3A_575 = arith.addi %mul3A_573, %add3A_574 : i32
        %get3A_576 = arith.index_cast %add3A_575 : i32 to index
        %get3A_577 = arith.constant 48 : index
        %get3A_578 = tpu.vector_load %arg8[%get3A_576, %get3A_577] {strides = array<i32>} : memref<128x64xf32, #tpu.memory_space<vmem>>, vector<16xf32>,
        %mul3A_579 = arith.mulf %gather3A_544, %get3A_578 : vector<16xf32>
        %add3A_580 = arith.addf %add3A_500, %mul3A_579 : vector<16xf32>
        %broadcast_in_dim3A_581 = arith.constant 10 : i32
        %broadcast_in_dim3A_582 = vector.broadcast %broadcast_in_dim3A_581 : i32 to vector<16x1xi32>
        %gather3A_583 = vector.shape_cast %broadcast_in_dim3A_582 : vector<16x1xi32> to vector<16xi32>
        %gather3A_584 = tpu.dynamic_gather %get3A_181[%gather3A_583] in [0] : vector<16xf32>, vector<16xi32> -> vector<16xf32>
        %mul3A_585 = arith.constant 16 : i32
        %mul3A_586 = arith.muli %scan3A_167, %mul3A_585 : i32
        %add3A_587 = arith.constant 10 : i32
        %add3A_588 = arith.addi %mul3A_586, %add3A_587 : i32
        %get3A_589 = arith.index_cast %add3A_588 : i32 to index
        %get3A_590 = arith.constant 0 : index
        %get3A_591 = tpu.vector_load %arg8[%get3A_589, %get3A_590] {strides = array<i32>} : memref<128x64xf32, #tpu.memory_space<vmem>>, vector<16xf32>,
        %mul3A_592 = arith.mulf %gather3A_584, %get3A_591 : vector<16xf32>
        %add3A_593 = arith.addf %add3A_513, %mul3A_592 : vector<16xf32>
        %mul3A_594 = arith.constant 16 : i32
        %mul3A_595 = arith.muli %scan3A_167, %mul3A_594 : i32
        %add3A_596 = arith.constant 10 : i32
        %add3A_597 = arith.addi %mul3A_595, %add3A_596 : i32
        %get3A_598 = arith.index_cast %add3A_597 : i32 to index
        %get3A_599 = arith.constant 16 : index
        %get3A_600 = tpu.vector_load %arg8[%get3A_598, %get3A_599] {strides = array<i32>} : memref<128x64xf32, #tpu.memory_space<vmem>>, vector<16xf32>,
        %mul3A_601 = arith.mulf %gather3A_584, %get3A_600 : vector<16xf32>
        %add3A_602 = arith.addf %add3A_522, %mul3A_601 : vector<16xf32>
        %mul3A_603 = arith.constant 16 : i32
        %mul3A_604 = arith.muli %scan3A_167, %mul3A_603 : i32
        %add3A_605 = arith.constant 10 : i32
        %add3A_606 = arith.addi %mul3A_604, %add3A_605 : i32
        %get3A_607 = arith.index_cast %add3A_606 : i32 to index
        %get3A_608 = arith.constant 32 : index
        %get3A_609 = tpu.vector_load %arg8[%get3A_607, %get3A_608] {strides = array<i32>} : memref<128x64xf32, #tpu.memory_space<vmem>>, vector<16xf32>,
        %mul3A_610 = arith.mulf %gather3A_584, %get3A_609 : vector<16xf32>
        %add3A_611 = arith.addf %add3A_531, %mul3A_610 : vector<16xf32>
        %mul3A_612 = arith.constant 16 : i32
        %mul3A_613 = arith.muli %scan3A_167, %mul3A_612 : i32
        %add3A_614 = arith.constant 10 : i32
        %add3A_615 = arith.addi %mul3A_613, %add3A_614 : i32
        %get3A_616 = arith.index_cast %add3A_615 : i32 to index
        %get3A_617 = arith.constant 48 : index
        %get3A_618 = tpu.vector_load %arg8[%get3A_616, %get3A_617] {strides = array<i32>} : memref<128x64xf32, #tpu.memory_space<vmem>>, vector<16xf32>,
        %mul3A_619 = arith.mulf %gather3A_584, %get3A_618 : vector<16xf32>
        %add3A_620 = arith.addf %add3A_540, %mul3A_619 : vector<16xf32>
        %broadcast_in_dim3A_621 = arith.constant 11 : i32
        %broadcast_in_dim3A_622 = vector.broadcast %broadcast_in_dim3A_621 : i32 to vector<16x1xi32>
        %gather3A_623 = vector.shape_cast %broadcast_in_dim3A_622 : vector<16x1xi32> to vector<16xi32>
        %gather3A_624 = tpu.dynamic_gather %get3A_181[%gather3A_623] in [0] : vector<16xf32>, vector<16xi32> -> vector<16xf32>
        %mul3A_625 = arith.constant 16 : i32
        %mul3A_626 = arith.muli %scan3A_167, %mul3A_625 : i32
        %add3A_627 = arith.constant 11 : i32
        %add3A_628 = arith.addi %mul3A_626, %add3A_627 : i32
        %get3A_629 = arith.index_cast %add3A_628 : i32 to index
        %get3A_630 = arith.constant 0 : index
        %get3A_631 = tpu.vector_load %arg8[%get3A_629, %get3A_630] {strides = array<i32>} : memref<128x64xf32, #tpu.memory_space<vmem>>, vector<16xf32>,
        %mul3A_632 = arith.mulf %gather3A_624, %get3A_631 : vector<16xf32>
        %add3A_633 = arith.addf %add3A_553, %mul3A_632 : vector<16xf32>
        %mul3A_634 = arith.constant 16 : i32
        %mul3A_635 = arith.muli %scan3A_167, %mul3A_634 : i32
        %add3A_636 = arith.constant 11 : i32
        %add3A_637 = arith.addi %mul3A_635, %add3A_636 : i32
        %get3A_638 = arith.index_cast %add3A_637 : i32 to index
        %get3A_639 = arith.constant 16 : index
        %get3A_640 = tpu.vector_load %arg8[%get3A_638, %get3A_639] {strides = array<i32>} : memref<128x64xf32, #tpu.memory_space<vmem>>, vector<16xf32>,
        %mul3A_641 = arith.mulf %gather3A_624, %get3A_640 : vector<16xf32>
        %add3A_642 = arith.addf %add3A_562, %mul3A_641 : vector<16xf32>
        %mul3A_643 = arith.constant 16 : i32
        %mul3A_644 = arith.muli %scan3A_167, %mul3A_643 : i32
        %add3A_645 = arith.constant 11 : i32
        %add3A_646 = arith.addi %mul3A_644, %add3A_645 : i32
        %get3A_647 = arith.index_cast %add3A_646 : i32 to index
        %get3A_648 = arith.constant 32 : index
        %get3A_649 = tpu.vector_load %arg8[%get3A_647, %get3A_648] {strides = array<i32>} : memref<128x64xf32, #tpu.memory_space<vmem>>, vector<16xf32>,
        %mul3A_650 = arith.mulf %gather3A_624, %get3A_649 : vector<16xf32>
        %add3A_651 = arith.addf %add3A_571, %mul3A_650 : vector<16xf32>
        %mul3A_652 = arith.constant 16 : i32
        %mul3A_653 = arith.muli %scan3A_167, %mul3A_652 : i32
        %add3A_654 = arith.constant 11 : i32
        %add3A_655 = arith.addi %mul3A_653, %add3A_654 : i32
        %get3A_656 = arith.index_cast %add3A_655 : i32 to index
        %get3A_657 = arith.constant 48 : index
        %get3A_658 = tpu.vector_load %arg8[%get3A_656, %get3A_657] {strides = array<i32>} : memref<128x64xf32, #tpu.memory_space<vmem>>, vector<16xf32>,
        %mul3A_659 = arith.mulf %gather3A_624, %get3A_658 : vector<16xf32>
        %add3A_660 = arith.addf %add3A_580, %mul3A_659 : vector<16xf32>
        %broadcast_in_dim3A_661 = arith.constant 12 : i32
        %broadcast_in_dim3A_662 = vector.broadcast %broadcast_in_dim3A_661 : i32 to vector<16x1xi32>
        %gather3A_663 = vector.shape_cast %broadcast_in_dim3A_662 : vector<16x1xi32> to vector<16xi32>
        %gather3A_664 = tpu.dynamic_gather %get3A_181[%gather3A_663] in [0] : vector<16xf32>, vector<16xi32> -> vector<16xf32>
        %mul3A_665 = arith.constant 16 : i32
        %mul3A_666 = arith.muli %scan3A_167, %mul3A_665 : i32
        %add3A_667 = arith.constant 12 : i32
        %add3A_668 = arith.addi %mul3A_666, %add3A_667 : i32
        %get3A_669 = arith.index_cast %add3A_668 : i32 to index
        %get3A_670 = arith.constant 0 : index
        %get3A_671 = tpu.vector_load %arg8[%get3A_669, %get3A_670] {strides = array<i32>} : memref<128x64xf32, #tpu.memory_space<vmem>>, vector<16xf32>,
        %mul3A_672 = arith.mulf %gather3A_664, %get3A_671 : vector<16xf32>
        %add3A_673 = arith.addf %add3A_593, %mul3A_672 : vector<16xf32>
        %mul3A_674 = arith.constant 16 : i32
        %mul3A_675 = arith.muli %scan3A_167, %mul3A_674 : i32
        %add3A_676 = arith.constant 12 : i32
        %add3A_677 = arith.addi %mul3A_675, %add3A_676 : i32
        %get3A_678 = arith.index_cast %add3A_677 : i32 to index
        %get3A_679 = arith.constant 16 : index
        %get3A_680 = tpu.vector_load %arg8[%get3A_678, %get3A_679] {strides = array<i32>} : memref<128x64xf32, #tpu.memory_space<vmem>>, vector<16xf32>,
        %mul3A_681 = arith.mulf %gather3A_664, %get3A_680 : vector<16xf32>
        %add3A_682 = arith.addf %add3A_602, %mul3A_681 : vector<16xf32>
        %mul3A_683 = arith.constant 16 : i32
        %mul3A_684 = arith.muli %scan3A_167, %mul3A_683 : i32
        %add3A_685 = arith.constant 12 : i32
        %add3A_686 = arith.addi %mul3A_684, %add3A_685 : i32
        %get3A_687 = arith.index_cast %add3A_686 : i32 to index
        %get3A_688 = arith.constant 32 : index
        %get3A_689 = tpu.vector_load %arg8[%get3A_687, %get3A_688] {strides = array<i32>} : memref<128x64xf32, #tpu.memory_space<vmem>>, vector<16xf32>,
        %mul3A_690 = arith.mulf %gather3A_664, %get3A_689 : vector<16xf32>
        %add3A_691 = arith.addf %add3A_611, %mul3A_690 : vector<16xf32>
        %mul3A_692 = arith.constant 16 : i32
        %mul3A_693 = arith.muli %scan3A_167, %mul3A_692 : i32
        %add3A_694 = arith.constant 12 : i32
        %add3A_695 = arith.addi %mul3A_693, %add3A_694 : i32
        %get3A_696 = arith.index_cast %add3A_695 : i32 to index
        %get3A_697 = arith.constant 48 : index
        %get3A_698 = tpu.vector_load %arg8[%get3A_696, %get3A_697] {strides = array<i32>} : memref<128x64xf32, #tpu.memory_space<vmem>>, vector<16xf32>,
        %mul3A_699 = arith.mulf %gather3A_664, %get3A_698 : vector<16xf32>
        %add3A_700 = arith.addf %add3A_620, %mul3A_699 : vector<16xf32>
        %broadcast_in_dim3A_701 = arith.constant 13 : i32
        %broadcast_in_dim3A_702 = vector.broadcast %broadcast_in_dim3A_701 : i32 to vector<16x1xi32>
        %gather3A_703 = vector.shape_cast %broadcast_in_dim3A_702 : vector<16x1xi32> to vector<16xi32>
        %gather3A_704 = tpu.dynamic_gather %get3A_181[%gather3A_703] in [0] : vector<16xf32>, vector<16xi32> -> vector<16xf32>
        %mul3A_705 = arith.constant 16 : i32
        %mul3A_706 = arith.muli %scan3A_167, %mul3A_705 : i32
        %add3A_707 = arith.constant 13 : i32
        %add3A_708 = arith.addi %mul3A_706, %add3A_707 : i32
        %get3A_709 = arith.index_cast %add3A_708 : i32 to index
        %get3A_710 = arith.constant 0 : index
        %get3A_711 = tpu.vector_load %arg8[%get3A_709, %get3A_710] {strides = array<i32>} : memref<128x64xf32, #tpu.memory_space<vmem>>, vector<16xf32>,
        %mul3A_712 = arith.mulf %gather3A_704, %get3A_711 : vector<16xf32>
        %add3A_713 = arith.addf %add3A_633, %mul3A_712 : vector<16xf32>
        %mul3A_714 = arith.constant 16 : i32
        %mul3A_715 = arith.muli %scan3A_167, %mul3A_714 : i32
        %add3A_716 = arith.constant 13 : i32
        %add3A_717 = arith.addi %mul3A_715, %add3A_716 : i32
        %get3A_718 = arith.index_cast %add3A_717 : i32 to index
        %get3A_719 = arith.constant 16 : index
        %get3A_720 = tpu.vector_load %arg8[%get3A_718, %get3A_719] {strides = array<i32>} : memref<128x64xf32, #tpu.memory_space<vmem>>, vector<16xf32>,
        %mul3A_721 = arith.mulf %gather3A_704, %get3A_720 : vector<16xf32>
        %add3A_722 = arith.addf %add3A_642, %mul3A_721 : vector<16xf32>
        %mul3A_723 = arith.constant 16 : i32
        %mul3A_724 = arith.muli %scan3A_167, %mul3A_723 : i32
        %add3A_725 = arith.constant 13 : i32
        %add3A_726 = arith.addi %mul3A_724, %add3A_725 : i32
        %get3A_727 = arith.index_cast %add3A_726 : i32 to index
        %get3A_728 = arith.constant 32 : index
        %get3A_729 = tpu.vector_load %arg8[%get3A_727, %get3A_728] {strides = array<i32>} : memref<128x64xf32, #tpu.memory_space<vmem>>, vector<16xf32>,
        %mul3A_730 = arith.mulf %gather3A_704, %get3A_729 : vector<16xf32>
        %add3A_731 = arith.addf %add3A_651, %mul3A_730 : vector<16xf32>
        %mul3A_732 = arith.constant 16 : i32
        %mul3A_733 = arith.muli %scan3A_167, %mul3A_732 : i32
        %add3A_734 = arith.constant 13 : i32
        %add3A_735 = arith.addi %mul3A_733, %add3A_734 : i32
        %get3A_736 = arith.index_cast %add3A_735 : i32 to index
        %get3A_737 = arith.constant 48 : index
        %get3A_738 = tpu.vector_load %arg8[%get3A_736, %get3A_737] {strides = array<i32>} : memref<128x64xf32, #tpu.memory_space<vmem>>, vector<16xf32>,
        %mul3A_739 = arith.mulf %gather3A_704, %get3A_738 : vector<16xf32>
        %add3A_740 = arith.addf %add3A_660, %mul3A_739 : vector<16xf32>
        %broadcast_in_dim3A_741 = arith.constant 14 : i32
        %broadcast_in_dim3A_742 = vector.broadcast %broadcast_in_dim3A_741 : i32 to vector<16x1xi32>
        %gather3A_743 = vector.shape_cast %broadcast_in_dim3A_742 : vector<16x1xi32> to vector<16xi32>
        %gather3A_744 = tpu.dynamic_gather %get3A_181[%gather3A_743] in [0] : vector<16xf32>, vector<16xi32> -> vector<16xf32>
        %mul3A_745 = arith.constant 16 : i32
        %mul3A_746 = arith.muli %scan3A_167, %mul3A_745 : i32
        %add3A_747 = arith.constant 14 : i32
        %add3A_748 = arith.addi %mul3A_746, %add3A_747 : i32
        %get3A_749 = arith.index_cast %add3A_748 : i32 to index
        %get3A_750 = arith.constant 0 : index
        %get3A_751 = tpu.vector_load %arg8[%get3A_749, %get3A_750] {strides = array<i32>} : memref<128x64xf32, #tpu.memory_space<vmem>>, vector<16xf32>,
        %mul3A_752 = arith.mulf %gather3A_744, %get3A_751 : vector<16xf32>
        %add3A_753 = arith.addf %add3A_673, %mul3A_752 : vector<16xf32>
        %mul3A_754 = arith.constant 16 : i32
        %mul3A_755 = arith.muli %scan3A_167, %mul3A_754 : i32
        %add3A_756 = arith.constant 14 : i32
        %add3A_757 = arith.addi %mul3A_755, %add3A_756 : i32
        %get3A_758 = arith.index_cast %add3A_757 : i32 to index
        %get3A_759 = arith.constant 16 : index
        %get3A_760 = tpu.vector_load %arg8[%get3A_758, %get3A_759] {strides = array<i32>} : memref<128x64xf32, #tpu.memory_space<vmem>>, vector<16xf32>,
        %mul3A_761 = arith.mulf %gather3A_744, %get3A_760 : vector<16xf32>
        %add3A_762 = arith.addf %add3A_682, %mul3A_761 : vector<16xf32>
        %mul3A_763 = arith.constant 16 : i32
        %mul3A_764 = arith.muli %scan3A_167, %mul3A_763 : i32
        %add3A_765 = arith.constant 14 : i32
        %add3A_766 = arith.addi %mul3A_764, %add3A_765 : i32
        %get3A_767 = arith.index_cast %add3A_766 : i32 to index
        %get3A_768 = arith.constant 32 : index
        %get3A_769 = tpu.vector_load %arg8[%get3A_767, %get3A_768] {strides = array<i32>} : memref<128x64xf32, #tpu.memory_space<vmem>>, vector<16xf32>,
        %mul3A_770 = arith.mulf %gather3A_744, %get3A_769 : vector<16xf32>
        %add3A_771 = arith.addf %add3A_691, %mul3A_770 : vector<16xf32>
        %mul3A_772 = arith.constant 16 : i32
        %mul3A_773 = arith.muli %scan3A_167, %mul3A_772 : i32
        %add3A_774 = arith.constant 14 : i32
        %add3A_775 = arith.addi %mul3A_773, %add3A_774 : i32
        %get3A_776 = arith.index_cast %add3A_775 : i32 to index
        %get3A_777 = arith.constant 48 : index
        %get3A_778 = tpu.vector_load %arg8[%get3A_776, %get3A_777] {strides = array<i32>} : memref<128x64xf32, #tpu.memory_space<vmem>>, vector<16xf32>,
        %mul3A_779 = arith.mulf %gather3A_744, %get3A_778 : vector<16xf32>
        %add3A_780 = arith.addf %add3A_700, %mul3A_779 : vector<16xf32>
        %broadcast_in_dim3A_781 = arith.constant 15 : i32
        %broadcast_in_dim3A_782 = vector.broadcast %broadcast_in_dim3A_781 : i32 to vector<16x1xi32>
        %gather3A_783 = vector.shape_cast %broadcast_in_dim3A_782 : vector<16x1xi32> to vector<16xi32>
        %gather3A_784 = tpu.dynamic_gather %get3A_181[%gather3A_783] in [0] : vector<16xf32>, vector<16xi32> -> vector<16xf32>
        %mul3A_785 = arith.constant 16 : i32
        %mul3A_786 = arith.muli %scan3A_167, %mul3A_785 : i32
        %add3A_787 = arith.constant 15 : i32
        %add3A_788 = arith.addi %mul3A_786, %add3A_787 : i32
        %get3A_789 = arith.index_cast %add3A_788 : i32 to index
        %get3A_790 = arith.constant 0 : index
        %get3A_791 = tpu.vector_load %arg8[%get3A_789, %get3A_790] {strides = array<i32>} : memref<128x64xf32, #tpu.memory_space<vmem>>, vector<16xf32>,
        %mul3A_792 = arith.mulf %gather3A_784, %get3A_791 : vector<16xf32>
        %add3A_793 = arith.addf %add3A_713, %mul3A_792 : vector<16xf32>
        %mul3A_794 = arith.constant 16 : i32
        %mul3A_795 = arith.muli %scan3A_167, %mul3A_794 : i32
        %add3A_796 = arith.constant 15 : i32
        %add3A_797 = arith.addi %mul3A_795, %add3A_796 : i32
        %get3A_798 = arith.index_cast %add3A_797 : i32 to index
        %get3A_799 = arith.constant 16 : index
        %get3A_800 = tpu.vector_load %arg8[%get3A_798, %get3A_799] {strides = array<i32>} : memref<128x64xf32, #tpu.memory_space<vmem>>, vector<16xf32>,
        %mul3A_801 = arith.mulf %gather3A_784, %get3A_800 : vector<16xf32>
        %add3A_802 = arith.addf %add3A_722, %mul3A_801 : vector<16xf32>
        %mul3A_803 = arith.constant 16 : i32
        %mul3A_804 = arith.muli %scan3A_167, %mul3A_803 : i32
        %add3A_805 = arith.constant 15 : i32
        %add3A_806 = arith.addi %mul3A_804, %add3A_805 : i32
        %get3A_807 = arith.index_cast %add3A_806 : i32 to index
        %get3A_808 = arith.constant 32 : index
        %get3A_809 = tpu.vector_load %arg8[%get3A_807, %get3A_808] {strides = array<i32>} : memref<128x64xf32, #tpu.memory_space<vmem>>, vector<16xf32>,
        %mul3A_810 = arith.mulf %gather3A_784, %get3A_809 : vector<16xf32>
        %add3A_811 = arith.addf %add3A_731, %mul3A_810 : vector<16xf32>
        %mul3A_812 = arith.constant 16 : i32
        %mul3A_813 = arith.muli %scan3A_167, %mul3A_812 : i32
        %add3A_814 = arith.constant 15 : i32
        %add3A_815 = arith.addi %mul3A_813, %add3A_814 : i32
        %get3A_816 = arith.index_cast %add3A_815 : i32 to index
        %get3A_817 = arith.constant 48 : index
        %get3A_818 = tpu.vector_load %arg8[%get3A_816, %get3A_817] {strides = array<i32>} : memref<128x64xf32, #tpu.memory_space<vmem>>, vector<16xf32>,
        %mul3A_819 = arith.mulf %gather3A_784, %get3A_818 : vector<16xf32>
        %add3A_820 = arith.addf %add3A_740, %mul3A_819 : vector<16xf32>
        scf.yield %add3A_753, %add3A_762, %add3A_771, %add3A_780, %add3A_793, %add3A_802, %add3A_811, %add3A_820 : vector<16xf32>, vector<16xf32>, vector<16xf32>, vector<16xf32>, vector<16xf32>, vector<16xf32>, vector<16xf32>, vector<16xf32>
      }
      %scan3A_159 = arith.constant 8 : i32
      %add3A_160 = arith.constant 4 : i32
      %add3A_161 = arith.addi %add3A_144, %add3A_160 : i32
      %lt3A_162 = arith.constant 128 : i32
      %lt3A_163 = arith.cmpi slt, %add3A_161, %lt3A_162 : i32
      %convert_element_type3A_164 = arith.extui %lt3A_163 : i1 to i32
      %cond3A_165 = arith.constant 0 : i32
      %cond3A_166 = arith.cmpi ne, %convert_element_type3A_164, %cond3A_165 : i32
      scf.if %cond3A_166 {
        %add3A_167 = arith.constant 4 : i32
        %add3A_168 = arith.addi %add3A_144, %add3A_167 : i32
        %mul3A_169 = arith.constant 128 : i32
        %mul3A_170 = arith.muli %add3A_168, %mul3A_169 : i32
        %add3A_171 = arith.addi %add3A_1, %mul3A_170 : i32
        %dma_start3A_172 = arith.constant 0 : i32
        %dma_start3A_173 = tpu.memref_slice %arg3[%arg1, %add3A_171, %dma_start3A_172] : memref<16x65536x64xf32, #tpu.memory_space<hbm>> -> memref<1x128x64xf32, #tpu.memory_space<hbm>>
        %dma_start3A_174 = tpu.memref_squeeze %dma_start3A_173 : memref<1x128x64xf32, #tpu.memory_space<hbm>> -> memref<128x64xf32, #tpu.memory_space<hbm>>
        %dma_start3A_175 = arith.constant 0 : i32
        %dma_start3A_176 = tpu.memref_slice %arg3[%arg1, %add3A_171, %dma_start3A_175] : memref<16x65536x64xf32, #tpu.memory_space<hbm>> -> memref<1x128x64xf32, #tpu.memory_space<hbm>>
        %dma_start3A_177 = tpu.memref_squeeze %dma_start3A_176 : memref<1x128x64xf32, #tpu.memory_space<hbm>> -> memref<128x64xf32, #tpu.memory_space<hbm>>
        tpu.enqueue_dma source(%dma_start3A_177 : memref<128x64xf32, #tpu.memory_space<hbm>>) target(%arg8 : memref<128x64xf32, #tpu.memory_space<vmem>>) target_semaphore(%arg14 : memref<!tpu.dma_semaphore, #tpu.memory_space<semaphore_mem>>)
      } else {
      }
      scf.yield %scan3A_158#0, %scan3A_158#1, %scan3A_158#2, %scan3A_158#3, %scan3A_158#4, %scan3A_158#5, %scan3A_158#6, %scan3A_158#7 : vector<16xf32>, vector<16xf32>, vector<16xf32>, vector<16xf32>, vector<16xf32>, vector<16xf32>, vector<16xf32>, vector<16xf32>
    }
    %scan3A_45 = arith.constant 32 : i32
    %add3A_46 = arith.addf %scan3A_44#0, %scan3A_44#4 : vector<16xf32>
    %swap3A = arith.constant 0 : index
    %swap3A_47 = tpu.vector_load %arg10[%swap3A] {strides = array<i32>} : memref<64xf32, #tpu.memory_space<vmem>>, vector<16xf32>,
    tpu.vector_store %arg10[%swap3A], %add3A_46 {strides = array<i32>} : memref<64xf32, #tpu.memory_space<vmem>>, vector<16xf32>,
    %add3A_48 = arith.addf %scan3A_44#1, %scan3A_44#5 : vector<16xf32>
    %swap3A_49 = arith.constant 16 : index
    %swap3A_50 = tpu.vector_load %arg10[%swap3A_49] {strides = array<i32>} : memref<64xf32, #tpu.memory_space<vmem>>, vector<16xf32>,
    tpu.vector_store %arg10[%swap3A_49], %add3A_48 {strides = array<i32>} : memref<64xf32, #tpu.memory_space<vmem>>, vector<16xf32>,
    %add3A_51 = arith.addf %scan3A_44#2, %scan3A_44#6 : vector<16xf32>
    %swap3A_52 = arith.constant 32 : index
    %swap3A_53 = tpu.vector_load %arg10[%swap3A_52] {strides = array<i32>} : memref<64xf32, #tpu.memory_space<vmem>>, vector<16xf32>,
    tpu.vector_store %arg10[%swap3A_52], %add3A_51 {strides = array<i32>} : memref<64xf32, #tpu.memory_space<vmem>>, vector<16xf32>,
    %add3A_54 = arith.addf %scan3A_44#3, %scan3A_44#7 : vector<16xf32>
    %swap3A_55 = arith.constant 48 : index
    %swap3A_56 = tpu.vector_load %arg10[%swap3A_55] {strides = array<i32>} : memref<64xf32, #tpu.memory_space<vmem>>, vector<16xf32>,
    tpu.vector_store %arg10[%swap3A_55], %add3A_54 {strides = array<i32>} : memref<64xf32, #tpu.memory_space<vmem>>, vector<16xf32>,
    "tpu.region"() ({
      %run_scoped3A = tpu.sem_alloc : memref<!tpu.dma_semaphore, #tpu.memory_space<semaphore_mem>>
      %dma_start3A_57 = arith.constant 0 : i32
      %dma_start3A_58 = tpu.memref_slice %arg4[%arg0, %arg1, %dma_start3A_57] : memref<2x16x64xf32, #tpu.memory_space<hbm>> -> memref<1x1x64xf32, #tpu.memory_space<hbm>>
      %dma_start3A_59 = tpu.memref_squeeze %dma_start3A_58 : memref<1x1x64xf32, #tpu.memory_space<hbm>> -> memref<64xf32, #tpu.memory_space<hbm>>
      %dma_start3A_60 = arith.constant 0 : i32
      %dma_start3A_61 = tpu.memref_slice %arg4[%arg0, %arg1, %dma_start3A_60] : memref<2x16x64xf32, #tpu.memory_space<hbm>> -> memref<1x1x64xf32, #tpu.memory_space<hbm>>
      %dma_start3A_62 = tpu.memref_squeeze %dma_start3A_61 : memref<1x1x64xf32, #tpu.memory_space<hbm>> -> memref<64xf32, #tpu.memory_space<hbm>>
      tpu.enqueue_dma source(%arg10 : memref<64xf32, #tpu.memory_space<vmem>>) target(%dma_start3A_62 : memref<64xf32, #tpu.memory_space<hbm>>) target_semaphore(%run_scoped3A : memref<!tpu.dma_semaphore, #tpu.memory_space<semaphore_mem>>)
      %dma_wait3A_63 = arith.constant 0 : i32
      %dma_wait3A_64 = tpu.memref_slice %arg4[%arg0, %arg1, %dma_wait3A_63] : memref<2x16x64xf32, #tpu.memory_space<hbm>> -> memref<1x1x64xf32, #tpu.memory_space<hbm>>
      %dma_wait3A_65 = tpu.memref_squeeze %dma_wait3A_64 : memref<1x1x64xf32, #tpu.memory_space<hbm>> -> memref<64xf32, #tpu.memory_space<hbm>>
      %dma_wait3A_66 = arith.constant 0 : i32
      %dma_wait3A_67 = tpu.memref_slice %arg4[%arg0, %arg1, %dma_wait3A_66] : memref<2x16x64xf32, #tpu.memory_space<hbm>> -> memref<1x1x64xf32, #tpu.memory_space<hbm>>
      %dma_wait3A_68 = tpu.memref_squeeze %dma_wait3A_67 : memref<1x1x64xf32, #tpu.memory_space<hbm>> -> memref<64xf32, #tpu.memory_space<hbm>>
      tpu.wait_dma2 semaphore(%run_scoped3A : memref<!tpu.dma_semaphore, #tpu.memory_space<semaphore_mem>>) src(%arg10 : memref<64xf32, #tpu.memory_space<vmem>>) dst(%dma_wait3A_68 : memref<64xf32, #tpu.memory_space<hbm>>)
      tpu.yield
    }) : () -> ()
    return
  }
}

module attributes {stable_mosaic.version = 14 : i64} {
  func.func @_tc_body(%arg0: i32, %arg1: i32, %arg2: memref<1x1x16384xf32, #tpu.memory_space<vmem>>, %arg3: memref<1x16384x64xf32, #tpu.memory_space<vmem>>, %arg4: memref<1x1x64xf32, #tpu.memory_space<vmem>>) attributes {dimension_semantics = [#tpu.dimension_semantics<parallel>, #tpu.dimension_semantics<arbitrary>], iteration_bounds = array<i64: 16, 2>, scalar_prefetch = 0 : i64, scratch_operands = 0 : i64, tpu.core_type = #tpu.core_type<tc>, window_params = [{transform_indices = @transform_0, window_bounds = array<i64: 1, 1, 16384>}, {transform_indices = @transform_1, window_bounds = array<i64: 1, 16384, 64>}, {transform_indices = @transform_2, window_bounds = array<i64: 1, 1, 64>}]} {
    %eq3A = arith.constant 0 : i32
    %eq3A_0 = arith.cmpi eq, %arg1, %eq3A : i32
    %convert_element_type3A = arith.extui %eq3A_0 : i1 to i32
    %cond3A = arith.constant 0 : i32
    %cond3A_1 = arith.cmpi ne, %convert_element_type3A, %cond3A : i32
    scf.if %cond3A_1 {
      %broadcast_in_dim3A_19 = arith.constant 0.000000e+00 : f32
      %broadcast_in_dim3A_20 = vector.broadcast %broadcast_in_dim3A_19 : f32 to vector<1x1x64xf32>
      %swap3A_21 = arith.constant 0 : index
      %swap3A_22 = arith.constant 0 : index
      %swap3A_23 = arith.constant 0 : index
      %swap3A_24 = vector.load %arg4[%swap3A_21, %swap3A_22, %swap3A_23] : memref<1x1x64xf32, #tpu.memory_space<vmem>>, vector<1x1x64xf32>
      tpu.vector_store %arg4[%swap3A_21, %swap3A_22, %swap3A_23], %broadcast_in_dim3A_20 {strides = array<i32>} : memref<1x1x64xf32, #tpu.memory_space<vmem>>, vector<1x1x64xf32>,
    } else {
    }
    %get3A = arith.constant 0 : index
    %get3A_2 = arith.constant 0 : index
    %get3A_3 = arith.constant 0 : index
    %get3A_4 = vector.load %arg4[%get3A, %get3A_2, %get3A_3] : memref<1x1x64xf32, #tpu.memory_space<vmem>>, vector<1x1x64xf32>
    %get3A_5 = arith.constant 0 : index
    %get3A_6 = arith.constant 0 : index
    %get3A_7 = arith.constant 0 : index
    %get3A_8 = vector.load %arg2[%get3A_5, %get3A_6, %get3A_7] : memref<1x1x16384xf32, #tpu.memory_space<vmem>>, vector<1x1x16384xf32>
    %get3A_9 = vector.shape_cast %get3A_8 : vector<1x1x16384xf32> to vector<16384xf32>
    %get3A_10 = arith.constant 0 : index
    %get3A_11 = arith.constant 0 : index
    %get3A_12 = arith.constant 0 : index
    %get3A_13 = vector.load %arg3[%get3A_10, %get3A_11, %get3A_12] : memref<1x16384x64xf32, #tpu.memory_space<vmem>>, vector<1x16384x64xf32>
    %get3A_14 = vector.shape_cast %get3A_13 : vector<1x16384x64xf32> to vector<16384x64xf32>
    %dot_general3A = arith.constant dense<0.000000e+00> : vector<64xf32>
    %dot_general3A_15 = tpu.matmul %get3A_9, %get3A_14, %dot_general3A {dimension_numbers = #tpu.dot_dimension_numbers<[0], [0], [], [1], [1, 1], [], []>, transpose_lhs_hint = false} : vector<16384xf32>, vector<16384x64xf32>, vector<64xf32> -> vector<64xf32>
    %broadcast_in_dim3A = vector.shape_cast %dot_general3A_15 : vector<64xf32> to vector<1x1x64xf32>
    %add3A = arith.addf %get3A_4, %broadcast_in_dim3A : vector<1x1x64xf32>
    %swap3A = arith.constant 0 : index
    %swap3A_16 = arith.constant 0 : index
    %swap3A_17 = arith.constant 0 : index
    %swap3A_18 = vector.load %arg4[%swap3A, %swap3A_16, %swap3A_17] : memref<1x1x64xf32, #tpu.memory_space<vmem>>, vector<1x1x64xf32>
    tpu.vector_store %arg4[%swap3A, %swap3A_16, %swap3A_17], %add3A {strides = array<i32>} : memref<1x1x64xf32, #tpu.memory_space<vmem>>, vector<1x1x64xf32>,
    return
  }
  func.func @transform_0(%arg0: i32, %arg1: i32) -> (i32, i32, i32) {
    %mul3A = arith.constant 2 : i32
    %mul3A_0 = arith.muli %arg0, %mul3A : i32
    %add3A = arith.addi %mul3A_0, %arg1 : i32
    %c0_i32 = arith.constant 0 : i32
    %c0_i32_1 = arith.constant 0 : i32
    %c0_i32_2 = arith.constant 0 : i32
    return %add3A, %c0_i32, %c0_i32_1 : i32, i32, i32
  }
  func.func @transform_1(%arg0: i32, %arg1: i32) -> (i32, i32, i32) {
    %c0_i32 = arith.constant 0 : i32
    %c0_i32_0 = arith.constant 0 : i32
    return %arg0, %arg1, %c0_i32 : i32, i32, i32
  }
  func.func @transform_2(%arg0: i32, %arg1: i32) -> (i32, i32, i32) {
    %c0_i32 = arith.constant 0 : i32
    %c0_i32_0 = arith.constant 0 : i32
    %c0_i32_1 = arith.constant 0 : i32
    return %arg0, %c0_i32, %c0_i32_0 : i32, i32, i32
  }
}

</mosaic_0001>

<sc_bundles>
// kernel: kernel.4.cloned.1.call-start
scs
__scs_entry_jumppad:
0x0: {  	(pc) =	sbr.rel $0x88, $3  }
0x1: {  	(tag) =	ssettag $0x0;
	lr =	simm.s32 $0x1  }
0x2: {  	[smem:$0x3F9F] =	sst lr;
	_ =	strace $0xD0000000  }
0x3: {  	_ = 	snop  }
0x4: {  	_ = 	snop  }
0x5: {  	_ = 	snop  }
0x6: {  	_ = 	snop  }
0x7: {  	_ = 	snop  }
__scs_overlays_trampoline_lowered:
0x8: {  	[smem:$0x3FAE] =	sst s0  }
0x9: {  	[smem:$0x3FAF] =	sst s1  }
0xa: {  	[smem:$0x3FB0] =	sst s2  }
0xb: {  	[smem:$0x3FB1] =	sst s3  }
0xc: {  	[smem:$0x3FB2] =	sst s4  }
0xd: {  	[smem:$0x3FB3] =	sst s5  }
0xe: {  	[smem:$0x3FB4] =	sst s6  }
0xf: {  	[smem:$0x3FB5] =	sst s7  }
0x10: {  	[smem:$0x3FB6] =	sst s8  }
0x11: {  	[smem:$0x3FB7] =	sst s9;
	s0 =	simm.s32 @!p0 $0x0  }
0x12: {  	s1 =	sld [smem:$0x3F9D];
	s0 =	simm.s32 @p0 $0x1  }
0x13: {  	[smem:$0x3FB8] =	sst s0;
	s0 =	simm.s32 @!p1 $0x0  }
0x14: {  	s2 =	sld [smem:$0x3F9C];
	s0 =	simm.s32 @p1 $0x1  }
0x15: {  	[smem:$0x3FB9] =	sst s0;
	s0 =	simm.s32 @!p2 $0x0  }
0x16: {  	s3 =	sld [smem:$0x3FDB];
	s0 =	simm.s32 @p2 $0x1  }
0x17: {  	s4 =	simm.s32 $0x1BF5;
	[smem:$0x3FBB] =	sst s0  }
0x18: {  	s0 =	sld [smem:$0x3F9E];
	_ =	swait.ge [sflag:s4], $0x0  }
0x19: {  	s7 =	sld [smem:$0x3F9F]  }
0x1a: {  	s8 =	sadd.s32 $0xFFFFE003, lr  }
0x1b: {  	s9 =	sadd.s32 $0xFFFFFEF7, lr;
	s5 =	simm.s32 $0xFFFFFFFF;
	p2 =	slt.u32 s8, $0xFFFFF086  }
0x1c: {  	p1 =	slt.u32 s9, $0xF7A;
	s5 =	simm.s32 @!p2 $0x0  }
0x1d: {  	s5 =	simm.s32 @p1 $0x1;
	p0 =	seq.s32 s7, s2  }
0x1e: {  	s7 =	smul.u32 @!p0 $0xF7A, s2;
	p2 =	seq.s32 @!p0 s5, $0x0  }
0x1f: {  	s9 =	smul.u32 $0xF7A, s1;
	s8 =	simm.s32 @!p0 $0x1BF5;
	p2 =	por !p2, p0  }
0x20: {  	[sflag:s8] =	ssyncset.s32 @!p0 $0xFFFFF086;
	s6 =	sadd.s32 @!p0 s3, s7;
	s7 =	simm.s32 @!p0 $0x108  }
0x21: {  	s3 =	sadd.s32 s3, s9;
	s6 =	sadd.s32 @!p0 $0x88, s6;
	s7 =	simm.s32 @p2 $0x1082  }
0x22: {  	[simem:s7], [sflag:s8] =	dma.local @!p0 [hbm:s6], $0xF7A  }
0x23: {  	s9 =	sor.u32 $0xD0000000, s2;
	s6 =	simm.s32 $0x108;
	_ =	swait.ge @!p0 [sflag:s8], $0x0  }
0x24: {  	s3 =	sadd.s32 $0x88, s3;
	s6 =	simm.s32 @!p1 $0x1082;
	[sflag:s4] =	ssyncset.s32 $0xFFFFF086  }
0x25: {  	[simem:s6], [sflag:s4] =	dma.local [hbm:s3], $0xF7A  }
0x26: {  	[smem:$0x3F9F] =	sst s1;
	(tag) =	ssettag s2;
	_ =	strace s9  }
0x27: {  	s1 =	sld [smem:$0x3FAF]  }
0x28: {  	s2 =	sld [smem:$0x3FB0]  }
0x29: {  	s4 =	sld [smem:$0x3FB2]  }
0x2a: {  	p0 =	seq.s32 s5, $0x0;
	s5 =	sld [smem:$0x3FB3]  }
0x2b: {  	s6 =	sld [smem:$0x3FB4]  }
0x2c: {  	s7 =	sld [smem:$0x3FB5]  }
0x2d: {  	s3 =	simm.s32 $0x108;
	s8 =	sld [smem:$0x3FB6]  }
0x2e: {  	s3 =	simm.s32 @!p0 $0x1082;
	s9 =	sld [smem:$0x3FB7]  }
0x2f: {  	lr =	sadd.s32 s0, s3;
	s0 =	sld [smem:$0x3FAE]  }
0x30: {  	s3 =	sld [smem:$0x3FB1]  }
0x31: {  	[smem:$0x3FBA] =	sst s10  }
0x32: {  	s10 =	sld [smem:$0x3FB8];
	_ =	sdelay $0x3  }
0x33: {  	p0 =	seq.s32 s10, $0x1;
	s10 =	sld [smem:$0x3FBA];
	_ =	sdelay $0x3  }
0x34: {  	[smem:$0x3FBA] =	sst s10  }
0x35: {  	s10 =	sld [smem:$0x3FB9];
	_ =	sdelay $0x3  }
0x36: {  	p1 =	seq.s32 s10, $0x1;
	s10 =	sld [smem:$0x3FBA];
	_ =	sdelay $0x3  }
0x37: {  	[smem:$0x3FBA] =	sst s10  }
0x38: {  	s10 =	sld [smem:$0x3FBB]  }
0x39: {  	_ = 	snop;
	(pc) =	sbr.ind lr, $3  }
0x3a: {  	_ = 	snop  }
0x3b: {  	_ = 	snop  }
0x3c: {  	p2 =	seq.s32 s10, $0x1;
	s10 =	sld [smem:$0x3FBA]  }
0x3d: {  	_ =	shalt  }
0x3e: {  	_ =	shalt  }
0x3f: {  	_ =	shalt  }
0x40: {  	_ =	shalt  }
0x41: {  	_ =	shalt  }
0x42: {  	_ =	shalt  }
0x43: {  	_ =	shalt  }
0x44: {  	_ =	shalt  }
0x45: {  	_ =	shalt  }
0x46: {  	_ =	shalt  }
0x47: {  	_ =	shalt  }
0x48: {  	_ =	shalt  }
0x49: {  	_ =	shalt  }
0x4a: {  	_ =	shalt  }
0x4b: {  	_ =	shalt  }
0x4c: {  	_ =	shalt  }
0x4d: {  	_ =	shalt  }
0x4e: {  	_ =	shalt  }
0x4f: {  	_ =	shalt  }
0x50: {  	_ =	shalt  }
0x51: {  	_ =	shalt  }
0x52: {  	_ =	shalt  }
0x53: {  	_ =	shalt  }
0x54: {  	_ =	shalt  }
0x55: {  	_ =	shalt  }
0x56: {  	_ =	shalt  }
0x57: {  	_ =	shalt  }
0x58: {  	_ =	shalt  }
0x59: {  	_ =	shalt  }
0x5a: {  	_ =	shalt  }
0x5b: {  	_ =	shalt  }
0x5c: {  	_ =	shalt  }
0x5d: {  	_ =	shalt  }
0x5e: {  	_ =	shalt  }
0x5f: {  	_ =	shalt  }
0x60: {  	_ =	shalt  }
0x61: {  	_ =	shalt  }
0x62: {  	_ =	shalt  }
0x63: {  	_ =	shalt  }
0x64: {  	_ =	shalt  }
0x65: {  	_ =	shalt  }
0x66: {  	_ =	shalt  }
0x67: {  	_ =	shalt  }
0x68: {  	_ =	shalt  }
0x69: {  	_ =	shalt  }
0x6a: {  	_ =	shalt  }
0x6b: {  	_ =	shalt  }
0x6c: {  	_ =	shalt  }
0x6d: {  	_ =	shalt  }
0x6e: {  	_ =	shalt  }
0x6f: {  	_ =	shalt  }
0x70: {  	_ =	shalt  }
0x71: {  	_ =	shalt  }
0x72: {  	_ =	shalt  }
0x73: {  	_ =	shalt  }
0x74: {  	_ =	shalt  }
0x75: {  	_ =	shalt  }
0x76: {  	_ =	shalt  }
0x77: {  	_ =	shalt  }
0x78: {  	_ =	shalt  }
0x79: {  	_ =	shalt  }
0x7a: {  	_ =	shalt  }
0x7b: {  	_ =	shalt  }
0x7c: {  	_ =	shalt  }
0x7d: {  	_ =	shalt  }
0x7e: {  	_ =	shalt  }
0x7f: {  	_ =	shalt  }
0x80: {  	_ =	shalt  }
0x81: {  	_ =	shalt  }
0x82: {  	_ =	shalt  }
0x83: {  	_ =	shalt  }
0x84: {  	_ =	shalt  }
0x85: {  	_ =	shalt  }
0x86: {  	_ =	shalt  }
0x87: {  	_ =	shalt  }
.Lfunc_end0:
.L_simem_size_0:
called_computation_lowered:
.L_overlay_start_0:
0x88: {  	s2 =	sld [smem:$0x3FD9]  }
0x89: {  	s3 =	sld [smem:$0x3FFE];
	_ =	sdelay $0x1  }
0x8a: {  	s1 =	srdreg.scid  }
0x8b: {  	s0 =	sand.u32 $0x1, s1  }
0x8c: {  	s17 =	sshll.u32 s0, $0xA;
	s2 =	sadd.s32 s3, s2  }
0x8d: {  	s2 =	sadd.s32 s2, s17  }
0x8e: {  	[smem:$0x3FC6] =	sst s2  }
0x8f: {  	_ = 	snop  }
0x90: {  	s2 =	sld [smem:$0x3FC9];
	(tm) =	ssettm $0x1  }
0x91: {  	s18 =	sld [smem:$0x3FFB];
	_ =	sdelay $0x3  }
0x92: {  	_ =	strace s18  }
0x93: {  	s3 =	sld [smem:$0x3FFC];
	_ =	sdelay $0x3  }
0x94: {  	_ =	strace s3  }
0x95: {  	s3 =	sld [smem:$0x3FFD];
	_ =	sdelay $0x3  }
0x96: {  	_ =	strace s3  }
0x97: {  	_ =	strace $0x8FFFFFFF  }
0x98: {  	s19 =	sld [smem:$0x3FDB];
	_ =	sdelay $0x1  }
0x99: {  	s4 =	simm.s32 $_scs_section_size  }
0x9a: {  	s5 =	simm.s32 $_size__tile_overlayer_lowered;
	s6 =	simm.s32 $_tile_overlayer_lowered  }
0x9b: {  	s22 =	simm.s32 $0x1BFF;
	s21 =	sshll.u32 s6, $0x1;
	s3 =	sadd.s32 s4, s19  }
0x9c: {  	s7 =	simm.s32 $0x0;
	s20 =	sshll.u32 s5, $0x1;
	s5 =	sadd.s32 s21, s3  }
0x9d: {  	[timem:s7], [sflag:s22] =	dma.local [hbm:s5], s20  }
0x9e: {  	_ =	swait.ge [sflag:s22], s20  }
0x9f: {  	s4 =	ssub.s32 $0x0, s20;
	[sflag:s22] =	ssyncset.done $0x0  }
0xa0: {  	[sflag:s22] =	ssyncadd.s32 s4;
	_ =	sdelay $0x1  }
0xa1: {  	s23 =	simm.s32 $0x1B8B  }
0xa2: {  	_ =	swait.ge [sflag:s23], $0x1  }
0xa3: {  	[sflag:s23] =	ssyncset.done $0x0  }
0xa4: {  	s25 =	simm.s32 $0x1B8E;
	s24 =	sld [smem:$0x3FFE];
	[sflag:s23] =	ssyncadd.s32 $0xFFFFFFFF  }
0xa5: {  	s26 =	simm.s32 $execute0_lowered;
	[smem:$0x3FD2] =	sst s25  }
0xa6: {  	s5 =	sshll.u32 s26, $0x1;
	_ =	strace $0x80000046;
	[dreg:$0x1] =	wrdreg $0xFFFFFFFF  }
0xa7: {  	s28 =	simm.s32 $_size_execute0_lowered;
	s3 =	sadd.s32 s3, s5;
	[dreg:$0x0] =	wrdreg $0x0  }
0xa8: {  	s5 =	sshll.u32 s28, $0x1;
	[dreg:$0x2] =	wrdreg s3  }
0xa9: {  	[dreg:$0x3] =	wrdreg s5  }
0xaa: {  	[dreg:$0x4] =	wrdreg $0xC0  }
0xab: {  	_ =	task [dreg:s7], $0x5FFFF  }
0xac: {  	[dreg:$0x1] =	wrdreg $0xFFFFFFFF  }
0xad: {  	[dreg:$0x0] =	wrdreg $0x60  }
0xae: {  	[dreg:$0x2] =	wrdreg s2  }
0xaf: {  	[dreg:$0x3] =	wrdreg s24  }
0xb0: {  	[dreg:$0x4] =	wrdreg $0x9  }
0xb1: {  	_ =	task.clear_ibuf [dreg:s7], $0x5FFFF;
	_ =	strace $0x90000046  }
0xb2: {  	s29 =	simm.s32 $0x9;
	_ =	strace $0x80000048  }
0xb3: {  	_ =	swait.ge [sflag:s29], $0x1  }
0xb4: {  	[sflag:s29] =	ssyncadd.s32 $0xFFFFFFFF  }
0xb5: {  	_ =	strace $0x90000048  }
0xb6: {  	_ =	sfence  }
0xb7: {  	s30 =	sld [smem:$0x0];
	_ =	sdelay $0x2  }
0xb8: {  	s31 =	sshll.u32 s1, $0xD;
	s1 =	sshrl.u32 s1, $0x2  }
0xb9: {  	s3 =	sand.u32 $0x4000, s31;
	s1 =	sadd.s32 s1, s30  }
0xba: {  	s0 =	sor.u32 s3, s0;
	s1 =	sshll.u32 s1, $0x11  }
0xbb: {  	s0 =	sor.u32 s1, s0  }
0xbc: {  	s0 =	sadd.s32 $0x8F2B, s0  }
0xbd: {  	[sflag:s0] =	ssyncadd.remote.s32 $0x1  }
0xbe: {  	_ =	sfence.sel $0xFFFF  }
0xbf: {  	[dreg:$0x0] =	wrdreg $0xFFFFFFFF;
	(pc) =	sbr.abs _section_cstart, $3  }
0xc0: {  	[dreg:$0x1] =	wrdreg $0xFFFFFFFF  }
0xc1: {  	_ =	task.clear_ibuf [dreg:s7], $0x2FFFF;
	_ =	strace $0x9FFFFFFF  }
0xc2: {  	(tm) =	ssettm $0x7FFFFFFF  }
0xc3: {  	_ =	shalt  }
tec
execute0_lowered:
.L_overlay_start_1:
0x0: {  	(tag) =	ssettag $0x1  }
0x1: {  	s0 =	rddreg [dreg:$0x0]  }
0x2: {  	s1 =	rddreg [dreg:$0x1]  }
0x3: {  	s3 =	srdreg.scid;
	s10 =	stileid.u32;
	s2 =	simm.s32 $0x0  }
0x4: {  	s19 =	simm.s32 $0xC000;
	s20 =	simm.s32 $0x5;
	s21 =	simm.s32 $0x1  }
0x5: {  	s28 =	simm.s32 $0x0;
	s4 =	sand.u32 $0x1, s3;
	s5 =	sshrl.u32 s10, $0x3  }
0x6: {  	s22 =	sshll.u32 s10, $0x7;
	[smem:$0x7FF] =	sst s2;
	s3 =	sadd.s32 $0x600, s1  }
0x7: {  	s30 =	sshll.u32 s10, $0x17;
	s6 =	sshll.u32 s4, $0xB;
	s7 =	sshll.u32 s5, $0xA  }
0x8: {  	s8 =	sand.u32 $0x380, s22;
	_ =	strace $0x80000047;
	s24 =	ssub.s32 $0x2, s4  }
0x9: {  	s9 =	sshll.u32 s4, $0xE;
	s5 =	sshll.u32 s5, $0x13;
	s4 =	sshll.u32 s4, $0x15  }
0xa: {  	s22 =	simm.s32 $0x2;
	s23 =	sor.u32 s6, s7;
	s25 =	sshrl.u32 s24, $0x1  }
0xb: {  	s26 =	sor.u32 $0x8000, s9;
	s4 =	sor.u32 s4, s30;
	s6 =	sor.u32 s8, s23  }
0xc: {  	s14 =	ssub.s32 s24, s25;
	s29 =	sshll.u32 s26, $0x3;
	s4 =	sshrl.u32 s4, $0x3  }
0xd: {  	s23 =	simm.s32 $0x3;
	s24 =	simm.s32 $0x4;
	s6 =	sshrl.u32 s6, $0x3  }
0xe: {  	s5 =	sor.u32 s5, s29;
	s31 =	sadd.s32 s4, s3;
	s14 =	smax.u32 s14, $0x1  }
0xf: {  	s1 =	sadd.s32 s6, s1;
	s6 =	sshll.u32 s26, $0x7;
	s5 =	sor.u32 s8, s5  }
.Ltmp0:
0x10: {  	v14 =	vimm.s32 $0x0;
	v15 =	vimm.s32 $0x1;
	v12 =	vimm.s32 $0x2;
	s7 =	sadd.s32 $0x81000, s31;
	s8 =	sadd.s32 $0x81800, s31;
	(pc) =	sbr.rel .LBB2_1-.Ltmp0, $4  }
0x11: {  	v13 =	vimm.s32 $0x3;
	v1 =	vimm.s32 $0x4;
	v2 =	vimm.s32 $0x5;
	s26 =	simm.s32 $0x6;
	s12 =	sor.u32 s30, s6;
	s5 =	sshrl.u32 s5, $0x3  }
0x12: {  	v3 =	vimm.s32 $0x6;
	v4 =	vimm.s32 $0x7;
	v5 =	vimm.s32 $0x8;
	s13 =	sadd.s32 $0x1000600, s1;
	s6 =	sshrl.u32 s12, $0x3;
	s4 =	sadd.s32 s0, s5  }
0x13: {  	v6 =	vimm.s32 $0x9;
	v7 =	vimm.s32 $0xA;
	v8 =	vimm.s32 $0xB;
	s9 =	sor.u32 $0x10000, s12;
	s10 =	sor.u32 $0x14000, s12;
	s11 =	sor.u32 $0x18000, s12  }
0x14: {  	v9 =	vimm.s32 $0xC;
	v10 =	vimm.s32 $0xD;
	v11 =	vimm.s32 $0xE;
	s12 =	sor.u32 $0x1C000, s12;
	s5 =	sadd.s32 s3, s6;
	s6 =	sadd.s32 $0x80800, s31  }
.LBB2_12:
0x15: {  	v0 =	vadd.f32 v22, v39  }
0x16: {  	v1 =	vadd.f32 v21, v38  }
0x17: {  	[tilespmem:$0x14000] =	vst v0;
	v0 =	vadd.f32 v19, v35  }
0x18: {  	s28 =	sadd.s32 $0x1, s28;
	[tilespmem:$0x14010] =	vst v1;
	v1 =	vadd.f32 v18, v50  }
0x19: {  	p0 =	sne.s32 s28, s14;
	[tilespmem:$0x14020] =	vst v0  }
.Ltmp1:
0x1a: {  	s0 =	simm.s32 $0x14000;
	v14 =	vimm.s32 $0x0;
	v15 =	vimm.s32 $0x1;
	v12 =	vimm.s32 $0x2;
	[tilespmem:$0x14030] =	vst v1;
	(pc) =	sbr.rel @!p0 .LBB2_13-.Ltmp1, $4  }
0x1b: {  	v13 =	vimm.s32 $0x3;
	v2 =	vimm.s32 $0x5;
	v3 =	vimm.s32 $0x6;
	[hbm4b:s13+s2] =	stream.linear.scatter [tilespmem:s0], [sflag:$0x6], $0x80, $0x38;
	[tilespmem:$0x14080] =	vst v63  }
0x1c: {  	v4 =	vimm.s32 $0x7;
	v5 =	vimm.s32 $0x8;
	v6 =	vimm.s32 $0x9;
	_ =	swait.ge [sflag:s26], $0x80  }
0x1d: {  	v7 =	vimm.s32 $0xA;
	v8 =	vimm.s32 $0xB;
	v9 =	vimm.s32 $0xC;
	[sflag:s26] =	ssyncset.done $0x0  }
0x1e: {  	v10 =	vimm.s32 $0xD;
	v11 =	vimm.s32 $0xE;
	v1 =	vimm.s32 $0x4;
	[sflag:s26] =	ssyncadd.s32 $0xFFFFFF80  }
.LBB2_1:
0x1f: {  	s29 =	simm.s32 $0x10000;
	s0 =	simm.s32 $0x80;
	s1 =	simm.s32 $0x400  }
0x20: {  	[tilespmem:s29], [sflag:$0x5] =	stream.strided.gather [hbm4b:s4+s0], $0x4000, s1, s0, $0x38;
	[tilespmem:$0x14080] =	vst v63  }
0x21: {  	_ = 	snop  }
0x22: {  	[tilespmem:s2], [sflag:$0x1] =	stream.linear.gather [hbm4b:s5+s2], $0x4000, $0x38;
	[tilespmem:$0x14080] =	vst v63  }
0x23: {  	s18 =	simm.s32 $0x4000  }
0x24: {  	[tilespmem:s18], [sflag:$0x2] =	stream.linear.gather [hbm4b:s6+s2], $0x4000, $0x38;
	[tilespmem:$0x14080] =	vst v63  }
0x25: {  	s25 =	simm.s32 $0x8000  }
0x26: {  	[tilespmem:s25], [sflag:$0x3] =	stream.linear.gather [hbm4b:s7+s2], $0x4000, $0x38;
	[tilespmem:$0x14080] =	vst v63  }
0x27: {  	_ = 	snop  }
0x28: {  	[tilespmem:s19], [sflag:$0x4] =	stream.linear.gather [hbm4b:s8+s2], $0x4000, $0x38;
	[tilespmem:$0x14080] =	vst v63  }
0x29: {  	v18 =	vimm.f32 $0.0e+00;
	v19 =	vimm.f32 $0.0e+00;
	_ =	swait.ge [sflag:s20], $0x4000  }
0x2a: {  	s30 =	simm.s32 $0x10080;
	v21 =	vimm.f32 $0.0e+00;
	v22 =	vimm.f32 $0.0e+00;
	v50 =	vimm.f32 $0.0e+00;
	s31 =	simm.s32 $0x10100;
	[sflag:s20] =	ssyncset.done $0x0  }
0x2b: {  	v35 =	vimm.f32 $0.0e+00;
	v38 =	vimm.f32 $0.0e+00;
	v39 =	vimm.f32 $0.0e+00;
	s0 =	simm.s32 $0x10180;
	s1 =	simm.s32 $0x0;
	[sflag:s20] =	ssyncadd.s32 $0xFFFFC000  }
.LBB2_2:
0x2c: {  	_ =	swait.ge [sflag:s21], $0x4000  }
0x2d: {  	[sflag:s21] =	ssyncset.done $0x0  }
0x2e: {  	s16 =	simm.s32 $0x400;
	[sflag:s21] =	ssyncadd.s32 $0xFFFFC000  }
0x2f: {  	v0 =	vld [tilespmem:s16+$0x300]  }
0x30: {  	v24 =	vld [tilespmem:s16+$0x310]  }
0x31: {  	v25 =	vld [tilespmem:s16+$0x320]  }
0x32: {  	v28 =	vld [tilespmem:s16+$0x330]  }
0x33: {  	v16 =	vld [tilespmem:s16+$0x380]  }
0x34: {  	v31 =	vld [tilespmem:s16+$0x200]  }
0x35: {  	v40 =	vld [tilespmem:s16+$0x210]  }
0x36: {  	v41 =	vld [tilespmem:s16+$0x220]  }
0x37: {  	v45 =	vld [tilespmem:s16+$0x230]  }
0x38: {  	v46 =	vld [tilespmem:s16+$0x100]  }
0x39: {  	v47 =	vld [tilespmem:s16+$0x110]  }
0x3a: {  	v17 =	vmov s29;
	v52 =	vld [tilespmem:s16+$0x120]  }
0x3b: {  	v53 =	vld [tilespmem:s16+$0x130]  }
0x3c: {  	v30 =	vld [tilespmem:s16+$0x180]  }
0x3d: {  	v54 =	vld [tilespmem:s16+$0x0]  }
0x3e: {  	s15 =	simm.s32 $0x0;
	v56 =	vld [tilespmem:s16+$0x10]  }
0x3f: {  	v49 =	vld.idx.msk [tilespmem:v17+s15+$0x0 ss:$0x1], $0xffff  }
0x40: {  	v61 =	vld [tilespmem:s16+$0x20]  }
0x41: {  	[tilespmem:$0x1FFC0] =	vst v16;
	v16 =	vld [tilespmem:s16+$0x390]  }
0x42: {  	v29 =	vld [tilespmem:s16+$0xFFFFFE20]  }
0x43: {  	v51 =	vld [tilespmem:s16+$0xFFFFFE30]  }
0x44: {  	v58 =	vld [tilespmem:s16+$0xFFFFFF20];
	v33 =	vperm.xlane v49, v11;
	v48 =	vperm.xlane v49, v9  }
0x45: {  	v11 =	vld [tilespmem:s16+$0x190];
	v20 =	vperm.xlane v49, v10;
	v55 =	vperm.xlane v49, v7  }
0x46: {  	v23 =	vperm.xlane v49, v8;
	v60 =	vperm.xlane v49, v5;
	[tilespmem:$0x1FFD0] =	vst v16;
	v16 =	vld [tilespmem:s16+$0x280]  }
0x47: {  	v26 =	vperm.xlane v49, v6;
	v62 =	vperm.xlane v49, v3;
	v5 =	vld [tilespmem:s16+$0xFFFFFD00]  }
0x48: {  	v27 =	vperm.xlane v49, v4;
	v32 =	vperm.xlane v49, v12;
	v6 =	vld [tilespmem:s16+$0xFFFFFD10]  }
0x49: {  	v59 =	vperm.xlane v49, v14;
	v34 =	vmul.f32 v25, v33;
	v25 =	vld [tilespmem:s16+$0xFFFFFC10]  }
0x4a: {  	v7 =	vld [tilespmem:s16+$0xFFFFFD20];
	v10 =	vperm.xlane v49, v1;
	v36 =	vmul.f32 v0, v33  }
0x4b: {  	v37 =	vmul.f32 v24, v33;
	v33 =	vmul.f32 v28, v33;
	[tilespmem:$0x1FFE0] =	vst v16;
	v16 =	vld [tilespmem:s16+$0x290]  }
0x4c: {  	v8 =	vld [tilespmem:s16+$0xFFFFFD30];
	v44 =	vmul.f32 v31, v48;
	v42 =	vmul.f32 v40, v48  }
0x4d: {  	v1 =	vld [tilespmem:$0x1FFC0];
	v43 =	vmul.f32 v41, v48;
	v40 =	vmul.f32 v45, v48  }
0x4e: {  	v24 =	vld [tilespmem:s16+$0xFFFFFC00];
	v48 =	vmul.f32 v46, v55;
	v25 =	vmul.f32 v25, v59  }
0x4f: {  	v63 =	vimm.s32 $0xF;
	v9 =	vld [tilespmem:s16+$0xFFFFFE10];
	v45 =	vmul.f32 v47, v55;
	v47 =	vmul.f32 v52, v55  }
0x50: {  	v0 =	vld [tilespmem:s16+$0xFFFFFE00];
	v52 =	vmul.f32 v6, v32;
	v25 =	vadd.f32 v25, v38;
	[tilespmem:$0x1FFF0] =	vst v16;
	v16 =	vperm.xlane v49, v63  }
0x51: {  	v28 =	vld [tilespmem:s16+$0xFFFFFC20];
	v46 =	vmul.f32 v53, v55;
	v57 =	vmul.f32 v54, v60  }
0x52: {  	v56 =	vmul.f32 v56, v60;
	v6 =	vadd.f32 v52, v25;
	v25 =	vmul.f32 v1, v16;
	v1 =	vld [tilespmem:$0x1FFD0]  }
0x53: {  	v31 =	vld [tilespmem:s16+$0xFFFFFC30];
	v55 =	vmul.f32 v61, v60;
	v24 =	vmul.f32 v24, v59  }
0x54: {  	v3 =	vld [tilespmem:s16+$0x80];
	v30 =	vmul.f32 v30, v23;
	v41 =	vmul.f32 v5, v32  }
0x55: {  	v4 =	vld [tilespmem:s16+$0xFFFFFF00];
	v53 =	vmul.f32 v7, v32;
	v32 =	vmul.f32 v8, v32;
	v24 =	vadd.f32 v24, v39  }
0x56: {  	v5 =	vld [tilespmem:s16+$0xFFFFFF10];
	v7 =	vmul.f32 v9, v10;
	v9 =	vmul.f32 v29, v10  }
0x57: {  	v28 =	vmul.f32 v28, v59;
	v38 =	vadd.f32 v41, v24;
	v24 =	vmul.f32 v1, v16;
	v1 =	vld [tilespmem:$0x1FFE0]  }
0x58: {  	v8 =	vld [tilespmem:s16+$0xFFFFFF30];
	v59 =	vmul.f32 v31, v59;
	v0 =	vmul.f32 v0, v10  }
0x59: {  	v31 =	vperm.xlane v49, v2;
	v10 =	vmul.f32 v51, v10;
	v28 =	vadd.f32 v28, v35;
	v63 =	vld [tilespmem:s16+$0x30]  }
0x5a: {  	v50 =	vadd.f32 v59, v50;
	v35 =	vperm.xlane v49, v13;
	v38 =	vadd.f32 v0, v38;
	v0 =	vld [tilespmem:$0x1FFF0]  }
0x5b: {  	v2 =	vld [tilespmem:s16+$0x90];
	v59 =	vmul.f32 v4, v62;
	v39 =	vmul.f32 v3, v26  }
0x5c: {  	v53 =	vadd.f32 v53, v28;
	v32 =	vadd.f32 v32, v50;
	v29 =	vmul.f32 v1, v20;
	v1 =	vld [tilespmem:s16+$0xFFFFFF80]  }
0x5d: {  	v51 =	vld [tilespmem:s16+$0xFFFFFF90];
	v41 =	vperm.xlane v49, v15;
	v50 =	vmul.f32 v58, v62  }
0x5e: {  	v52 =	vld [tilespmem:s16+$0xFFFFFE80];
	v49 =	vadd.f32 v9, v53;
	v61 =	vadd.f32 v10, v32;
	v54 =	vmul.f32 v63, v60  }
0x5f: {  	v58 =	vld [tilespmem:s16+$0xFFFFFE90];
	v60 =	vmul.f32 v5, v62;
	v28 =	vmul.f32 v0, v20;
	v0 =	vadd.f32 v7, v6  }
0x60: {  	v32 =	vmul.f32 v11, v23;
	v62 =	vmul.f32 v8, v62;
	v63 =	vadd.f32 v59, v38;
	v59 =	vld [tilespmem:s16+$0xFFFFFD80]  }
0x61: {  	s15 =	simm.s32 $0x40;
	v38 =	vmul.f32 v2, v26;
	v0 =	vadd.f32 v60, v0;
	v60 =	vld [tilespmem:s16+$0xFFFFFD90];
	v53 =	vmul.f32 v1, v27  }
.LBB2_3:
0x62: {  	p0 =	sne.s32 s15, $0x1C0;
	v1 =	vld [tilespmem:s16+$0xFFFFFC80];
	v49 =	vadd.f32 v50, v49;
	v50 =	vadd.f32 v62, v61;
	v61 =	vmul.f32 v51, v27  }
0x63: {  	v51 =	vld [tilespmem:s16+$0xFFFFFC90];
	v62 =	vmul.f32 v52, v31;
	v52 =	vadd.f32 v57, v63;
	v0 =	vadd.f32 v56, v0  }
0x64: {  	v56 =	vld [tilespmem:s16+$0xFFFFFCA0];
	v57 =	vmul.f32 v58, v31;
	v49 =	vadd.f32 v55, v49;
	v50 =	vadd.f32 v54, v50  }
0x65: {  	v54 =	vld [tilespmem:s16+$0xFFFFFCB0];
	v55 =	vmul.f32 v59, v35;
	v48 =	vadd.f32 v48, v52;
	v0 =	vadd.f32 v45, v0  }
0x66: {  	v45 =	vmul.f32 v60, v35;
	v58 =	vld [tilespmem:s16+$0xFFFFFDA0];
	v47 =	vadd.f32 v47, v49;
	v46 =	vadd.f32 v46, v50  }
0x67: {  	v1 =	vmul.f32 v1, v41;
	v59 =	vld [tilespmem:s16+$0xFFFFFDB0];
	v44 =	vadd.f32 v44, v48;
	v0 =	vadd.f32 v42, v0  }
0x68: {  	v42 =	vmul.f32 v51, v41;
	v48 =	vld [tilespmem:s16+$0xFFFFFEA0];
	v43 =	vadd.f32 v43, v47;
	v40 =	vadd.f32 v40, v46  }
0x69: {  	v46 =	vmul.f32 v56, v41;
	v47 =	vld [tilespmem:s16+$0xFFFFFEB0];
	v49 =	vadd.f32 v36, v44;
	v50 =	vadd.f32 v37, v0  }
0x6a: {  	v0 =	vmul.f32 v54, v41;
	v36 =	vld [tilespmem:s16+$0xFFFFFFA0];
	v51 =	vadd.f32 v34, v43;
	v52 =	vadd.f32 v33, v40  }
0x6b: {  	v1 =	vadd.f32 v1, v22;
	v21 =	vadd.f32 v42, v21;
	v22 =	vmul.f32 v58, v35;
	v33 =	vld [tilespmem:s16+$0xFFFFFFB0]  }
0x6c: {  	v19 =	vadd.f32 v46, v19;
	v0 =	vadd.f32 v0, v18;
	v18 =	vmul.f32 v59, v35;
	v34 =	vld [tilespmem:s16+$0xA0]  }
0x6d: {  	v1 =	vadd.f32 v55, v1;
	v21 =	vadd.f32 v45, v21;
	v35 =	vmul.f32 v48, v31;
	v37 =	vld [tilespmem:s16+$0xB0]  }
0x6e: {  	v19 =	vadd.f32 v22, v19;
	v0 =	vadd.f32 v18, v0;
	v18 =	vmul.f32 v47, v31;
	v22 =	vld [tilespmem:s16+$0x1A0]  }
0x6f: {  	v1 =	vadd.f32 v62, v1;
	v21 =	vadd.f32 v57, v21;
	v31 =	vmul.f32 v36, v27;
	v36 =	vld [tilespmem:s16+$0x1B0]  }
0x70: {  	v19 =	vadd.f32 v35, v19;
	v0 =	vadd.f32 v18, v0;
	v18 =	vmul.f32 v33, v27;
	v27 =	vld [tilespmem:s16+$0x2A0]  }
0x71: {  	v1 =	vadd.f32 v53, v1;
	v21 =	vadd.f32 v61, v21;
	v33 =	vmul.f32 v34, v26;
	v34 =	vld [tilespmem:s16+$0x2B0]  }
0x72: {  	v19 =	vadd.f32 v31, v19;
	v0 =	vadd.f32 v18, v0;
	v18 =	vmul.f32 v37, v26;
	v26 =	vld [tilespmem:s16+$0x3A0]  }
0x73: {  	v1 =	vadd.f32 v39, v1;
	v21 =	vadd.f32 v38, v21;
	v22 =	vmul.f32 v22, v23;
	v31 =	vld [tilespmem:s16+$0x3B0];
	s16 =	sadd.s32 $0x800, s16  }
0x74: {  	v19 =	vadd.f32 v33, v19;
	v37 =	vld [tilespmem:s16+$0x300];
	v0 =	vadd.f32 v18, v0;
	v18 =	vmul.f32 v36, v23  }
0x75: {  	v1 =	vadd.f32 v30, v1;
	v21 =	vadd.f32 v32, v21;
	v33 =	vld [tilespmem:s16+$0x310];
	v23 =	vmul.f32 v27, v20  }
0x76: {  	v19 =	vadd.f32 v22, v19;
	v30 =	vld [tilespmem:s16+$0x320];
	v0 =	vadd.f32 v18, v0;
	v18 =	vmul.f32 v34, v20  }
0x77: {  	v1 =	vadd.f32 v29, v1;
	v20 =	vadd.f32 v28, v21;
	v32 =	vld [tilespmem:s16+$0x330];
	v26 =	vmul.f32 v26, v16  }
0x78: {  	v19 =	vadd.f32 v23, v19;
	v28 =	vld [tilespmem:s16+$0x380];
	v0 =	vadd.f32 v18, v0;
	v16 =	vmul.f32 v31, v16  }
0x79: {  	v22 =	vadd.f32 v25, v1;
	v21 =	vadd.f32 v24, v20;
	v29 =	vld [tilespmem:s16+$0x390]  }
0x7a: {  	v19 =	vadd.f32 v26, v19;
	v1 =	vld [tilespmem:s16+$0x200];
	v18 =	vadd.f32 v16, v0  }
0x7b: {  	v0 =	vld [tilespmem:s16+$0x210]  }
0x7c: {  	s17 =	sshra.s32 s15, $0x2;
	v38 =	vld [tilespmem:s16+$0x220]  }
0x7d: {  	v24 =	vld.idx.msk [tilespmem:v17+s17+$0x0 ss:$0x1], $0xffff;
	_ =	sdelay $0x3  }
0x7e: {  	v2 =	vimm.s32 $0xE  }
0x7f: {  	v25 =	vperm.xlane v24, v2;
	v2 =	vimm.s32 $0xF  }
0x80: {  	v39 =	vld [tilespmem:s16+$0x230];
	v16 =	vperm.xlane v24, v2;
	v2 =	vimm.s32 $0xC  }
0x81: {  	v45 =	vld [tilespmem:s16+$0x280];
	v40 =	vperm.xlane v24, v2;
	v2 =	vimm.s32 $0xD  }
0x82: {  	v46 =	vld [tilespmem:s16+$0x290];
	v20 =	vperm.xlane v24, v2;
	v2 =	vimm.s32 $0xA  }
0x83: {  	v47 =	vld [tilespmem:s16+$0x100];
	v56 =	vperm.xlane v24, v2;
	v2 =	vimm.s32 $0xB  }
0x84: {  	v53 =	vld [tilespmem:s16+$0x110];
	v23 =	vperm.xlane v24, v2;
	v2 =	vimm.s32 $0x8  }
0x85: {  	v54 =	vld [tilespmem:s16+$0x120];
	v58 =	vperm.xlane v24, v2;
	v2 =	vimm.s32 $0x9  }
0x86: {  	v55 =	vld [tilespmem:s16+$0x130];
	v26 =	vperm.xlane v24, v2;
	v2 =	vimm.s32 $0x6  }
0x87: {  	v57 =	vld [tilespmem:s16+$0x180];
	v60 =	vperm.xlane v24, v2;
	v2 =	vimm.s32 $0x7  }
0x88: {  	v59 =	vld [tilespmem:s16+$0x190];
	v27 =	vperm.xlane v24, v2;
	v2 =	vimm.s32 $0x4  }
0x89: {  	v61 =	vld [tilespmem:s16+$0x0];
	v62 =	vperm.xlane v24, v2;
	v2 =	vimm.s32 $0x5  }
0x8a: {  	v63 =	vld [tilespmem:s16+$0x10];
	v31 =	vperm.xlane v24, v2  }
0x8b: {  	v35 =	vperm.xlane v24, v13;
	v2 =	vperm.xlane v24, v12;
	v3 =	vld [tilespmem:s16+$0x20]  }
0x8c: {  	v4 =	vperm.xlane v24, v14;
	v41 =	vperm.xlane v24, v15;
	v5 =	vld [tilespmem:s16+$0x30]  }
0x8d: {  	v36 =	vmul.f32 v37, v25;
	v37 =	vmul.f32 v33, v25;
	v6 =	vld [tilespmem:s16+$0x80]  }
0x8e: {  	v34 =	vmul.f32 v30, v25;
	v33 =	vmul.f32 v32, v25;
	v7 =	vld [tilespmem:s16+$0x90]  }
0x8f: {  	v25 =	vmul.f32 v28, v16;
	v24 =	vmul.f32 v29, v16;
	v8 =	vld [tilespmem:s16+$0xFFFFFF00]  }
0x90: {  	v44 =	vmul.f32 v1, v40;
	v42 =	vmul.f32 v0, v40;
	v9 =	vld [tilespmem:s16+$0xFFFFFF10]  }
0x91: {  	v43 =	vmul.f32 v38, v40;
	v40 =	vmul.f32 v39, v40;
	v0 =	vld [tilespmem:s16+$0xFFFFFE00]  }
0x92: {  	v28 =	vmul.f32 v46, v20;
	v29 =	vmul.f32 v45, v20;
	v1 =	vld [tilespmem:s16+$0xFFFFFE10]  }
0x93: {  	v48 =	vmul.f32 v47, v56;
	v45 =	vmul.f32 v53, v56;
	v10 =	vld [tilespmem:s16+$0xFFFFFD00]  }
0x94: {  	v47 =	vmul.f32 v54, v56;
	v46 =	vmul.f32 v55, v56;
	v53 =	vld [tilespmem:s16+$0xFFFFFD10]  }
0x95: {  	v30 =	vmul.f32 v57, v23;
	v32 =	vmul.f32 v59, v23;
	v11 =	vld [tilespmem:s16+$0xFFFFFC00]  }
0x96: {  	v57 =	vmul.f32 v61, v58;
	v56 =	vmul.f32 v63, v58;
	v59 =	vld [tilespmem:s16+$0xFFFFFC10]  }
0x97: {  	v55 =	vmul.f32 v3, v58;
	v54 =	vmul.f32 v5, v58;
	v61 =	vld [tilespmem:s16+$0xFFFFFC20]  }
0x98: {  	v39 =	vmul.f32 v6, v26;
	v38 =	vmul.f32 v7, v26;
	v3 =	vld [tilespmem:s16+$0xFFFFFC30]  }
0x99: {  	v6 =	vmul.f32 v8, v60;
	v7 =	vmul.f32 v9, v60;
	v5 =	vld [tilespmem:s16+$0xFFFFFD20]  }
0x9a: {  	v0 =	vmul.f32 v0, v62;
	v1 =	vmul.f32 v1, v62;
	v8 =	vld [tilespmem:s16+$0xFFFFFD30]  }
0x9b: {  	v9 =	vmul.f32 v10, v2;
	v10 =	vmul.f32 v53, v2;
	v53 =	vld [tilespmem:s16+$0xFFFFFE20]  }
0x9c: {  	v11 =	vmul.f32 v11, v4;
	v58 =	vmul.f32 v59, v4;
	v59 =	vld [tilespmem:s16+$0xFFFFFE30]  }
0x9d: {  	v61 =	vmul.f32 v61, v4;
	v3 =	vmul.f32 v3, v4;
	v4 =	vld [tilespmem:s16+$0xFFFFFF20]  }
0x9e: {  	v11 =	vadd.f32 v11, v49;
	v49 =	vadd.f32 v58, v50;
	v5 =	vmul.f32 v5, v2;
	v63 =	vld [tilespmem:s16+$0xFFFFFF30]  }
0x9f: {  	v50 =	vadd.f32 v61, v51;
	v3 =	vadd.f32 v3, v52;
	v2 =	vmul.f32 v8, v2;
	v8 =	vld [tilespmem:s16+$0xFFFFFF80]  }
.Ltmp2:
0xa0: {  	v9 =	vadd.f32 v9, v11;
	v10 =	vadd.f32 v10, v49;
	v11 =	vmul.f32 v53, v62;
	v51 =	vld [tilespmem:s16+$0xFFFFFF90];
	(pc) =	sbr.rel @p0 .LBB2_3-.Ltmp2, $4  }
0xa1: {  	v5 =	vadd.f32 v5, v50;
	v2 =	vadd.f32 v2, v3;
	v3 =	vmul.f32 v59, v62;
	v52 =	vld [tilespmem:s16+$0xFFFFFE80]  }
0xa2: {  	v0 =	vadd.f32 v0, v9;
	v1 =	vadd.f32 v1, v10;
	v58 =	vld [tilespmem:s16+$0xFFFFFE90];
	v50 =	vmul.f32 v4, v60  }
0xa3: {  	v49 =	vadd.f32 v11, v5;
	v59 =	vld [tilespmem:s16+$0xFFFFFD80];
	v61 =	vadd.f32 v3, v2;
	v62 =	vmul.f32 v63, v60  }
0xa4: {  	s15 =	sadd.s32 $0x40, s15;
	v63 =	vadd.f32 v6, v0;
	v0 =	vadd.f32 v7, v1;
	v60 =	vld [tilespmem:s16+$0xFFFFFD90];
	v53 =	vmul.f32 v8, v27  }
0xa5: {  	v17 =	vld [tilespmem:s16+$0xB0];
	_ =	sdelay $0x4  }
0xa6: {  	[tilespmem:$0x1FF30] =	vst v17;
	v17 =	vld [tilespmem:s16+$0x1A0];
	_ =	sdelay $0x4  }
0xa7: {  	[tilespmem:$0x1FF40] =	vst v17;
	v17 =	vld [tilespmem:s16+$0x1B0];
	_ =	sdelay $0x4  }
0xa8: {  	[tilespmem:$0x1FF50] =	vst v17;
	v17 =	vld [tilespmem:s16+$0x2A0];
	_ =	sdelay $0x4  }
0xa9: {  	[tilespmem:$0x1FF60] =	vst v17;
	v17 =	vld [tilespmem:s16+$0x2B0];
	_ =	sdelay $0x1  }
0xaa: {  	v1 =	vld [tilespmem:s16+$0xFFFFFC80]  }
0xab: {  	v2 =	vld [tilespmem:s16+$0xFFFFFC90]  }
0xac: {  	v3 =	vld [tilespmem:s16+$0xFFFFFCA0]  }
0xad: {  	[tilespmem:$0x1FF70] =	vst v17;
	v17 =	vld [tilespmem:s16+$0x3A0]  }
0xae: {  	v4 =	vld [tilespmem:s16+$0xFFFFFCB0]  }
0xaf: {  	v5 =	vld [tilespmem:s16+$0xFFFFFDA0]  }
0xb0: {  	v6 =	vld [tilespmem:s16+$0xFFFFFDB0]  }
0xb1: {  	v7 =	vld [tilespmem:s16+$0xFFFFFEA0]  }
0xb2: {  	s15 =	sshll.u32 s1, $0x10;
	p0 =	seq.s32 s1, $0x1F;
	[tilespmem:$0x1FF80] =	vst v17;
	v17 =	vld [tilespmem:s16+$0x3B0]  }
0xb3: {  	v8 =	vld [tilespmem:s16+$0xFFFFFEB0];
	s17 =	sadd.s32 @!p0 s15, s9  }
0xb4: {  	v9 =	vld [tilespmem:s16+$0xFFFFFFA0];
	s17 =	sshrl.u32 @!p0 s17, $0x3  }
0xb5: {  	v10 =	vld [tilespmem:s16+$0xFFFFFFB0];
	s18 =	simm.s32 @!p0 $0x0;
	v0 =	vadd.f32 v56, v0;
	s17 =	sadd.s32 @!p0 s3, s17  }
0xb6: {  	v11 =	vld [tilespmem:s16+$0xA0];
	[tilespmem:s18], [sflag:$0x1] =	stream.linear.gather @!p0 [hbm4b:s17+s18], $0x4000, $0x38  }
0xb7: {  	v0 =	vadd.f32 v45, v0;
	[tilespmem:$0x1FF90] =	vst v17  }
0xb8: {  	_ =	swait.ge [sflag:s22], $0x4000  }
0xb9: {  	v0 =	vadd.f32 v42, v0;
	[sflag:s22] =	ssyncset.done $0x0  }
0xba: {  	s16 =	simm.s32 $0x4400;
	[sflag:s22] =	ssyncadd.s32 $0xFFFFC000  }
0xbb: {  	v17 =	vadd.f32 v50, v49;
	v50 =	vadd.f32 v37, v0;
	v0 =	vld [tilespmem:s16+$0x380];
	_ =	sdelay $0x4  }
0xbc: {  	[tilespmem:$0x1FFA0] =	vst v0;
	v0 =	vld [tilespmem:s16+$0x390];
	_ =	sdelay $0x4  }
0xbd: {  	[tilespmem:$0x1FFB0] =	vst v0;
	v0 =	vld [tilespmem:$0x1FF30];
	_ =	sdelay $0x2  }
0xbe: {  	v63 =	vadd.f32 v57, v63  }
0xbf: {  	v17 =	vadd.f32 v55, v17  }
0xc0: {  	v48 =	vadd.f32 v48, v63;
	v63 =	vmul.f32 v11, v26;
	v11 =	vmul.f32 v0, v26;
	v0 =	vld [tilespmem:$0x1FF40]  }
0xc1: {  	v17 =	vadd.f32 v47, v17  }
0xc2: {  	v62 =	vadd.f32 v62, v61  }
0xc3: {  	v55 =	vadd.f32 v43, v17  }
0xc4: {  	v61 =	vmul.f32 v9, v27;
	v49 =	vadd.f32 v54, v62;
	v62 =	vmul.f32 v10, v27  }
0xc5: {  	v37 =	vadd.f32 v34, v55;
	v34 =	vmul.f32 v51, v27;
	v27 =	vmul.f32 v0, v23;
	v0 =	vld [tilespmem:$0x1FF50]  }
0xc6: {  	v56 =	vmul.f32 v52, v31  }
0xc7: {  	v57 =	vmul.f32 v58, v31;
	v58 =	vmul.f32 v59, v35  }
0xc8: {  	v59 =	vmul.f32 v60, v35;
	v2 =	vmul.f32 v2, v41  }
0xc9: {  	v7 =	vmul.f32 v7, v31;
	v60 =	vmul.f32 v8, v31;
	v45 =	vld [tilespmem:s16+$0x300]  }
0xca: {  	v2 =	vadd.f32 v2, v21;
	v46 =	vadd.f32 v46, v49;
	v31 =	vmul.f32 v0, v23;
	v0 =	vld [tilespmem:$0x1FF60]  }
0xcb: {  	v1 =	vmul.f32 v1, v41;
	v3 =	vmul.f32 v3, v41;
	v47 =	vld [tilespmem:s16+$0x310]  }
0xcc: {  	v2 =	vadd.f32 v59, v2;
	v40 =	vadd.f32 v40, v46;
	v46 =	vld [tilespmem:s16+$0x330]  }
0xcd: {  	v5 =	vmul.f32 v5, v35;
	v1 =	vadd.f32 v1, v22;
	v3 =	vadd.f32 v3, v19;
	v22 =	vld [tilespmem:s16+$0x210]  }
0xce: {  	v2 =	vadd.f32 v57, v2;
	v21 =	vld [tilespmem:s16+$0x220]  }
0xcf: {  	v3 =	vadd.f32 v5, v3;
	v8 =	vmul.f32 v0, v20;
	v0 =	vld [tilespmem:$0x1FF70]  }
0xd0: {  	v44 =	vadd.f32 v44, v48;
	v48 =	vld [tilespmem:s16+$0x230];
	v2 =	vadd.f32 v34, v2  }
0xd1: {  	v1 =	vadd.f32 v58, v1;
	v3 =	vadd.f32 v7, v3;
	v49 =	vld [tilespmem:s16+$0x280]  }
0xd2: {  	v9 =	vld [tilespmem:s16+$0x290];
	v17 =	vmov s30;
	v2 =	vadd.f32 v38, v2  }
0xd3: {  	v1 =	vadd.f32 v56, v1;
	v3 =	vadd.f32 v61, v3;
	v7 =	vld [tilespmem:s16+$0x100]  }
0xd4: {  	v2 =	vadd.f32 v32, v2;
	v54 =	vmul.f32 v0, v20;
	v0 =	vld [tilespmem:$0x1FF80]  }
0xd5: {  	v4 =	vmul.f32 v4, v41;
	v1 =	vadd.f32 v53, v1;
	v3 =	vadd.f32 v63, v3;
	v53 =	vld [tilespmem:s16+$0x120]  }
0xd6: {  	s25 =	simm.s32 $0x0;
	v59 =	vld [tilespmem:s16+$0x180];
	v2 =	vadd.f32 v28, v2  }
0xd7: {  	v6 =	vmul.f32 v6, v35;
	v4 =	vadd.f32 v4, v18;
	v52 =	vld.idx.msk [tilespmem:v17+s25+$0x0 ss:$0x1], $0xffff;
	v3 =	vadd.f32 v27, v3  }
0xd8: {  	v1 =	vadd.f32 v39, v1;
	v28 =	vadd.f32 v24, v2;
	v2 =	vld [tilespmem:s16+$0xFFFFFD20]  }
0xd9: {  	v4 =	vadd.f32 v6, v4;
	v3 =	vadd.f32 v8, v3;
	v5 =	vmul.f32 v0, v16;
	v0 =	vld [tilespmem:$0x1FF90]  }
0xda: {  	v1 =	vadd.f32 v30, v1;
	v8 =	vld [tilespmem:s16+$0xFFFFFD00]  }
0xdb: {  	v4 =	vadd.f32 v60, v4;
	v27 =	vadd.f32 v5, v3;
	v3 =	vld [tilespmem:s16+$0xFFFFFD30]  }
0xdc: {  	v44 =	vadd.f32 v36, v44;
	v1 =	vadd.f32 v29, v1;
	v39 =	vld [tilespmem:s16+$0x190];
	v32 =	vperm.xlane v52, v12  }
0xdd: {  	v4 =	vadd.f32 v62, v4;
	v43 =	vld [tilespmem:s16+$0x320];
	v51 =	vadd.f32 v33, v40;
	v63 =	vperm.xlane v52, v14  }
0xde: {  	v56 =	vld [tilespmem:s16+$0x0];
	v2 =	vmul.f32 v2, v32;
	v58 =	vmul.f32 v0, v16;
	v0 =	vimm.s32 $0xE  }
0xdf: {  	v40 =	vld [tilespmem:s16+$0x200];
	v8 =	vmul.f32 v8, v32;
	v42 =	vperm.xlane v52, v0;
	v0 =	vimm.s32 $0xF  }
0xe0: {  	v60 =	vld [tilespmem:s16+$0x10];
	v16 =	vperm.xlane v52, v0;
	v0 =	vimm.s32 $0xC;
	v3 =	vmul.f32 v3, v32  }
0xe1: {  	v61 =	vld [tilespmem:s16+$0x20];
	v4 =	vadd.f32 v11, v4;
	v38 =	vperm.xlane v52, v0;
	v35 =	vmul.f32 v45, v42  }
0xe2: {  	v30 =	vld [tilespmem:s16+$0x30];
	v0 =	vimm.s32 $0xD;
	v36 =	vmul.f32 v47, v42;
	v34 =	vmul.f32 v43, v42  }
0xe3: {  	v26 =	vld [tilespmem:s16+$0x110];
	v33 =	vmul.f32 v46, v42;
	v18 =	vperm.xlane v52, v0;
	v0 =	vimm.s32 $0xA  }
0xe4: {  	v55 =	vld [tilespmem:s16+$0x130];
	v4 =	vadd.f32 v31, v4;
	v57 =	vperm.xlane v52, v0;
	v42 =	vmul.f32 v40, v38  }
0xe5: {  	v6 =	vld [tilespmem:s16+$0x80];
	v0 =	vimm.s32 $0xB;
	v41 =	vmul.f32 v22, v38;
	v43 =	vmul.f32 v21, v38  }
0xe6: {  	v24 =	vld [tilespmem:s16+$0xFFFFFE30];
	v40 =	vmul.f32 v48, v38;
	v19 =	vperm.xlane v52, v0;
	v0 =	vimm.s32 $0x8  }
0xe7: {  	v31 =	vld [tilespmem:s16+$0xFFFFFC00];
	v4 =	vadd.f32 v54, v4;
	v11 =	vperm.xlane v52, v0;
	v48 =	vmul.f32 v7, v57  }
0xe8: {  	v54 =	vld [tilespmem:s16+$0xFFFFFE10];
	v0 =	vimm.s32 $0x9;
	v45 =	vmul.f32 v26, v57;
	v47 =	vmul.f32 v53, v57  }
0xe9: {  	v22 =	vld [tilespmem:s16+$0xFFFFFC10];
	v46 =	vmul.f32 v55, v57;
	v20 =	vperm.xlane v52, v0;
	v0 =	vimm.s32 $0x6  }
0xea: {  	v21 =	vld [tilespmem:s16+$0xFFFFFC20];
	v26 =	vadd.f32 v25, v1;
	v25 =	vmul.f32 v49, v18;
	v62 =	vperm.xlane v52, v0  }
0xeb: {  	v7 =	vld [tilespmem:s16+$0xFFFFFC30];
	v57 =	vmul.f32 v56, v11;
	v55 =	vmul.f32 v60, v11  }
0xec: {  	v12 =	vimm.s32 $0x4;
	v1 =	vld [tilespmem:s16+$0xFFFFFD10];
	v56 =	vmul.f32 v61, v11;
	v53 =	vmul.f32 v30, v11  }
0xed: {  	v0 =	vimm.s32 $0x7;
	v61 =	vmul.f32 v31, v63;
	v60 =	vld [tilespmem:s16+$0xFFFFFF10];
	v30 =	vmul.f32 v59, v19  }
0xee: {  	v29 =	vadd.f32 v58, v4;
	v23 =	vperm.xlane v52, v0;
	v0 =	vld [tilespmem:s16+$0xFFFFFE00];
	v38 =	vmul.f32 v22, v63  }
0xef: {  	v58 =	vmul.f32 v21, v63;
	v21 =	vperm.xlane v52, v12;
	v22 =	vld [tilespmem:s16+$0xFFFFFE20];
	v12 =	vimm.s32 $0x5  }
0xf0: {  	v5 =	vadd.f32 v61, v44;
	v31 =	vperm.xlane v52, v12;
	v44 =	vperm.xlane v52, v15;
	v12 =	vld [tilespmem:$0x1FFA0]  }
0xf1: {  	v7 =	vmul.f32 v7, v63;
	v10 =	vadd.f32 v38, v50;
	v38 =	vld [tilespmem:s16+$0xFFFFFF00];
	v1 =	vmul.f32 v1, v32  }
0xf2: {  	v11 =	vadd.f32 v58, v37;
	v37 =	vperm.xlane v52, v13;
	v4 =	vmul.f32 v54, v21;
	v58 =	vld [tilespmem:s16+$0xFFFFFF30]  }
0xf3: {  	v63 =	vmul.f32 v24, v21;
	v54 =	vld [tilespmem:s16+$0x90];
	v24 =	vmul.f32 v9, v18  }
0xf4: {  	v5 =	vadd.f32 v8, v5;
	v1 =	vadd.f32 v1, v10;
	v10 =	vld [tilespmem:s16+$0xFFFFFF20];
	v0 =	vmul.f32 v0, v21  }
0xf5: {  	v61 =	vmul.f32 v22, v21;
	v22 =	vmul.f32 v12, v16;
	v12 =	vld [tilespmem:$0x1FFB0]  }
0xf6: {  	v32 =	vmul.f32 v39, v19;
	v7 =	vadd.f32 v7, v51;
	v0 =	vadd.f32 v0, v5;
	v5 =	vld [tilespmem:s16+$0xFFFFFF80]  }
0xf7: {  	v39 =	vmul.f32 v6, v20;
	v2 =	vadd.f32 v2, v11;
	v51 =	vld [tilespmem:s16+$0xFFFFFF90];
	v8 =	vmul.f32 v60, v62  }
0xf8: {  	v52 =	vld [tilespmem:s16+$0xFFFFFE80];
	v3 =	vadd.f32 v3, v7;
	v1 =	vadd.f32 v4, v1;
	v4 =	vmul.f32 v38, v62  }
0xf9: {  	v49 =	vadd.f32 v61, v2;
	v50 =	vmul.f32 v10, v62;
	v62 =	vmul.f32 v58, v62;
	v58 =	vld [tilespmem:s16+$0xFFFFFE90]  }
0xfa: {  	v59 =	vld [tilespmem:s16+$0xFFFFFD80];
	v38 =	vmul.f32 v54, v20;
	v61 =	vadd.f32 v63, v3;
	v63 =	vadd.f32 v8, v1  }
0xfb: {  	s17 =	simm.s32 $0x40;
	v60 =	vld [tilespmem:s16+$0xFFFFFD90];
	v0 =	vadd.f32 v4, v0;
	v21 =	vmul.f32 v12, v16;
	v54 =	vmul.f32 v5, v23  }
.LBB2_5:
0xfc: {  	p1 =	sne.s32 s17, $0x1C0;
	v1 =	vld [tilespmem:s16+$0xFFFFFC80];
	v2 =	vadd.f32 v50, v49;
	v3 =	vadd.f32 v62, v61;
	v4 =	vmul.f32 v51, v23  }
0xfd: {  	v5 =	vld [tilespmem:s16+$0xFFFFFC90];
	v6 =	vmul.f32 v52, v31;
	v0 =	vadd.f32 v57, v0;
	v7 =	vadd.f32 v55, v63  }
0xfe: {  	v8 =	vld [tilespmem:s16+$0xFFFFFCA0];
	v9 =	vmul.f32 v58, v31;
	v2 =	vadd.f32 v56, v2;
	v3 =	vadd.f32 v53, v3  }
0xff: {  	v10 =	vld [tilespmem:s16+$0xFFFFFCB0];
	v11 =	vmul.f32 v59, v37;
	v0 =	vadd.f32 v48, v0;
	v7 =	vadd.f32 v45, v7  }
0x100: {  	v45 =	vmul.f32 v60, v37;
	v48 =	vld [tilespmem:s16+$0xFFFFFDA0];
	v2 =	vadd.f32 v47, v2;
	v3 =	vadd.f32 v46, v3  }
0x101: {  	v1 =	vmul.f32 v1, v44;
	v46 =	vld [tilespmem:s16+$0xFFFFFDB0];
	v0 =	vadd.f32 v42, v0;
	v7 =	vadd.f32 v41, v7  }
0x102: {  	v5 =	vmul.f32 v5, v44;
	v41 =	vld [tilespmem:s16+$0xFFFFFEA0];
	v2 =	vadd.f32 v43, v2;
	v3 =	vadd.f32 v40, v3  }
0x103: {  	v8 =	vmul.f32 v8, v44;
	v40 =	vld [tilespmem:s16+$0xFFFFFEB0];
	v49 =	vadd.f32 v35, v0;
	v50 =	vadd.f32 v36, v7  }
0x104: {  	v0 =	vmul.f32 v10, v44;
	v7 =	vld [tilespmem:s16+$0xFFFFFFA0];
	v51 =	vadd.f32 v34, v2;
	v52 =	vadd.f32 v33, v3  }
0x105: {  	v1 =	vadd.f32 v1, v26;
	v2 =	vadd.f32 v5, v28;
	v3 =	vmul.f32 v48, v37;
	v5 =	vld [tilespmem:s16+$0xFFFFFFB0]  }
0x106: {  	v8 =	vadd.f32 v8, v27;
	v0 =	vadd.f32 v0, v29;
	v10 =	vmul.f32 v46, v37;
	v26 =	vld [tilespmem:s16+$0xA0]  }
0x107: {  	v1 =	vadd.f32 v11, v1;
	v2 =	vadd.f32 v45, v2;
	v11 =	vmul.f32 v41, v31;
	v27 =	vld [tilespmem:s16+$0xB0]  }
0x108: {  	v3 =	vadd.f32 v3, v8;
	v0 =	vadd.f32 v10, v0;
	v8 =	vmul.f32 v40, v31;
	v10 =	vld [tilespmem:s16+$0x1A0]  }
0x109: {  	v1 =	vadd.f32 v6, v1;
	v2 =	vadd.f32 v9, v2;
	v6 =	vmul.f32 v7, v23;
	v7 =	vld [tilespmem:s16+$0x1B0]  }
0x10a: {  	v3 =	vadd.f32 v11, v3;
	v0 =	vadd.f32 v8, v0;
	v5 =	vmul.f32 v5, v23;
	v8 =	vld [tilespmem:s16+$0x2A0]  }
0x10b: {  	v1 =	vadd.f32 v54, v1;
	v2 =	vadd.f32 v4, v2;
	v4 =	vmul.f32 v26, v20;
	v9 =	vld [tilespmem:s16+$0x2B0]  }
0x10c: {  	v3 =	vadd.f32 v6, v3;
	v0 =	vadd.f32 v5, v0;
	v5 =	vmul.f32 v27, v20;
	v6 =	vld [tilespmem:s16+$0x3A0]  }
0x10d: {  	v1 =	vadd.f32 v39, v1;
	v2 =	vadd.f32 v38, v2;
	v10 =	vmul.f32 v10, v19;
	v11 =	vld [tilespmem:s16+$0x3B0];
	s16 =	sadd.s32 $0x800, s16  }
0x10e: {  	v3 =	vadd.f32 v4, v3;
	v33 =	vld [tilespmem:s16+$0x300];
	v0 =	vadd.f32 v5, v0;
	v4 =	vmul.f32 v7, v19  }
0x10f: {  	v1 =	vadd.f32 v30, v1;
	v2 =	vadd.f32 v32, v2;
	v5 =	vld [tilespmem:s16+$0x310];
	v7 =	vmul.f32 v8, v18  }
0x110: {  	v3 =	vadd.f32 v10, v3;
	v8 =	vld [tilespmem:s16+$0x320];
	v0 =	vadd.f32 v4, v0;
	v4 =	vmul.f32 v9, v18  }
0x111: {  	v1 =	vadd.f32 v25, v1;
	v2 =	vadd.f32 v24, v2;
	v9 =	vld [tilespmem:s16+$0x330];
	v6 =	vmul.f32 v6, v16  }
0x112: {  	v3 =	vadd.f32 v7, v3;
	v10 =	vld [tilespmem:s16+$0x380];
	v0 =	vadd.f32 v4, v0;
	v4 =	vmul.f32 v11, v16  }
0x113: {  	v26 =	vadd.f32 v22, v1;
	v28 =	vadd.f32 v21, v2;
	v7 =	vld [tilespmem:s16+$0x390]  }
0x114: {  	v27 =	vadd.f32 v6, v3;
	v1 =	vld [tilespmem:s16+$0x200];
	v29 =	vadd.f32 v4, v0  }
0x115: {  	v0 =	vld [tilespmem:s16+$0x210]  }
0x116: {  	s18 =	sshra.s32 s17, $0x2;
	v2 =	vld [tilespmem:s16+$0x220]  }
0x117: {  	v3 =	vld.idx.msk [tilespmem:v17+s18+$0x0 ss:$0x1], $0xffff;
	_ =	sdelay $0x3  }
0x118: {  	v12 =	vimm.s32 $0xE  }
0x119: {  	v21 =	vperm.xlane v3, v12;
	v12 =	vimm.s32 $0xF  }
0x11a: {  	v16 =	vperm.xlane v3, v12;
	v12 =	vimm.s32 $0xC  }
0x11b: {  	v4 =	vld [tilespmem:s16+$0x230];
	v24 =	vperm.xlane v3, v12;
	v12 =	vimm.s32 $0xD  }
0x11c: {  	v6 =	vld [tilespmem:s16+$0x280];
	v18 =	vperm.xlane v3, v12;
	v12 =	vimm.s32 $0xA  }
0x11d: {  	v11 =	vld [tilespmem:s16+$0x290];
	v46 =	vperm.xlane v3, v12;
	v12 =	vimm.s32 $0xB  }
0x11e: {  	v30 =	vld [tilespmem:s16+$0x100];
	v19 =	vperm.xlane v3, v12;
	v12 =	vimm.s32 $0x8  }
0x11f: {  	v32 =	vld [tilespmem:s16+$0x110];
	v54 =	vperm.xlane v3, v12;
	v12 =	vimm.s32 $0x9  }
0x120: {  	v38 =	vld [tilespmem:s16+$0x120];
	v20 =	vperm.xlane v3, v12;
	v12 =	vimm.s32 $0x6  }
0x121: {  	v39 =	vld [tilespmem:s16+$0x130];
	v60 =	vperm.xlane v3, v12;
	v12 =	vimm.s32 $0x7  }
0x122: {  	v53 =	vld [tilespmem:s16+$0x180];
	v23 =	vperm.xlane v3, v12;
	v12 =	vimm.s32 $0x4  }
0x123: {  	v55 =	vld [tilespmem:s16+$0x190];
	v58 =	vperm.xlane v3, v12;
	v12 =	vimm.s32 $0x5  }
0x124: {  	v56 =	vld [tilespmem:s16+$0x0];
	v31 =	vperm.xlane v3, v12;
	v12 =	vimm.s32 $0x2  }
0x125: {  	v59 =	vld [tilespmem:s16+$0x10];
	v61 =	vperm.xlane v3, v12;
	v12 =	vimm.s32 $0x3  }
0x126: {  	v62 =	vld [tilespmem:s16+$0x20];
	v37 =	vperm.xlane v3, v12  }
0x127: {  	v63 =	vperm.xlane v3, v14;
	v44 =	vperm.xlane v3, v15;
	v3 =	vld [tilespmem:s16+$0x30]  }
0x128: {  	v35 =	vmul.f32 v33, v21;
	v36 =	vmul.f32 v5, v21;
	v12 =	vld [tilespmem:s16+$0x80]  }
0x129: {  	v34 =	vmul.f32 v8, v21;
	v33 =	vmul.f32 v9, v21;
	v5 =	vld [tilespmem:s16+$0x90]  }
0x12a: {  	v22 =	vmul.f32 v10, v16;
	v21 =	vmul.f32 v7, v16;
	v8 =	vld [tilespmem:s16+$0xFFFFFF00]  }
0x12b: {  	v42 =	vmul.f32 v1, v24;
	v41 =	vmul.f32 v0, v24;
	v7 =	vld [tilespmem:s16+$0xFFFFFF10]  }
0x12c: {  	v43 =	vmul.f32 v2, v24;
	v40 =	vmul.f32 v4, v24;
	v0 =	vld [tilespmem:s16+$0xFFFFFE00]  }
0x12d: {  	v25 =	vmul.f32 v6, v18;
	v24 =	vmul.f32 v11, v18;
	v1 =	vld [tilespmem:s16+$0xFFFFFE10]  }
0x12e: {  	v48 =	vmul.f32 v30, v46;
	v45 =	vmul.f32 v32, v46;
	v2 =	vld [tilespmem:s16+$0xFFFFFD00]  }
0x12f: {  	v47 =	vmul.f32 v38, v46;
	v46 =	vmul.f32 v39, v46;
	v4 =	vld [tilespmem:s16+$0xFFFFFD10]  }
0x130: {  	v30 =	vmul.f32 v53, v19;
	v32 =	vmul.f32 v55, v19;
	v6 =	vld [tilespmem:s16+$0xFFFFFC00]  }
0x131: {  	v57 =	vmul.f32 v56, v54;
	v55 =	vmul.f32 v59, v54;
	v9 =	vld [tilespmem:s16+$0xFFFFFC10]  }
0x132: {  	v56 =	vmul.f32 v62, v54;
	v53 =	vmul.f32 v3, v54;
	v10 =	vld [tilespmem:s16+$0xFFFFFC20]  }
0x133: {  	v39 =	vmul.f32 v12, v20;
	v38 =	vmul.f32 v5, v20;
	v3 =	vld [tilespmem:s16+$0xFFFFFC30]  }
0x134: {  	v8 =	vmul.f32 v8, v60;
	v7 =	vmul.f32 v7, v60;
	v5 =	vld [tilespmem:s16+$0xFFFFFD20]  }
0x135: {  	v0 =	vmul.f32 v0, v58;
	v1 =	vmul.f32 v1, v58;
	v11 =	vld [tilespmem:s16+$0xFFFFFD30]  }
0x136: {  	v2 =	vmul.f32 v2, v61;
	v4 =	vmul.f32 v4, v61;
	v12 =	vld [tilespmem:s16+$0xFFFFFE20]  }
0x137: {  	v6 =	vmul.f32 v6, v63;
	v9 =	vmul.f32 v9, v63;
	v54 =	vld [tilespmem:s16+$0xFFFFFE30]  }
0x138: {  	v10 =	vmul.f32 v10, v63;
	v3 =	vmul.f32 v3, v63;
	v59 =	vld [tilespmem:s16+$0xFFFFFF20]  }
0x139: {  	v6 =	vadd.f32 v6, v49;
	v9 =	vadd.f32 v9, v50;
	v5 =	vmul.f32 v5, v61;
	v62 =	vld [tilespmem:s16+$0xFFFFFF30]  }
0x13a: {  	v10 =	vadd.f32 v10, v51;
	v3 =	vadd.f32 v3, v52;
	v11 =	vmul.f32 v11, v61;
	v13 =	vld [tilespmem:s16+$0xFFFFFF80]  }
.Ltmp3:
0x13b: {  	v2 =	vadd.f32 v2, v6;
	v4 =	vadd.f32 v4, v9;
	v6 =	vmul.f32 v12, v58;
	v51 =	vld [tilespmem:s16+$0xFFFFFF90];
	(pc) =	sbr.rel @p1 .LBB2_5-.Ltmp3, $4  }
0x13c: {  	v5 =	vadd.f32 v5, v10;
	v3 =	vadd.f32 v11, v3;
	v9 =	vmul.f32 v54, v58;
	v52 =	vld [tilespmem:s16+$0xFFFFFE80]  }
0x13d: {  	v0 =	vadd.f32 v0, v2;
	v1 =	vadd.f32 v1, v4;
	v58 =	vld [tilespmem:s16+$0xFFFFFE90];
	v50 =	vmul.f32 v59, v60  }
0x13e: {  	v49 =	vadd.f32 v6, v5;
	v59 =	vld [tilespmem:s16+$0xFFFFFD80];
	v61 =	vadd.f32 v9, v3;
	v62 =	vmul.f32 v62, v60  }
0x13f: {  	s17 =	sadd.s32 $0x40, s17;
	v0 =	vadd.f32 v8, v0;
	v63 =	vadd.f32 v7, v1;
	v60 =	vld [tilespmem:s16+$0xFFFFFD90];
	v54 =	vmul.f32 v13, v23  }
0x140: {  	v13 =	vld [tilespmem:s16+$0x1A0];
	_ =	sdelay $0x4  }
0x141: {  	[tilespmem:$0x1FED0] =	vst v13;
	v13 =	vld [tilespmem:s16+$0x1B0];
	_ =	sdelay $0x4  }
0x142: {  	[tilespmem:$0x1FEE0] =	vst v13;
	v13 =	vld [tilespmem:s16+$0x2A0]  }
0x143: {  	v1 =	vld [tilespmem:s16+$0xFFFFFC80]  }
0x144: {  	v2 =	vld [tilespmem:s16+$0xFFFFFC90]  }
0x145: {  	v3 =	vld [tilespmem:s16+$0xFFFFFCA0]  }
0x146: {  	v4 =	vld [tilespmem:s16+$0xFFFFFCB0]  }
0x147: {  	[tilespmem:$0x1FEF0] =	vst v13;
	v13 =	vld [tilespmem:s16+$0x2B0]  }
0x148: {  	v5 =	vld [tilespmem:s16+$0xFFFFFDA0]  }
0x149: {  	v6 =	vld [tilespmem:s16+$0xFFFFFDB0]  }
0x14a: {  	v7 =	vld [tilespmem:s16+$0xFFFFFEA0]  }
0x14b: {  	v8 =	vld [tilespmem:s16+$0xFFFFFEB0]  }
0x14c: {  	[tilespmem:$0x1FF00] =	vst v13;
	v13 =	vld [tilespmem:s16+$0x3A0]  }
0x14d: {  	v9 =	vld [tilespmem:s16+$0xFFFFFFA0]  }
0x14e: {  	v10 =	vld [tilespmem:s16+$0xFFFFFFB0];
	s17 =	sadd.s32 @!p0 s15, s10  }
0x14f: {  	v11 =	vld [tilespmem:s16+$0xA0];
	s17 =	sshrl.u32 @!p0 s17, $0x3;
	v0 =	vadd.f32 v57, v0  }
0x150: {  	v12 =	vld [tilespmem:s16+$0xB0];
	s18 =	simm.s32 @!p0 $0x0;
	s25 =	simm.s32 @!p0 $0x4000;
	s17 =	sadd.s32 @!p0 s3, s17  }
0x151: {  	v61 =	vadd.f32 v62, v61;
	v0 =	vadd.f32 v48, v0;
	[tilespmem:$0x1FF10] =	vst v13;
	v13 =	vld [tilespmem:s16+$0x3B0];
	[tilespmem:s25], [sflag:$0x2] =	stream.linear.gather @!p0 [hbm4b:s17+s18], $0x4000, $0x38  }
0x152: {  	v17 =	vadd.f32 v50, v49;
	_ =	swait.ge [sflag:s23], $0x4000  }
0x153: {  	v49 =	vadd.f32 v53, v61;
	v0 =	vadd.f32 v42, v0;
	[sflag:s23] =	ssyncset.done $0x0  }
0x154: {  	s16 =	simm.s32 $0x8400;
	[sflag:s23] =	ssyncadd.s32 $0xFFFFC000  }
0x155: {  	v46 =	vadd.f32 v46, v49;
	v49 =	vadd.f32 v35, v0;
	v0 =	vld [tilespmem:s16+$0x380];
	_ =	sdelay $0x4  }
0x156: {  	[tilespmem:$0x1FF20] =	vst v0;
	v0 =	vld [tilespmem:$0x1FED0];
	_ =	sdelay $0x2  }
0x157: {  	v4 =	vmul.f32 v4, v44  }
0x158: {  	v62 =	vadd.f32 v55, v63;
	v17 =	vadd.f32 v56, v17  }
0x159: {  	v1 =	vmul.f32 v1, v44;
	v4 =	vadd.f32 v4, v29;
	v29 =	vmul.f32 v0, v19;
	v0 =	vld [tilespmem:$0x1FEE0]  }
0x15a: {  	v63 =	vmul.f32 v52, v31;
	v45 =	vadd.f32 v45, v62  }
0x15b: {  	v56 =	vmul.f32 v59, v37;
	v17 =	vadd.f32 v47, v17;
	v1 =	vadd.f32 v1, v26;
	v47 =	vld [tilespmem:s16+$0x300]  }
0x15c: {  	v48 =	vmul.f32 v58, v31;
	v57 =	vmul.f32 v60, v37;
	v41 =	vadd.f32 v41, v45;
	v42 =	vld [tilespmem:s16+$0x310]  }
0x15d: {  	v2 =	vmul.f32 v2, v44;
	v7 =	vmul.f32 v7, v31;
	v1 =	vadd.f32 v56, v1;
	v45 =	vld [tilespmem:s16+$0x320]  }
0x15e: {  	v58 =	vmul.f32 v8, v31;
	v43 =	vadd.f32 v43, v17;
	v31 =	vmul.f32 v0, v19;
	v0 =	vld [tilespmem:$0x1FEF0]  }
0x15f: {  	v3 =	vmul.f32 v3, v44;
	v40 =	vadd.f32 v40, v46;
	v1 =	vadd.f32 v63, v1;
	v46 =	vld [tilespmem:s16+$0x330]  }
0x160: {  	v17 =	vmov s31;
	v2 =	vadd.f32 v2, v28;
	v44 =	vadd.f32 v34, v43;
	v50 =	vld [tilespmem:s16+$0x390]  }
0x161: {  	v34 =	vmul.f32 v51, v23;
	v51 =	vadd.f32 v33, v40;
	v1 =	vadd.f32 v54, v1;
	v40 =	vld [tilespmem:s16+$0x200]  }
0x162: {  	v5 =	vmul.f32 v5, v37;
	v2 =	vadd.f32 v57, v2;
	v26 =	vld [tilespmem:s16+$0x210]  }
0x163: {  	v3 =	vadd.f32 v3, v27;
	v1 =	vadd.f32 v39, v1;
	v8 =	vmul.f32 v0, v18;
	v0 =	vld [tilespmem:$0x1FF00]  }
0x164: {  	v6 =	vmul.f32 v6, v37;
	v2 =	vadd.f32 v48, v2;
	s25 =	simm.s32 $0x0;
	v28 =	vld [tilespmem:s16+$0x220]  }
0x165: {  	v3 =	vadd.f32 v5, v3;
	v1 =	vadd.f32 v30, v1;
	v52 =	vld.idx.msk [tilespmem:v17+s25+$0x0 ss:$0x1], $0xffff  }
0x166: {  	v59 =	vmul.f32 v9, v23;
	v4 =	vadd.f32 v6, v4;
	v2 =	vadd.f32 v34, v2;
	v27 =	vld [tilespmem:s16+$0x230]  }
0x167: {  	v60 =	vmul.f32 v10, v23;
	v3 =	vadd.f32 v7, v3;
	v1 =	vadd.f32 v25, v1;
	v25 =	vld [tilespmem:s16+$0xFFFFFC10]  }
0x168: {  	v4 =	vadd.f32 v58, v4;
	v2 =	vadd.f32 v38, v2;
	v53 =	vmul.f32 v0, v18;
	v0 =	vld [tilespmem:$0x1FF10]  }
0x169: {  	v62 =	vmul.f32 v11, v20;
	v3 =	vadd.f32 v59, v3;
	v6 =	vld [tilespmem:s16+$0x280]  }
0x16a: {  	v63 =	vmul.f32 v12, v20;
	v4 =	vadd.f32 v60, v4;
	v2 =	vadd.f32 v32, v2;
	v9 =	vld [tilespmem:s16+$0x290]  }
0x16b: {  	v61 =	vadd.f32 v36, v41;
	v3 =	vadd.f32 v62, v3;
	v7 =	vld [tilespmem:s16+$0x100];
	v60 =	vperm.xlane v52, v14  }
0x16c: {  	v4 =	vadd.f32 v63, v4;
	v2 =	vadd.f32 v24, v2;
	v12 =	vld [tilespmem:s16+$0x110];
	v13 =	vmul.f32 v13, v16  }
0x16d: {  	v37 =	vld [tilespmem:s16+$0x120];
	v38 =	vmul.f32 v25, v60;
	v5 =	vmul.f32 v0, v16;
	v0 =	vimm.s32 $0xE  }
0x16e: {  	v54 =	vld [tilespmem:s16+$0x130];
	v3 =	vadd.f32 v29, v3;
	v43 =	vperm.xlane v52, v0;
	v0 =	vimm.s32 $0xF  }
0x16f: {  	v58 =	vld [tilespmem:s16+$0x180];
	v4 =	vadd.f32 v31, v4;
	v16 =	vperm.xlane v52, v0;
	v0 =	vimm.s32 $0xC  }
0x170: {  	v39 =	vld [tilespmem:s16+$0x190];
	v3 =	vadd.f32 v8, v3;
	v48 =	vperm.xlane v52, v0;
	v35 =	vmul.f32 v47, v43  }
0x171: {  	v55 =	vld [tilespmem:s16+$0x0];
	v0 =	vimm.s32 $0xD;
	v36 =	vmul.f32 v42, v43;
	v34 =	vmul.f32 v45, v43  }
0x172: {  	v56 =	vld [tilespmem:s16+$0x10];
	v33 =	vmul.f32 v46, v43;
	v18 =	vperm.xlane v52, v0;
	v0 =	vimm.s32 $0xA  }
0x173: {  	v24 =	vld [tilespmem:s16+$0xFFFFFC20];
	v4 =	vadd.f32 v53, v4;
	v10 =	vperm.xlane v52, v0;
	v42 =	vmul.f32 v40, v48  }
0x174: {  	v29 =	vld [tilespmem:s16+$0xFFFFFC00];
	v0 =	vimm.s32 $0xB;
	v41 =	vmul.f32 v26, v48;
	v43 =	vmul.f32 v28, v48  }
0x175: {  	v14 =	vld [tilespmem:s16+$0xFFFFFC30];
	v40 =	vmul.f32 v27, v48;
	v19 =	vperm.xlane v52, v0;
	v0 =	vimm.s32 $0x8  }
0x176: {  	v59 =	vld [tilespmem:s16+$0x20];
	v26 =	vadd.f32 v22, v1;
	v25 =	vmul.f32 v6, v18;
	v11 =	vperm.xlane v52, v0  }
0x177: {  	v30 =	vld [tilespmem:s16+$0x30];
	v28 =	vadd.f32 v21, v2;
	v48 =	vmul.f32 v7, v10;
	v45 =	vmul.f32 v12, v10  }
0x178: {  	v63 =	vld [tilespmem:s16+$0x80];
	v27 =	vadd.f32 v5, v3;
	v47 =	vmul.f32 v37, v10;
	v46 =	vmul.f32 v54, v10  }
0x179: {  	v8 =	vld [tilespmem:s16+$0xFFFFFD00];
	v0 =	vimm.s32 $0x9;
	v37 =	vmul.f32 v29, v60;
	v54 =	vmul.f32 v24, v60  }
0x17a: {  	v1 =	vld [tilespmem:s16+$0xFFFFFD10];
	v7 =	vmul.f32 v14, v60;
	v20 =	vperm.xlane v52, v0;
	v0 =	vimm.s32 $0x6  }
0x17b: {  	v2 =	vld [tilespmem:s16+$0xFFFFFD20];
	v29 =	vadd.f32 v13, v4;
	v24 =	vmul.f32 v9, v18;
	v62 =	vperm.xlane v52, v0  }
0x17c: {  	v21 =	vld [tilespmem:s16+$0xFFFFFE30];
	v10 =	vadd.f32 v38, v61;
	v57 =	vmul.f32 v55, v11;
	v55 =	vmul.f32 v56, v11  }
0x17d: {  	v4 =	vld [tilespmem:s16+$0xFFFFFE10];
	v0 =	vimm.s32 $0x7;
	v56 =	vmul.f32 v59, v11;
	v53 =	vmul.f32 v30, v11  }
0x17e: {  	v60 =	vld [tilespmem:s16+$0xFFFFFE20];
	v59 =	vimm.s32 $0x4;
	v5 =	vadd.f32 v37, v49;
	v11 =	vadd.f32 v54, v44  }
0x17f: {  	v61 =	vld [tilespmem:$0x1FF20];
	v44 =	vperm.xlane v52, v15;
	v23 =	vperm.xlane v52, v0;
	v0 =	vimm.s32 $0x2  }
0x180: {  	v49 =	vimm.s32 $0x5;
	v12 =	vperm.xlane v52, v59;
	v32 =	vperm.xlane v52, v0;
	v0 =	vld [tilespmem:s16+$0xFFFFFE00]  }
0x181: {  	v3 =	vld [tilespmem:s16+$0xFFFFFD30];
	v54 =	vimm.s32 $0x3;
	v30 =	vmul.f32 v58, v19;
	v31 =	vperm.xlane v52, v49  }
0x182: {  	v38 =	vld [tilespmem:s16+$0xFFFFFF00];
	v37 =	vperm.xlane v52, v54;
	v4 =	vmul.f32 v4, v12  }
0x183: {  	v59 =	vld [tilespmem:s16+$0xFFFFFF10];
	v13 =	vmul.f32 v60, v12;
	v8 =	vmul.f32 v8, v32  }
0x184: {  	v54 =	vld [tilespmem:s16+$0xFFFFFF30];
	v60 =	vmul.f32 v21, v12;
	v22 =	vmul.f32 v61, v16  }
0x185: {  	v52 =	vld [tilespmem:s16+$0xFFFFFF20];
	v1 =	vmul.f32 v1, v32;
	v5 =	vadd.f32 v8, v5;
	v0 =	vmul.f32 v0, v12  }
0x186: {  	v7 =	vadd.f32 v7, v51;
	v2 =	vmul.f32 v2, v32;
	v3 =	vmul.f32 v3, v32;
	v12 =	vld [tilespmem:s16+$0x90]  }
0x187: {  	v21 =	vmul.f32 v50, v16;
	v1 =	vadd.f32 v1, v10;
	v0 =	vadd.f32 v0, v5;
	v5 =	vld [tilespmem:s16+$0xFFFFFF80]  }
0x188: {  	v49 =	vld [tilespmem:s16+$0xFFFFFF90];
	v9 =	vmul.f32 v38, v62;
	v2 =	vadd.f32 v2, v11;
	v3 =	vadd.f32 v3, v7  }
0x189: {  	v50 =	vld [tilespmem:s16+$0xFFFFFE80];
	v32 =	vmul.f32 v39, v19;
	v14 =	vmul.f32 v59, v62;
	v1 =	vadd.f32 v4, v1  }
0x18a: {  	v51 =	vld [tilespmem:s16+$0xFFFFFE90];
	v39 =	vmul.f32 v63, v20;
	v59 =	vadd.f32 v13, v2;
	v61 =	vadd.f32 v60, v3  }
0x18b: {  	v60 =	vmul.f32 v52, v62;
	v62 =	vmul.f32 v54, v62;
	v52 =	vld [tilespmem:s16+$0xFFFFFD80];
	v63 =	vadd.f32 v14, v1  }
0x18c: {  	s17 =	simm.s32 $0x40;
	v58 =	vld [tilespmem:s16+$0xFFFFFD90];
	v0 =	vadd.f32 v9, v0;
	v38 =	vmul.f32 v12, v20;
	v54 =	vmul.f32 v5, v23  }
.LBB2_7:
0x18d: {  	p1 =	sne.s32 s17, $0x1C0;
	v1 =	vld [tilespmem:s16+$0xFFFFFC80];
	v2 =	vadd.f32 v60, v59;
	v3 =	vadd.f32 v62, v61;
	v4 =	vmul.f32 v49, v23  }
0x18e: {  	v5 =	vld [tilespmem:s16+$0xFFFFFC90];
	v6 =	vmul.f32 v50, v31;
	v0 =	vadd.f32 v57, v0;
	v7 =	vadd.f32 v55, v63  }
0x18f: {  	v8 =	vld [tilespmem:s16+$0xFFFFFCA0];
	v9 =	vmul.f32 v51, v31;
	v2 =	vadd.f32 v56, v2;
	v3 =	vadd.f32 v53, v3  }
0x190: {  	v10 =	vld [tilespmem:s16+$0xFFFFFCB0];
	v11 =	vmul.f32 v52, v37;
	v0 =	vadd.f32 v48, v0;
	v7 =	vadd.f32 v45, v7  }
0x191: {  	v12 =	vmul.f32 v58, v37;
	v13 =	vld [tilespmem:s16+$0xFFFFFDA0];
	v2 =	vadd.f32 v47, v2;
	v3 =	vadd.f32 v46, v3  }
0x192: {  	v1 =	vmul.f32 v1, v44;
	v45 =	vld [tilespmem:s16+$0xFFFFFDB0];
	v0 =	vadd.f32 v42, v0;
	v7 =	vadd.f32 v41, v7  }
0x193: {  	v5 =	vmul.f32 v5, v44;
	v41 =	vld [tilespmem:s16+$0xFFFFFEA0];
	v2 =	vadd.f32 v43, v2;
	v3 =	vadd.f32 v40, v3  }
0x194: {  	v8 =	vmul.f32 v8, v44;
	v40 =	vld [tilespmem:s16+$0xFFFFFEB0];
	v49 =	vadd.f32 v35, v0;
	v50 =	vadd.f32 v36, v7  }
0x195: {  	v0 =	vmul.f32 v10, v44;
	v7 =	vld [tilespmem:s16+$0xFFFFFFA0];
	v51 =	vadd.f32 v34, v2;
	v52 =	vadd.f32 v33, v3  }
0x196: {  	v1 =	vadd.f32 v1, v26;
	v2 =	vadd.f32 v5, v28;
	v3 =	vmul.f32 v13, v37;
	v5 =	vld [tilespmem:s16+$0xFFFFFFB0]  }
0x197: {  	v8 =	vadd.f32 v8, v27;
	v0 =	vadd.f32 v0, v29;
	v10 =	vmul.f32 v45, v37;
	v13 =	vld [tilespmem:s16+$0xA0]  }
0x198: {  	v1 =	vadd.f32 v11, v1;
	v2 =	vadd.f32 v12, v2;
	v11 =	vmul.f32 v41, v31;
	v12 =	vld [tilespmem:s16+$0xB0]  }
0x199: {  	v3 =	vadd.f32 v3, v8;
	v0 =	vadd.f32 v10, v0;
	v8 =	vmul.f32 v40, v31;
	v10 =	vld [tilespmem:s16+$0x1A0]  }
0x19a: {  	v1 =	vadd.f32 v6, v1;
	v2 =	vadd.f32 v9, v2;
	v6 =	vmul.f32 v7, v23;
	v7 =	vld [tilespmem:s16+$0x1B0]  }
0x19b: {  	v3 =	vadd.f32 v11, v3;
	v0 =	vadd.f32 v8, v0;
	v5 =	vmul.f32 v5, v23;
	v8 =	vld [tilespmem:s16+$0x2A0]  }
0x19c: {  	v1 =	vadd.f32 v54, v1;
	v2 =	vadd.f32 v4, v2;
	v4 =	vmul.f32 v13, v20;
	v9 =	vld [tilespmem:s16+$0x2B0]  }
0x19d: {  	v3 =	vadd.f32 v6, v3;
	v0 =	vadd.f32 v5, v0;
	v5 =	vmul.f32 v12, v20;
	v6 =	vld [tilespmem:s16+$0x3A0]  }
0x19e: {  	v1 =	vadd.f32 v39, v1;
	v2 =	vadd.f32 v38, v2;
	v10 =	vmul.f32 v10, v19;
	v11 =	vld [tilespmem:s16+$0x3B0];
	s16 =	sadd.s32 $0x800, s16  }
0x19f: {  	v3 =	vadd.f32 v4, v3;
	v12 =	vld [tilespmem:s16+$0x300];
	v0 =	vadd.f32 v5, v0;
	v4 =	vmul.f32 v7, v19  }
0x1a0: {  	v1 =	vadd.f32 v30, v1;
	v2 =	vadd.f32 v32, v2;
	v5 =	vld [tilespmem:s16+$0x310];
	v7 =	vmul.f32 v8, v18  }
0x1a1: {  	v3 =	vadd.f32 v10, v3;
	v8 =	vld [tilespmem:s16+$0x320];
	v0 =	vadd.f32 v4, v0;
	v4 =	vmul.f32 v9, v18  }
0x1a2: {  	v1 =	vadd.f32 v25, v1;
	v2 =	vadd.f32 v24, v2;
	v9 =	vld [tilespmem:s16+$0x330];
	v6 =	vmul.f32 v6, v16  }
0x1a3: {  	v3 =	vadd.f32 v7, v3;
	v10 =	vld [tilespmem:s16+$0x380];
	v0 =	vadd.f32 v4, v0;
	v4 =	vmul.f32 v11, v16  }
0x1a4: {  	v26 =	vadd.f32 v22, v1;
	v28 =	vadd.f32 v21, v2;
	v7 =	vld [tilespmem:s16+$0x390]  }
0x1a5: {  	v27 =	vadd.f32 v6, v3;
	v1 =	vld [tilespmem:s16+$0x200];
	v29 =	vadd.f32 v4, v0  }
0x1a6: {  	v0 =	vld [tilespmem:s16+$0x210]  }
0x1a7: {  	s18 =	sshra.s32 s17, $0x2;
	v2 =	vld [tilespmem:s16+$0x220]  }
0x1a8: {  	v3 =	vld.idx.msk [tilespmem:v17+s18+$0x0 ss:$0x1], $0xffff;
	_ =	sdelay $0x3  }
0x1a9: {  	v14 =	vimm.s32 $0xE  }
0x1aa: {  	v21 =	vperm.xlane v3, v14;
	v14 =	vimm.s32 $0xF  }
0x1ab: {  	v16 =	vperm.xlane v3, v14;
	v14 =	vimm.s32 $0xC  }
0x1ac: {  	v24 =	vperm.xlane v3, v14;
	v14 =	vimm.s32 $0xD  }
0x1ad: {  	v4 =	vld [tilespmem:s16+$0x230];
	v18 =	vperm.xlane v3, v14;
	v14 =	vimm.s32 $0xA  }
0x1ae: {  	v6 =	vld [tilespmem:s16+$0x280];
	v39 =	vperm.xlane v3, v14;
	v14 =	vimm.s32 $0xB  }
0x1af: {  	v11 =	vld [tilespmem:s16+$0x290];
	v19 =	vperm.xlane v3, v14;
	v14 =	vimm.s32 $0x8  }
0x1b0: {  	v13 =	vld [tilespmem:s16+$0x100];
	v54 =	vperm.xlane v3, v14;
	v14 =	vimm.s32 $0x9  }
0x1b1: {  	v30 =	vld [tilespmem:s16+$0x110];
	v20 =	vperm.xlane v3, v14;
	v14 =	vimm.s32 $0x6  }
0x1b2: {  	v32 =	vld [tilespmem:s16+$0x120];
	v58 =	vperm.xlane v3, v14;
	v14 =	vimm.s32 $0x7  }
0x1b3: {  	v38 =	vld [tilespmem:s16+$0x130];
	v23 =	vperm.xlane v3, v14;
	v14 =	vimm.s32 $0x4  }
0x1b4: {  	v53 =	vld [tilespmem:s16+$0x180];
	v59 =	vperm.xlane v3, v14;
	v14 =	vimm.s32 $0x5  }
0x1b5: {  	v55 =	vld [tilespmem:s16+$0x190];
	v31 =	vperm.xlane v3, v14;
	v14 =	vimm.s32 $0x2  }
0x1b6: {  	v56 =	vld [tilespmem:s16+$0x0];
	v61 =	vperm.xlane v3, v14;
	v14 =	vimm.s32 $0x3  }
0x1b7: {  	v60 =	vld [tilespmem:s16+$0x10];
	v37 =	vperm.xlane v3, v14;
	v14 =	vimm.s32 $0x0  }
0x1b8: {  	v62 =	vld [tilespmem:s16+$0x20];
	v63 =	vperm.xlane v3, v14;
	v14 =	vimm.s32 $0x1  }
0x1b9: {  	v44 =	vperm.xlane v3, v14;
	v3 =	vld [tilespmem:s16+$0x30]  }
0x1ba: {  	v35 =	vmul.f32 v12, v21;
	v36 =	vmul.f32 v5, v21;
	v14 =	vld [tilespmem:s16+$0x80]  }
0x1bb: {  	v34 =	vmul.f32 v8, v21;
	v33 =	vmul.f32 v9, v21;
	v5 =	vld [tilespmem:s16+$0x90]  }
0x1bc: {  	v22 =	vmul.f32 v10, v16;
	v21 =	vmul.f32 v7, v16;
	v8 =	vld [tilespmem:s16+$0xFFFFFF00]  }
0x1bd: {  	v42 =	vmul.f32 v1, v24;
	v41 =	vmul.f32 v0, v24;
	v7 =	vld [tilespmem:s16+$0xFFFFFF10]  }
0x1be: {  	v43 =	vmul.f32 v2, v24;
	v40 =	vmul.f32 v4, v24;
	v0 =	vld [tilespmem:s16+$0xFFFFFE00]  }
0x1bf: {  	v25 =	vmul.f32 v6, v18;
	v24 =	vmul.f32 v11, v18;
	v1 =	vld [tilespmem:s16+$0xFFFFFE10]  }
0x1c0: {  	v48 =	vmul.f32 v13, v39;
	v45 =	vmul.f32 v30, v39;
	v2 =	vld [tilespmem:s16+$0xFFFFFD00]  }
0x1c1: {  	v47 =	vmul.f32 v32, v39;
	v46 =	vmul.f32 v38, v39;
	v4 =	vld [tilespmem:s16+$0xFFFFFD10]  }
0x1c2: {  	v30 =	vmul.f32 v53, v19;
	v32 =	vmul.f32 v55, v19;
	v6 =	vld [tilespmem:s16+$0xFFFFFC00]  }
0x1c3: {  	v57 =	vmul.f32 v56, v54;
	v55 =	vmul.f32 v60, v54;
	v9 =	vld [tilespmem:s16+$0xFFFFFC10]  }
0x1c4: {  	v56 =	vmul.f32 v62, v54;
	v53 =	vmul.f32 v3, v54;
	v10 =	vld [tilespmem:s16+$0xFFFFFC20]  }
0x1c5: {  	v39 =	vmul.f32 v14, v20;
	v38 =	vmul.f32 v5, v20;
	v3 =	vld [tilespmem:s16+$0xFFFFFC30]  }
0x1c6: {  	v8 =	vmul.f32 v8, v58;
	v7 =	vmul.f32 v7, v58;
	v5 =	vld [tilespmem:s16+$0xFFFFFD20]  }
0x1c7: {  	v0 =	vmul.f32 v0, v59;
	v1 =	vmul.f32 v1, v59;
	v11 =	vld [tilespmem:s16+$0xFFFFFD30]  }
0x1c8: {  	v2 =	vmul.f32 v2, v61;
	v4 =	vmul.f32 v4, v61;
	v12 =	vld [tilespmem:s16+$0xFFFFFE20]  }
0x1c9: {  	v6 =	vmul.f32 v6, v63;
	v9 =	vmul.f32 v9, v63;
	v13 =	vld [tilespmem:s16+$0xFFFFFE30]  }
0x1ca: {  	v10 =	vmul.f32 v10, v63;
	v3 =	vmul.f32 v3, v63;
	v14 =	vld [tilespmem:s16+$0xFFFFFF20]  }
0x1cb: {  	v6 =	vadd.f32 v6, v49;
	v9 =	vadd.f32 v9, v50;
	v5 =	vmul.f32 v5, v61;
	v54 =	vld [tilespmem:s16+$0xFFFFFF30]  }
0x1cc: {  	v10 =	vadd.f32 v10, v51;
	v3 =	vadd.f32 v3, v52;
	v11 =	vmul.f32 v11, v61;
	v15 =	vld [tilespmem:s16+$0xFFFFFF80]  }
.Ltmp4:
0x1cd: {  	v2 =	vadd.f32 v2, v6;
	v4 =	vadd.f32 v4, v9;
	v6 =	vmul.f32 v12, v59;
	v49 =	vld [tilespmem:s16+$0xFFFFFF90];
	(pc) =	sbr.rel @p1 .LBB2_7-.Ltmp4, $4  }
0x1ce: {  	v5 =	vadd.f32 v5, v10;
	v3 =	vadd.f32 v11, v3;
	v9 =	vmul.f32 v13, v59;
	v50 =	vld [tilespmem:s16+$0xFFFFFE80]  }
0x1cf: {  	v0 =	vadd.f32 v0, v2;
	v1 =	vadd.f32 v1, v4;
	v51 =	vld [tilespmem:s16+$0xFFFFFE90];
	v60 =	vmul.f32 v14, v58  }
0x1d0: {  	v59 =	vadd.f32 v6, v5;
	v52 =	vld [tilespmem:s16+$0xFFFFFD80];
	v61 =	vadd.f32 v9, v3;
	v62 =	vmul.f32 v54, v58  }
0x1d1: {  	s17 =	sadd.s32 $0x40, s17;
	v0 =	vadd.f32 v8, v0;
	v63 =	vadd.f32 v7, v1;
	v58 =	vld [tilespmem:s16+$0xFFFFFD90];
	v54 =	vmul.f32 v15, v23  }
0x1d2: {  	v1 =	vld [tilespmem:s16+$0xFFFFFC80]  }
0x1d3: {  	v2 =	vld [tilespmem:s16+$0xFFFFFC90]  }
0x1d4: {  	v13 =	vld [tilespmem:s16+$0x2A0]  }
0x1d5: {  	v3 =	vld [tilespmem:s16+$0xFFFFFCA0]  }
0x1d6: {  	v4 =	vld [tilespmem:s16+$0xFFFFFCB0]  }
0x1d7: {  	v5 =	vld [tilespmem:s16+$0xFFFFFDA0]  }
0x1d8: {  	v6 =	vld [tilespmem:s16+$0xFFFFFDB0]  }
0x1d9: {  	[tilespmem:$0x1FEA0] =	vst v13;
	v13 =	vld [tilespmem:s16+$0x2B0]  }
0x1da: {  	v7 =	vld [tilespmem:s16+$0xFFFFFEA0]  }
0x1db: {  	v8 =	vld [tilespmem:s16+$0xFFFFFEB0]  }
0x1dc: {  	v9 =	vld [tilespmem:s16+$0xFFFFFFA0]  }
0x1dd: {  	v10 =	vld [tilespmem:s16+$0xFFFFFFB0];
	v17 =	vadd.f32 v60, v59  }
0x1de: {  	[tilespmem:$0x1FEB0] =	vst v13;
	v13 =	vld [tilespmem:s16+$0x3A0]  }
0x1df: {  	v11 =	vld [tilespmem:s16+$0xA0];
	v62 =	vadd.f32 v62, v61;
	v17 =	vadd.f32 v56, v17  }
0x1e0: {  	v12 =	vld [tilespmem:s16+$0xB0];
	s17 =	sadd.s32 @!p0 s15, s11;
	v0 =	vadd.f32 v57, v0;
	v55 =	vadd.f32 v55, v63  }
0x1e1: {  	v15 =	vld [tilespmem:s16+$0x1A0];
	s17 =	sshrl.u32 @!p0 s17, $0x3;
	v53 =	vadd.f32 v53, v62;
	v17 =	vadd.f32 v47, v17  }
0x1e2: {  	v14 =	vld [tilespmem:s16+$0x1B0];
	s18 =	simm.s32 @!p0 $0x0;
	s25 =	simm.s32 @!p0 $0x8000;
	s17 =	sadd.s32 @!p0 s3, s17;
	v0 =	vadd.f32 v48, v0;
	v45 =	vadd.f32 v45, v55  }
0x1e3: {  	v46 =	vadd.f32 v46, v53;
	v53 =	vadd.f32 v43, v17;
	[tilespmem:$0x1FEC0] =	vst v13;
	v13 =	vld [tilespmem:s16+$0x3B0];
	[tilespmem:s25], [sflag:$0x3] =	stream.linear.gather @!p0 [hbm4b:s17+s18], $0x4000, $0x38  }
0x1e4: {  	v0 =	vadd.f32 v42, v0;
	v1 =	vmul.f32 v1, v44;
	v2 =	vmul.f32 v2, v44;
	_ =	swait.ge [sflag:s24], $0x4000  }
0x1e5: {  	v3 =	vmul.f32 v3, v44;
	v4 =	vmul.f32 v4, v44;
	v44 =	vadd.f32 v34, v53;
	[sflag:s24] =	ssyncset.done $0x0;
	v34 =	vld [tilespmem:$0x1FEA0]  }
0x1e6: {  	v56 =	vmul.f32 v50, v31;
	v57 =	vmul.f32 v51, v31;
	v0 =	vadd.f32 v35, v0;
	s16 =	simm.s32 $0xC400;
	v35 =	vld [tilespmem:$0x1FEC0];
	[sflag:s24] =	ssyncadd.s32 $0xFFFFC000  }
0x1e7: {  	v55 =	vmul.f32 v49, v23;
	v59 =	vmul.f32 v52, v37;
	v41 =	vadd.f32 v41, v45;
	v47 =	vld [tilespmem:s16+$0x300]  }
0x1e8: {  	v60 =	vmul.f32 v58, v37;
	v5 =	vmul.f32 v5, v37;
	v40 =	vadd.f32 v40, v46;
	v48 =	vld [tilespmem:s16+$0x310]  }
0x1e9: {  	v6 =	vmul.f32 v6, v37;
	v46 =	vadd.f32 v36, v41;
	v1 =	vadd.f32 v1, v26;
	v43 =	vld [tilespmem:s16+$0x320]  }
0x1ea: {  	v7 =	vmul.f32 v7, v31;
	v2 =	vadd.f32 v2, v28;
	v3 =	vadd.f32 v3, v27;
	v45 =	vld [tilespmem:s16+$0x330]  }
0x1eb: {  	v17 =	vmov s0;
	v4 =	vadd.f32 v4, v29;
	v33 =	vadd.f32 v33, v40;
	v36 =	vld [tilespmem:s16+$0x380]  }
0x1ec: {  	v61 =	vmul.f32 v8, v31;
	v1 =	vadd.f32 v59, v1;
	v2 =	vadd.f32 v60, v2;
	v42 =	vld [tilespmem:s16+$0x390]  }
0x1ed: {  	v62 =	vmul.f32 v9, v23;
	v3 =	vadd.f32 v5, v3;
	v4 =	vadd.f32 v6, v4;
	v40 =	vld [tilespmem:s16+$0x200]  }
0x1ee: {  	v63 =	vmul.f32 v10, v23;
	v1 =	vadd.f32 v56, v1;
	v2 =	vadd.f32 v57, v2;
	v26 =	vld [tilespmem:s16+$0x210]  }
0x1ef: {  	v10 =	vmul.f32 v11, v20;
	v3 =	vadd.f32 v7, v3;
	v4 =	vadd.f32 v61, v4;
	s25 =	simm.s32 $0x0;
	v28 =	vld [tilespmem:s16+$0x220]  }
0x1f0: {  	v11 =	vmul.f32 v12, v20;
	v1 =	vadd.f32 v54, v1;
	v2 =	vadd.f32 v55, v2;
	v29 =	vld.idx.msk [tilespmem:v17+s25+$0x0 ss:$0x1], $0xffff  }
0x1f1: {  	v15 =	vmul.f32 v15, v19;
	v3 =	vadd.f32 v62, v3;
	v4 =	vadd.f32 v63, v4;
	v27 =	vld [tilespmem:s16+$0x230]  }
0x1f2: {  	v14 =	vmul.f32 v14, v19;
	v1 =	vadd.f32 v39, v1;
	v2 =	vadd.f32 v38, v2;
	[tilespmem:$0x1FE90] =	vst v17;
	v17 =	vld [tilespmem:$0x1FEB0]  }
0x1f3: {  	v41 =	vimm.s32 $0x8;
	v3 =	vadd.f32 v10, v3;
	v4 =	vadd.f32 v11, v4;
	v6 =	vld [tilespmem:s16+$0x280]  }
0x1f4: {  	v38 =	vimm.s32 $0xA;
	v1 =	vadd.f32 v30, v1;
	v2 =	vadd.f32 v32, v2;
	v12 =	vld [tilespmem:s16+$0x110]  }
0x1f5: {  	v3 =	vadd.f32 v15, v3;
	v4 =	vadd.f32 v14, v4;
	v37 =	vld [tilespmem:s16+$0x120];
	v13 =	vmul.f32 v13, v16  }
0x1f6: {  	v50 =	vld [tilespmem:s16+$0x130];
	v8 =	vmul.f32 v34, v18;
	v5 =	vmul.f32 v35, v16;
	v16 =	vimm.s32 $0xE  }
0x1f7: {  	v53 =	vld [tilespmem:s16+$0x0];
	v49 =	vmul.f32 v17, v18;
	v39 =	vperm.xlane v29, v16;
	v16 =	vimm.s32 $0xF  }
0x1f8: {  	v54 =	vld [tilespmem:s16+$0x10];
	v17 =	vimm.s32 $0xC;
	v10 =	vperm.xlane v29, v38;
	v11 =	vperm.xlane v29, v41  }
0x1f9: {  	v58 =	vld [tilespmem:s16+$0x20];
	v16 =	vperm.xlane v29, v16;
	v51 =	vperm.xlane v29, v17;
	v17 =	vimm.s32 $0xD  }
0x1fa: {  	v30 =	vld [tilespmem:s16+$0x30];
	v1 =	vadd.f32 v25, v1;
	v18 =	vperm.xlane v29, v17;
	v34 =	vmul.f32 v47, v39  }
0x1fb: {  	v9 =	vld [tilespmem:s16+$0x290];
	v2 =	vadd.f32 v24, v2;
	v35 =	vmul.f32 v48, v39;
	v31 =	vmul.f32 v43, v39  }
0x1fc: {  	v7 =	vld [tilespmem:s16+$0x100];
	v22 =	vadd.f32 v22, v1;
	v32 =	vmul.f32 v45, v39;
	v52 =	vmul.f32 v12, v10  }
0x1fd: {  	v57 =	vld [tilespmem:s16+$0x180];
	v4 =	vadd.f32 v49, v4;
	v49 =	vmul.f32 v37, v10;
	v50 =	vmul.f32 v50, v10  }
0x1fe: {  	v61 =	vld [tilespmem:s16+$0x190];
	v25 =	vadd.f32 v21, v2;
	v55 =	vmul.f32 v53, v11;
	v56 =	vmul.f32 v54, v11  }
0x1ff: {  	v24 =	vld [tilespmem:s16+$0xFFFFFC20];
	v17 =	vimm.s32 $0xB;
	v53 =	vmul.f32 v58, v11;
	v54 =	vmul.f32 v30, v11  }
0x200: {  	v1 =	vld [tilespmem:s16+$0xFFFFFD10];
	v3 =	vadd.f32 v8, v3;
	v19 =	vperm.xlane v29, v17;
	v40 =	vmul.f32 v40, v51  }
0x201: {  	v2 =	vld [tilespmem:s16+$0xFFFFFD20];
	v17 =	vimm.s32 $0x9;
	v41 =	vmul.f32 v26, v51;
	v38 =	vmul.f32 v28, v51  }
0x202: {  	v37 =	vld [tilespmem:s16+$0xFFFFFD00];
	v39 =	vmul.f32 v27, v51;
	v20 =	vperm.xlane v29, v17;
	v17 =	vimm.s32 $0x6  }
0x203: {  	v45 =	vld [tilespmem:s16+$0xFFFFFC00];
	v51 =	vmul.f32 v7, v10;
	v62 =	vperm.xlane v29, v17;
	v17 =	vimm.s32 $0x7  }
0x204: {  	v26 =	vadd.f32 v5, v3;
	v3 =	vld [tilespmem:s16+$0xFFFFFD30];
	v23 =	vperm.xlane v29, v17;
	v17 =	vimm.s32 $0x2  }
0x205: {  	v47 =	vld [tilespmem:s16+$0xFFFFFC10];
	v21 =	vmul.f32 v36, v16;
	v59 =	vperm.xlane v29, v17  }
0x206: {  	v12 =	vld [tilespmem:s16+$0xFFFFFC30];
	v28 =	vmul.f32 v6, v18;
	v36 =	vmul.f32 v61, v19;
	v17 =	vimm.s32 $0x0  }
0x207: {  	v63 =	vld [tilespmem:s16+$0x80];
	v60 =	vperm.xlane v29, v17;
	v8 =	vmul.f32 v37, v59  }
0x208: {  	v15 =	vld [tilespmem:s16+$0xFFFFFE00];
	v17 =	vimm.s32 $0x3;
	v1 =	vmul.f32 v1, v59;
	v2 =	vmul.f32 v2, v59  }
0x209: {  	v27 =	vadd.f32 v13, v4;
	v4 =	vld [tilespmem:s16+$0xFFFFFE10];
	v3 =	vmul.f32 v3, v59;
	v37 =	vperm.xlane v29, v17  }
0x20a: {  	v13 =	vld [tilespmem:s16+$0xFFFFFF80];
	v45 =	vmul.f32 v45, v60;
	v48 =	vmul.f32 v24, v60  }
0x20b: {  	v58 =	vimm.s32 $0x4;
	v47 =	vmul.f32 v47, v60;
	v7 =	vmul.f32 v12, v60;
	v60 =	vld [tilespmem:s16+$0xFFFFFE20]  }
0x20c: {  	v17 =	vimm.s32 $0x1;
	v12 =	vperm.xlane v29, v58;
	v11 =	vadd.f32 v48, v44;
	v48 =	vld [tilespmem:s16+$0xFFFFFE30]  }
0x20d: {  	v59 =	vld [tilespmem:s16+$0xFFFFFF10];
	v24 =	vmul.f32 v42, v16;
	v42 =	vmul.f32 v63, v20;
	v0 =	vadd.f32 v45, v0  }
0x20e: {  	v58 =	vld [tilespmem:s16+$0xFFFFFF00];
	v10 =	vadd.f32 v47, v46;
	v47 =	vimm.s32 $0x5;
	v44 =	vperm.xlane v29, v17  }
0x20f: {  	v43 =	vld [tilespmem:s16+$0xFFFFFF30];
	v7 =	vadd.f32 v7, v33;
	v15 =	vmul.f32 v15, v12;
	v4 =	vmul.f32 v4, v12  }
0x210: {  	v33 =	vmul.f32 v57, v19;
	v57 =	vmul.f32 v13, v23;
	v1 =	vadd.f32 v1, v10;
	v10 =	vld [tilespmem:s16+$0xFFFFFF20]  }
0x211: {  	v0 =	vadd.f32 v8, v0;
	v5 =	vmul.f32 v60, v12;
	v60 =	vmul.f32 v48, v12;
	v12 =	vld [tilespmem:s16+$0x90]  }
0x212: {  	v45 =	vld [tilespmem:s16+$0xFFFFFF90];
	v30 =	vperm.xlane v29, v47;
	v2 =	vadd.f32 v2, v11;
	v8 =	vmul.f32 v59, v62  }
0x213: {  	v46 =	vld [tilespmem:s16+$0xFFFFFD80];
	v14 =	vmul.f32 v58, v62;
	v0 =	vadd.f32 v15, v0;
	v1 =	vadd.f32 v4, v1  }
0x214: {  	v29 =	vmul.f32 v9, v18;
	v47 =	vld [tilespmem:s16+$0xFFFFFE90];
	v3 =	vadd.f32 v3, v7;
	v58 =	vadd.f32 v5, v2  }
0x215: {  	v48 =	vld [tilespmem:s16+$0xFFFFFE80];
	v61 =	vadd.f32 v14, v0;
	v63 =	vadd.f32 v8, v1;
	v59 =	vmul.f32 v10, v62  }
0x216: {  	s17 =	simm.s32 $0x40;
	v0 =	vld [tilespmem:s16+$0xFFFFFD90];
	v60 =	vadd.f32 v60, v3;
	v62 =	vmul.f32 v43, v62;
	v43 =	vmul.f32 v12, v20  }
.LBB2_9:
0x217: {  	_ = 	snop  }
0x218: {  	v1 =	vld [tilespmem:s16+$0xFFFFFC80];
	v2 =	vadd.f32 v59, v58;
	v3 =	vadd.f32 v62, v60  }
0x219: {  	v9 =	vld [tilespmem:s16+$0xFFFFFCA0];
	v7 =	vadd.f32 v55, v61  }
0x21a: {  	v11 =	vld [tilespmem:s16+$0xFFFFFCB0];
	v2 =	vadd.f32 v53, v2;
	v3 =	vadd.f32 v54, v3  }
0x21b: {  	v5 =	vld [tilespmem:s16+$0xFFFFFC90];
	v7 =	vadd.f32 v51, v7;
	v4 =	vmul.f32 v45, v23;
	v6 =	vmul.f32 v48, v30  }
0x21c: {  	v14 =	vld [tilespmem:s16+$0xFFFFFDB0];
	v10 =	vmul.f32 v47, v30;
	v12 =	vmul.f32 v46, v37;
	v2 =	vadd.f32 v49, v2  }
0x21d: {  	v13 =	vld [tilespmem:s16+$0xFFFFFDA0];
	v0 =	vmul.f32 v0, v37;
	v3 =	vadd.f32 v50, v3;
	v7 =	vadd.f32 v40, v7  }
0x21e: {  	v54 =	vld [tilespmem:s16+$0xFFFFFEB0];
	v1 =	vmul.f32 v1, v44;
	v9 =	vmul.f32 v9, v44;
	v2 =	vadd.f32 v38, v2  }
0x21f: {  	v15 =	vld [tilespmem:s16+$0xFFFFFEA0];
	v55 =	vmul.f32 v11, v44;
	v3 =	vadd.f32 v39, v3;
	v45 =	vadd.f32 v34, v7  }
0x220: {  	v5 =	vmul.f32 v5, v44;
	v1 =	vadd.f32 v1, v22;
	v9 =	vadd.f32 v9, v26  }
0x221: {  	v58 =	vld [tilespmem:s16+$0xFFFFFFB0];
	v59 =	vmul.f32 v14, v37;
	v7 =	vadd.f32 v55, v27;
	v47 =	vadd.f32 v31, v2  }
0x222: {  	v48 =	vadd.f32 v32, v3;
	v2 =	vadd.f32 v5, v25;
	v3 =	vmul.f32 v13, v37  }
0x223: {  	v61 =	vld [tilespmem:s16+$0xB0];
	v62 =	vmul.f32 v54, v30;
	v1 =	vadd.f32 v12, v1;
	v7 =	vadd.f32 v59, v7  }
0x224: {  	v0 =	vadd.f32 v0, v2;
	v2 =	vmul.f32 v15, v30;
	v3 =	vadd.f32 v3, v9  }
0x225: {  	v8 =	vadd.f32 v56, v63;
	v32 =	vld [tilespmem:s16+$0x1B0];
	v1 =	vadd.f32 v6, v1  }
0x226: {  	v56 =	vld [tilespmem:s16+$0xFFFFFFA0];
	v5 =	vmul.f32 v58, v23;
	v2 =	vadd.f32 v2, v3;
	v3 =	vadd.f32 v62, v7  }
0x227: {  	v8 =	vadd.f32 v52, v8;
	v37 =	vld [tilespmem:s16+$0x2B0];
	v0 =	vadd.f32 v10, v0  }
0x228: {  	v60 =	vld [tilespmem:s16+$0xA0];
	v38 =	vmul.f32 v61, v20;
	v1 =	vadd.f32 v57, v1;
	v3 =	vadd.f32 v5, v3  }
0x229: {  	v8 =	vadd.f32 v41, v8;
	v41 =	vld [tilespmem:s16+$0x3B0];
	v0 =	vadd.f32 v4, v0  }
0x22a: {  	v63 =	vld [tilespmem:s16+$0x1A0];
	v1 =	vadd.f32 v42, v1;
	v42 =	vmul.f32 v32, v19;
	v3 =	vadd.f32 v38, v3  }
0x22b: {  	v34 =	vld [tilespmem:s16+$0x2A0]  }
0x22c: {  	v39 =	vld [tilespmem:s16+$0x3A0];
	s16 =	sadd.s32 $0x800, s16;
	v0 =	vadd.f32 v43, v0;
	v43 =	vmul.f32 v37, v18;
	v3 =	vadd.f32 v42, v3  }
0x22d: {  	v12 =	vld [tilespmem:s16+$0x300]  }
0x22e: {  	v46 =	vadd.f32 v35, v8;
	v8 =	vld [tilespmem:s16+$0x320];
	v44 =	vmul.f32 v41, v16;
	v3 =	vadd.f32 v43, v3  }
0x22f: {  	v49 =	vld [tilespmem:s16+$0x290]  }
0x230: {  	v27 =	vadd.f32 v44, v3;
	v3 =	vld [tilespmem:$0x1FE90]  }
0x231: {  	v50 =	vld [tilespmem:s16+$0x100]  }
0x232: {  	v53 =	vld [tilespmem:s16+$0x190]  }
0x233: {  	v14 =	vmul.f32 v56, v23;
	v54 =	vld [tilespmem:s16+$0x0]  }
0x234: {  	v56 =	vld [tilespmem:s16+$0x10]  }
0x235: {  	v35 =	vmul.f32 v60, v20;
	v60 =	vld [tilespmem:s16+$0x20];
	v2 =	vadd.f32 v14, v2  }
0x236: {  	v40 =	vmul.f32 v63, v19;
	v63 =	vld [tilespmem:s16+$0xFFFFFF00]  }
0x237: {  	s18 =	sshra.s32 s17, $0x2;
	v9 =	vld [tilespmem:s16+$0x330];
	v2 =	vadd.f32 v35, v2  }
0x238: {  	v1 =	vadd.f32 v33, v1;
	v0 =	vadd.f32 v36, v0;
	v3 =	vld.idx.msk [tilespmem:v3+s18+$0x0 ss:$0x1], $0xffff  }
0x239: {  	v15 =	vld [tilespmem:s16+$0x120];
	v7 =	vmul.f32 v34, v18;
	v2 =	vadd.f32 v40, v2  }
0x23a: {  	v10 =	vld [tilespmem:s16+$0x380];
	v1 =	vadd.f32 v28, v1;
	v0 =	vadd.f32 v29, v0  }
0x23b: {  	v17 =	vimm.s32 $0xC;
	v6 =	vmul.f32 v39, v16;
	v5 =	vld [tilespmem:s16+$0x310];
	v2 =	vadd.f32 v7, v2  }
0x23c: {  	v16 =	vimm.s32 $0xE;
	v62 =	vld [tilespmem:s16+$0x80];
	v22 =	vadd.f32 v21, v1;
	v25 =	vadd.f32 v24, v0  }
0x23d: {  	v4 =	vld [tilespmem:s16+$0x230];
	v21 =	vperm.xlane v3, v16;
	v28 =	vperm.xlane v3, v17;
	v17 =	vimm.s32 $0xD  }
0x23e: {  	v0 =	vld [tilespmem:s16+$0x200];
	v16 =	vimm.s32 $0xF;
	v18 =	vperm.xlane v3, v17;
	v17 =	vimm.s32 $0xA  }
0x23f: {  	v1 =	vld [tilespmem:s16+$0x210];
	v26 =	vadd.f32 v6, v2;
	v16 =	vperm.xlane v3, v16;
	v36 =	vperm.xlane v3, v17  }
0x240: {  	v2 =	vld [tilespmem:s16+$0x220];
	v17 =	vimm.s32 $0xB;
	v34 =	vmul.f32 v12, v21;
	v35 =	vmul.f32 v5, v21  }
0x241: {  	v14 =	vld [tilespmem:s16+$0x110];
	v31 =	vmul.f32 v8, v21;
	v19 =	vperm.xlane v3, v17;
	v17 =	vimm.s32 $0x8  }
0x242: {  	v33 =	vld [tilespmem:s16+$0x130];
	v32 =	vmul.f32 v9, v21;
	v43 =	vperm.xlane v3, v17;
	v17 =	vimm.s32 $0x9  }
0x243: {  	v7 =	vld [tilespmem:s16+$0x390];
	v40 =	vmul.f32 v0, v28;
	v20 =	vperm.xlane v3, v17;
	v17 =	vimm.s32 $0x6  }
0x244: {  	v6 =	vld [tilespmem:s16+$0x280];
	v41 =	vmul.f32 v1, v28;
	v57 =	vperm.xlane v3, v17;
	v17 =	vimm.s32 $0x7  }
0x245: {  	v42 =	vld [tilespmem:s16+$0x180];
	v38 =	vmul.f32 v2, v28;
	v23 =	vperm.xlane v3, v17;
	v17 =	vimm.s32 $0x4  }
0x246: {  	v5 =	vld [tilespmem:s16+$0x90];
	v39 =	vmul.f32 v4, v28;
	v58 =	vperm.xlane v3, v17;
	v17 =	vimm.s32 $0x5  }
0x247: {  	v12 =	vld [tilespmem:s16+$0xFFFFFF10];
	v21 =	vmul.f32 v10, v16;
	v30 =	vperm.xlane v3, v17;
	v17 =	vimm.s32 $0x2  }
0x248: {  	v0 =	vld [tilespmem:s16+$0xFFFFFE00];
	v24 =	vmul.f32 v7, v16;
	v59 =	vperm.xlane v3, v17;
	v17 =	vimm.s32 $0x3  }
0x249: {  	v1 =	vld [tilespmem:s16+$0xFFFFFE10];
	v28 =	vmul.f32 v6, v18;
	v37 =	vperm.xlane v3, v17;
	v17 =	vimm.s32 $0x0  }
0x24a: {  	v2 =	vld [tilespmem:s16+$0xFFFFFD00];
	v29 =	vmul.f32 v49, v18;
	v61 =	vperm.xlane v3, v17;
	v17 =	vimm.s32 $0x1  }
0x24b: {  	v51 =	vmul.f32 v50, v36;
	v44 =	vperm.xlane v3, v17;
	v3 =	vld [tilespmem:s16+$0x30]  }
0x24c: {  	v9 =	vld [tilespmem:s16+$0xFFFFFC10];
	v52 =	vmul.f32 v14, v36;
	v49 =	vmul.f32 v15, v36  }
0x24d: {  	v6 =	vld [tilespmem:s16+$0xFFFFFC00];
	v50 =	vmul.f32 v33, v36;
	v33 =	vmul.f32 v42, v19  }
0x24e: {  	v10 =	vld [tilespmem:s16+$0xFFFFFC20];
	v36 =	vmul.f32 v53, v19;
	v55 =	vmul.f32 v54, v43  }
0x24f: {  	v14 =	vld [tilespmem:s16+$0xFFFFFD10];
	v56 =	vmul.f32 v56, v43;
	v53 =	vmul.f32 v60, v43  }
0x250: {  	v42 =	vmul.f32 v62, v20;
	v54 =	vmul.f32 v3, v43;
	v3 =	vld [tilespmem:s16+$0xFFFFFC30]  }
0x251: {  	v8 =	vmul.f32 v63, v57;
	v43 =	vmul.f32 v5, v20;
	v5 =	vld [tilespmem:s16+$0xFFFFFD20]  }
0x252: {  	v62 =	vld [tilespmem:s16+$0xFFFFFD30];
	v0 =	vmul.f32 v0, v58;
	v1 =	vmul.f32 v1, v58  }
0x253: {  	v63 =	vld [tilespmem:s16+$0xFFFFFE20];
	v6 =	vmul.f32 v6, v61;
	v9 =	vmul.f32 v9, v61  }
0x254: {  	v15 =	vld [tilespmem:s16+$0xFFFFFF30];
	v2 =	vmul.f32 v2, v59;
	v10 =	vmul.f32 v10, v61  }
0x255: {  	v60 =	vld [tilespmem:s16+$0xFFFFFE30];
	v4 =	vmul.f32 v14, v59;
	v6 =	vadd.f32 v6, v45;
	v9 =	vadd.f32 v9, v46  }
0x256: {  	v10 =	vadd.f32 v10, v47;
	v3 =	vmul.f32 v3, v61;
	v61 =	vld [tilespmem:s16+$0xFFFFFF20];
	v5 =	vmul.f32 v5, v59  }
0x257: {  	p1 =	sne.s32 s17, $0x1C0;
	v11 =	vmul.f32 v62, v59;
	v17 =	vld [tilespmem:s16+$0xFFFFFF80];
	v2 =	vadd.f32 v2, v6;
	v4 =	vadd.f32 v4, v9  }
.Ltmp5:
0x258: {  	v62 =	vmul.f32 v63, v58;
	v45 =	vld [tilespmem:s16+$0xFFFFFF90];
	v3 =	vadd.f32 v3, v48;
	v5 =	vadd.f32 v5, v10;
	(pc) =	sbr.rel @p1 .LBB2_9-.Ltmp5, $4  }
0x259: {  	v7 =	vmul.f32 v12, v57;
	v47 =	vld [tilespmem:s16+$0xFFFFFE90];
	v2 =	vadd.f32 v0, v2;
	v1 =	vadd.f32 v1, v4  }
0x25a: {  	v63 =	vmul.f32 v60, v58;
	v46 =	vld [tilespmem:s16+$0xFFFFFD80];
	v3 =	vadd.f32 v11, v3;
	v58 =	vadd.f32 v62, v5  }
0x25b: {  	v0 =	vld [tilespmem:s16+$0xFFFFFD90];
	v62 =	vmul.f32 v15, v57;
	v59 =	vmul.f32 v61, v57;
	v61 =	vadd.f32 v8, v2  }
0x25c: {  	s17 =	sadd.s32 $0x40, s17;
	v48 =	vld [tilespmem:s16+$0xFFFFFE80];
	v57 =	vmul.f32 v17, v23;
	v60 =	vadd.f32 v63, v3;
	v63 =	vadd.f32 v7, v1  }
0x25d: {  	_ = 	snop  }
0x25e: {  	v1 =	vld [tilespmem:s16+$0xFFFFFC80];
	v2 =	vadd.f32 v59, v58;
	v4 =	vmul.f32 v45, v23;
	v3 =	vadd.f32 v62, v60  }
0x25f: {  	v7 =	vadd.f32 v55, v61;
	v9 =	vld [tilespmem:s16+$0xFFFFFCA0];
	v8 =	vadd.f32 v56, v63;
	v10 =	vmul.f32 v47, v30  }
0x260: {  	v11 =	vld [tilespmem:s16+$0xFFFFFCB0];
	v2 =	vadd.f32 v53, v2;
	v12 =	vmul.f32 v46, v37;
	v3 =	vadd.f32 v54, v3  }
0x261: {  	v5 =	vld [tilespmem:s16+$0xFFFFFC90];
	v7 =	vadd.f32 v51, v7;
	v8 =	vadd.f32 v52, v8;
	v0 =	vmul.f32 v0, v37  }
0x262: {  	v13 =	vld [tilespmem:s16+$0xFFFFFDA0];
	v6 =	vmul.f32 v48, v30;
	v2 =	vadd.f32 v49, v2;
	v3 =	vadd.f32 v50, v3  }
0x263: {  	v14 =	vld [tilespmem:s16+$0xFFFFFDB0];
	v7 =	vadd.f32 v40, v7;
	v1 =	vmul.f32 v1, v44;
	v8 =	vadd.f32 v41, v8  }
0x264: {  	v15 =	vld [tilespmem:s16+$0xFFFFFEA0];
	v9 =	vmul.f32 v9, v44;
	v2 =	vadd.f32 v38, v2;
	v3 =	vadd.f32 v39, v3  }
0x265: {  	v17 =	vld [tilespmem:s16+$0xFFFFFEB0];
	v62 =	vmul.f32 v11, v44;
	v39 =	vadd.f32 v34, v7;
	v38 =	vadd.f32 v35, v8  }
0x266: {  	v63 =	vld [tilespmem:s16+$0xFFFFFFA0];
	v5 =	vmul.f32 v5, v44;
	v1 =	vadd.f32 v1, v22;
	v9 =	vadd.f32 v9, v26  }
0x267: {  	v40 =	vld [tilespmem:s16+$0xFFFFFFB0];
	v34 =	vmul.f32 v13, v37;
	v7 =	vadd.f32 v62, v27;
	v35 =	vadd.f32 v31, v2  }
0x268: {  	v41 =	vmul.f32 v14, v37;
	v44 =	vld [tilespmem:s16+$0xA0];
	v50 =	vadd.f32 v32, v3;
	v32 =	vadd.f32 v5, v25  }
0x269: {  	v46 =	vld [tilespmem:s16+$0xB0];
	v45 =	vmul.f32 v15, v30;
	v1 =	vadd.f32 v12, v1;
	v3 =	vadd.f32 v34, v9  }
0x26a: {  	v48 =	vld [tilespmem:s16+$0x1A0];
	v47 =	vmul.f32 v17, v30;
	v7 =	vadd.f32 v41, v7;
	v0 =	vadd.f32 v0, v32  }
0x26b: {  	v51 =	vld [tilespmem:s16+$0x1B0];
	v49 =	vmul.f32 v63, v23;
	v1 =	vadd.f32 v6, v1;
	v2 =	vadd.f32 v45, v3  }
0x26c: {  	v53 =	vld [tilespmem:s16+$0x2A0];
	v5 =	vmul.f32 v40, v23;
	v52 =	vadd.f32 v47, v7;
	v0 =	vadd.f32 v10, v0  }
0x26d: {  	v55 =	vld [tilespmem:s16+$0x2B0];
	v54 =	vmul.f32 v44, v20;
	v1 =	vadd.f32 v57, v1;
	v2 =	vadd.f32 v49, v2  }
0x26e: {  	v56 =	vmul.f32 v46, v20;
	v3 =	vadd.f32 v5, v52;
	v57 =	vld [tilespmem:s16+$0x3A0];
	v0 =	vadd.f32 v4, v0  }
0x26f: {  	v59 =	vld [tilespmem:s16+$0x3B0];
	v58 =	vmul.f32 v48, v19;
	v1 =	vadd.f32 v42, v1;
	v2 =	vadd.f32 v54, v2  }
0x270: {  	v60 =	vmul.f32 v51, v19;
	v3 =	vadd.f32 v56, v3;
	v0 =	vadd.f32 v43, v0  }
0x271: {  	v61 =	vmul.f32 v53, v18;
	v1 =	vadd.f32 v33, v1;
	v2 =	vadd.f32 v58, v2  }
.Ltmp6:
0x272: {  	v62 =	vmul.f32 v55, v18;
	v3 =	vadd.f32 v60, v3;
	v0 =	vadd.f32 v36, v0;
	(pc) =	sbr.rel @p0 .LBB2_12-.Ltmp6, $4  }
0x273: {  	v6 =	vmul.f32 v57, v16;
	v1 =	vadd.f32 v28, v1;
	v2 =	vadd.f32 v61, v2  }
0x274: {  	v63 =	vmul.f32 v59, v16;
	v3 =	vadd.f32 v62, v3;
	v0 =	vadd.f32 v29, v0  }
0x275: {  	v22 =	vadd.f32 v21, v1;
	v19 =	vadd.f32 v6, v2  }
0x276: {  	v18 =	vadd.f32 v63, v3;
	v21 =	vadd.f32 v24, v0  }
.Ltmp7:
0x277: {  	v14 =	vimm.s32 $0x0;
	v15 =	vimm.s32 $0x1;
	v12 =	vimm.s32 $0x2;
	(pc) =	sbr.rel .LBB2_2-.Ltmp7, $4  }
0x278: {  	s15 =	sadd.s32 s15, s12;
	s1 =	sadd.s32 $0x1, s1;
	v13 =	vimm.s32 $0x3;
	v1 =	vimm.s32 $0x4;
	v2 =	vimm.s32 $0x5  }
0x279: {  	s29 =	sadd.s32 $0x200, s29;
	s30 =	sadd.s32 $0x200, s30;
	v3 =	vimm.s32 $0x6;
	v4 =	vimm.s32 $0x7;
	v5 =	vimm.s32 $0x8;
	s15 =	sshrl.u32 s15, $0x3  }
0x27a: {  	s31 =	sadd.s32 $0x200, s31;
	s0 =	sadd.s32 $0x200, s0;
	v6 =	vimm.s32 $0x9;
	v7 =	vimm.s32 $0xA;
	v8 =	vimm.s32 $0xB;
	s15 =	sadd.s32 s3, s15  }
0x27b: {  	v9 =	vimm.s32 $0xC;
	v10 =	vimm.s32 $0xD;
	v11 =	vimm.s32 $0xE;
	[tilespmem:s19], [sflag:$0x4] =	stream.linear.gather [hbm4b:s15+s2], $0x4000, $0x38;
	[tilespmem:$0x14080] =	vst v63  }
.LBB2_13:
0x27c: {  	_ =	sfence.sel $0x180000  }
0x27d: {  	[bflag:$0x0] =	sbarrier.arrive $0xFFFF  }
0x27e: {  	_ =	strace $0x90000047  }
0x27f: {  	s0 =	stileid.u32;
	[bflag:$0x2] =	sbarrier.arrive $0xFFFF  }
0x280: {  	p0 =	sne.s32 s0, $0x0;
	s0 =	rddreg [dreg:$0x2]  }
0x281: {  	s0 =	sadd.s32 @!p0 $0x100000, s0  }
0x282: {  	[sflag:s0] =	ssyncadd.tile.s32 @!p0 $0x1;
	_ =	shalt  }
.Lfunc_end2:
_tile_overlayer_lowered:
.L_overlay_start_2:
0x283: {  	(tag) =	ssettag $0x2  }
0x284: {  	s0 =	rddreg [dreg:$0x0];
	s2 =	stileid.u32  }
0x285: {  	s1 =	rddreg [dreg:$0x1];
	p0 =	sne.s32 s2, $0x0  }
0x286: {  	s3 =	rddreg [dreg:$0x2];
	[bflag:$0x3] =	sbarrier.arrive $0xFFFF;
	s2 =	simm.s32 @!p0 $0x1C06  }
0x287: {  	[timem:s3], [sflag:s2] =	dma.local @!p0 [hbm:s0], s1  }
0x288: {  	s0 =	simm.s32 @!p0 $0x6  }
0x289: {  	_ =	swait.ge @!p0 [sflag:s0], s1  }
0x28a: {  	s1 =	ssub.s32 @!p0 $0x0, s1;
	[sflag:s0] =	ssyncset.done @!p0 $0x0  }
0x28b: {  	[sflag:s0] =	ssyncadd.s32 @!p0 s1  }
0x28c: {  	[bflag:$0x3] =	sbarrier.arrive $0xFFFF  }
0x28d: {  	_ =	shalt  }

</sc_bundles>
